<compile_context>
chip_gen: v7x
topology: tpu7x:2x2x1
jax: 0.10.2.dev20260603
libtpu: 0.0.44.dev20260713+nightly
codegen_flags: <defaults>
</compile_context>

<pallas_src>
import functools

import jax
import jax.numpy as jnp
from jax import lax
from jax.experimental import pallas as pl
from jax.experimental.pallas import tpu as pltpu
from jax.experimental.pallas import tpu_sc as plsc

PRE = 3000
NCLS = 8
SLOTS = 3008
NCHUNK = SLOTS // 16
POST = 1000
THRESH = 0.5
OUT_ROWS = 2080
PER_W2 = 752
BIG = SLOTS

_mesh = plsc.VectorSubcoreMesh(core_axis_name="c", subcore_axis_name="s")
_cparams = pltpu.CompilerParams(needs_layout_passes=False,
                                use_tc_tiling_on_sc=False)


def _wid():
    return lax.axis_index("s") * 2 + lax.axis_index("c")


@functools.partial(
    pl.kernel,
    mesh=_mesh,
    out_type=[
        jax.ShapeDtypeStruct((NCLS, SLOTS, 16), jnp.float32),
        jax.ShapeDtypeStruct((NCLS * SLOTS,), jnp.float32),
        jax.ShapeDtypeStruct((NCLS * 16,), jnp.int32),
    ],
    scratch_types=[
        pltpu.VMEM((PRE * 6,), jnp.float32),
        pltpu.VMEM((SLOTS, 16), jnp.float32),
        pltpu.VMEM((SLOTS,), jnp.float32),
        pltpu.VMEM((16,), jnp.int32),
        pltpu.VMEM((SLOTS,), jnp.int32),
        pltpu.SMEM((2,), jnp.int32),
    ],
    compiler_params=_cparams,
)
def _wbf_cluster(x_hbm, rows_hbm, keys_hbm, counts_hbm, x_v, state_v,
                 keys_v, m_v, act_v, m_smem):
    wid = _wid()

    @pl.when(wid < NCLS)
    def _():
        c = wid
        cf = c.astype(jnp.float32)
        pltpu.sync_copy(x_hbm, x_v)
        m_smem[0] = jnp.int32(0)
        m_smem[1] = jnp.int32(0)
        iota = lax.iota(jnp.int32, 16)
        lanes = iota
        zeros16i = jnp.zeros((16,), jnp.int32)

        def compact(t, carry):
            rows16 = t * 16 + iota
            lblv = plsc.load_gather(
                x_v, [jnp.minimum(rows16 * 6 + 5, PRE * 6 - 1)])
            msk = (lblv == cf) & (rows16 < PRE)
            cur = m_smem[1]
            pos = cur + plsc.cumsum(msk.astype(jnp.int32)) - 1
            plsc.store_scatter(act_v, [pos], rows16, mask=msk)
            m_smem[1] = cur + jnp.max(
                plsc.all_reduce_population_count(msk))
            return carry

        lax.fori_loop(0, NCHUNK, compact, 0)

        def step(i, carry):
            j = plsc.load_gather(act_v, [jnp.full((16,), i)])[0]
            base = j * 6
            xrow = plsc.load_gather(x_v, [base + jnp.minimum(iota, 5)])

            if True:
                bx1 = xrow[0]
                by1 = xrow[1]
                bx2 = xrow[2]
                by2 = xrow[3]
                sc = xrow[4]
                barea = (bx2 - bx1) * (by2 - by1)
                m = m_smem[0]
                nch = (m + 15) // 16
                vbx1 = jnp.full((16,), bx1)
                vby1 = jnp.full((16,), by1)
                vbx2 = jnp.full((16,), bx2)
                vby2 = jnp.full((16,), by2)
                vba = jnp.full((16,), barea)
                vthr = jnp.float32(THRESH)

                def chunk(t, minvec):
                    ridx = t * 16 + iota
                    mx1 = plsc.load_gather(state_v, [ridx, zeros16i])
                    my1 = plsc.load_gather(state_v, [ridx, zeros16i + 1])
                    mx2 = plsc.load_gather(state_v, [ridx, zeros16i + 2])
                    my2 = plsc.load_gather(state_v, [ridx, zeros16i + 3])
                    ltx = jnp.maximum(mx1, vbx1)
                    lty = jnp.maximum(my1, vby1)
                    rbx = jnp.minimum(mx2, vbx2)
                    rby = jnp.minimum(my2, vby2)
                    iw = jnp.maximum(rbx - ltx, 0.0)
                    ih = jnp.maximum(rby - lty, 0.0)
                    inter = iw * ih
                    mab = (mx2 - mx1) * (my2 - my1)
                    union = vba + mab - inter
                    hits = (inter > vthr * union) & (ridx < m)
                    return jnp.minimum(minvec, jnp.where(hits, ridx, BIG))

                minvec = lax.fori_loop(0, nch, chunk, jnp.full((16,), BIG))
                hitpos = jnp.min(minvec)
                hit = hitpos < m
                idx = jnp.where(hit, hitpos, m)

                oldrow = state_v[idx, :]
                w1 = oldrow[6] + sc * bx1
                w2 = oldrow[7] + sc * by1
                w3 = oldrow[8] + sc * bx2
                w4 = oldrow[9] + sc * by2
                sn = oldrow[10] + sc
                cn = oldrow[11] + 1.0
                numer = jnp.where(
                    lanes == 0, w1,
                    jnp.where(lanes == 1, w2,
                              jnp.where(lanes == 2, w3,
                                        jnp.where(lanes == 3, w4, sn))))
                denom = jnp.where(lanes < 4, sn,
                                  jnp.where(lanes == 4, cn, 1.0))
                q = numer / denom
                hitrow = jnp.where(
                    lanes <= 4, q,
                    jnp.where(lanes == 5, cf,
                              jnp.where(lanes == 6, w1,
                                        jnp.where(lanes == 7, w2,
                                                  jnp.where(lanes == 8, w3,
                                                            jnp.where(lanes == 9, w4,
                                                                      jnp.where(lanes == 10, sn, cn)))))))
                crow = jnp.where(
                    lanes == 0, bx1,
                    jnp.where(lanes == 1, by1,
                              jnp.where(lanes == 2, bx2,
                                        jnp.where(lanes == 3, by2,
                                                  jnp.where(lanes == 4, sc,
                                                            jnp.where(lanes == 5, cf,
                                                                      jnp.where(lanes == 6, sc * bx1,
                                                                                jnp.where(lanes == 7, sc * by1,
                                                                                          jnp.where(lanes == 8, sc * bx2,
                                                                                                    jnp.where(lanes == 9, sc * by2,
                                                                                                              jnp.where(lanes == 10, sc, 1.0)))))))))))
                state_v[idx, :] = jnp.where(hit, hitrow, crow)
                m_smem[0] = jnp.where(hit, m, m + 1)

            return carry

        lax.fori_loop(0, m_smem[1], step, 0)

        m = m_smem[0]

        def key_chunk(t, carry):
            ridx = t * 16 + iota
            scores = plsc.load_gather(state_v, [ridx, zeros16i + 4])
            keys_v[pl.ds(t * 16, 16)] = jnp.where(ridx < m, scores, -1.0)
            return carry

        lax.fori_loop(0, NCHUNK, key_chunk, 0)

        m_v[...] = jnp.full((16,), m, jnp.int32)
        pltpu.sync_copy(state_v, rows_hbm.at[c])
        pltpu.sync_copy(keys_v, keys_hbm.at[pl.ds(c * SLOTS, SLOTS)])
        pltpu.sync_copy(m_v, counts_hbm.at[pl.ds(c * 16, 16)])


@functools.partial(
    pl.kernel,
    mesh=_mesh,
    out_type=jax.ShapeDtypeStruct((OUT_ROWS, 16), jnp.float32),
    scratch_types=[
        pltpu.VMEM((NCLS * SLOTS,), jnp.float32),
        pltpu.VMEM((NCLS * 16,), jnp.int32),
        pltpu.VMEM((PER_W2 + 16, 16), jnp.float32),
        pltpu.VMEM((6, 128), jnp.int32),
        pltpu.VMEM((6, 128), jnp.int32),
        pltpu.VMEM((1024, 16), jnp.float32),
        pltpu.SemaphoreType.DMA,
    ],
    compiler_params=_cparams,
)
def _wbf_topk(rows_hbm, keys_hbm, counts_hbm, out_hbm, keys_v, counts_v,
              rows_v, idx_v, gidx_v, zbuf, sem):
    wid = _wid()
    c = wid // 4
    qt = wid % 4
    iota = lax.iota(jnp.int32, 16)
    pltpu.sync_copy(keys_hbm, keys_v)
    pltpu.sync_copy(counts_hbm, counts_v)
    for t in range(PER_W2 // 16):
        vals = (qt + 4 * t) * 16 + iota
        gidx_v[t // 8, pl.ds((t % 8) * 16, 16)] = vals
    gidx_v[5, pl.ds(112, 16)] = jnp.zeros((16,), jnp.int32)
    gcopies = []
    for j in range(6):
        gcopies.append(
            pltpu.async_copy(rows_hbm.at[c].at[gidx_v.at[j]],
                             rows_v.at[pl.ds(j * 128, 128)], sem))
    for cp in gcopies:
        cp.wait()
    lanes = iota
    dummy = jnp.int32(1000) + wid

    def _count_greater(thr):
        thrv = jnp.full((16,), thr)

        def cg_cls(cc, acc):
            mcc = counts_v[pl.ds(cc * 16, 16)][0]
            nch = (mcc + 15) // 16
            base = cc * SLOTS



            def cg_ch(t, acc):
                v = keys_v[pl.ds(base + t * 16, 16)]
                msk = (v > thrv) & ((t * 16 + iota) < mcc)
                return acc + plsc.all_reduce_population_count(msk)

            return lax.fori_loop(0, nch, cg_ch, acc)

        acc = lax.fori_loop(0, NCLS, cg_cls, jnp.zeros((16,), jnp.int32))
        return jnp.max(acc)

    def bis(it, lohi):
        lo, hi = lohi
        mid = 0.5 * (lo + hi)
        sel = _count_greater(mid) >= POST
        return (jnp.where(sel, mid, lo), jnp.where(sel, hi, mid))

    lo_thr, _ = lax.fori_loop(0, 18, bis,
                              (jnp.float32(-1.0), jnp.float32(1.0)))

    def _rank(key, g):
        keyv = jnp.full((16,), key)
        gv = jnp.full((16,), g)

        def cls_loop(cc, acc):
            mcc = counts_v[pl.ds(cc * 16, 16)][0]
            nch = (mcc + 15) // 16
            base = cc * SLOTS

            def ch(t, acc):
                v = keys_v[pl.ds(base + t * 16, 16)]
                lidx = base + t * 16 + iota
                lvalid = (t * 16 + iota) < mcc
                msk = ((v > keyv) | ((v == keyv) & (lidx < gv))) & lvalid
                return acc + plsc.all_reduce_population_count(msk)

            return lax.fori_loop(0, nch, ch, acc)

        acc = lax.fori_loop(0, NCLS, cls_loop, jnp.zeros((16,), jnp.int32))
        rank = jnp.max(acc)
        return jnp.where(rank < POST, rank, dummy)

    def group(t, carry):
        base_slot = c * SLOTS + (qt + 4 * t) * 16
        kv = keys_v[pl.ds(base_slot, 16)]
        has = jnp.any(kv > lo_thr)

        @pl.when(has)
        def _():
            def one(k, dv):
                g = base_slot + k
                key = plsc.load_gather(keys_v, [jnp.full((16,), g)])[0]
                dest = lax.cond(key > lo_thr, lambda: _rank(key, g),
                                lambda: dummy)
                return jnp.where(lanes == k, dest, dv)

            dv = lax.fori_loop(0, 16, one, jnp.full((16,), dummy))
            idx_v[t // 8, pl.ds((t % 8) * 16, 16)] = dv

        @pl.when(~has)
        def _():
            idx_v[t // 8, pl.ds((t % 8) * 16, 16)] = jnp.full((16,), dummy)

        return carry

    lax.fori_loop(0, PER_W2 // 16, group, 0)
    idx_v[5, pl.ds(112, 16)] = jnp.full((16,), dummy)

    copies = []
    for j in range(6):
        copies.append(
            pltpu.async_copy(rows_v.at[pl.ds(j * 128, 128)],
                             out_hbm.at[idx_v.at[j]], sem))
    for cp in copies:
        cp.wait()

    @pl.when(wid == 0)
    def _():
        mtot = jnp.int32(0)
        for cc in range(NCLS):
            mtot = mtot + counts_v[pl.ds(cc * 16, 16)][0]

        @pl.when(mtot < POST)
        def _():
            def zf(t, carry):
                zbuf[t, :] = jnp.zeros((16,), jnp.float32)
                return carry

            lax.fori_loop(0, 1024, zf, 0)
            pltpu.sync_copy(zbuf, out_hbm.at[pl.ds(mtot, 1024)])


def kernel(x):
    x3k = jnp.reshape(x[:PRE].astype(jnp.float32), (-1,))
    rows, keys, counts = _wbf_cluster(x3k)
    out = _wbf_topk(rows, keys, counts)
    return out[:POST, :6]

# --- scband reference (transcript-rebuilt; emitter-appended) ---
"""Pipeline reference for scband-detection-15461882266079 (READ-ONLY COPY).

The authoritative reference and input builder live on the scoring server;
editing this copy changes nothing except your own understanding.
"""

import jax, jax.numpy as jnp
from jax import lax
import numpy as np

PRE_WBF = 3000
IOU_THRESH = 0.5
POST_WBF = 1000
N_BOXES = 20000
N_CLASSES = 8


def setup_inputs(seed: int = 0) -> dict:
    key = jax.random.key(seed)
    k1, k2, k3, k4, k5 = jax.random.split(key, 5)
    cx = jax.random.uniform(k1, (N_BOXES,)) * 4096.0
    cy = jax.random.uniform(k2, (N_BOXES,)) * 4096.0
    wh = jax.random.uniform(k3, (N_BOXES, 2)) * 60.0 + 20.0
    x1 = cx - wh[:, 0] / 2.0
    y1 = cy - wh[:, 1] / 2.0
    x2 = cx + wh[:, 0] / 2.0
    y2 = cy + wh[:, 1] / 2.0
    scores = jax.random.uniform(k4, (N_BOXES,))
    labels = jax.random.randint(k5, (N_BOXES,), 0, N_CLASSES).astype(jnp.float32)
    x = jnp.stack([x1, y1, x2, y2, scores, labels], axis=1).astype(jnp.float32)
    return {"x": x}


def _iou_one_vs_many(box, boxes):
    # torchvision.ops.box_iou semantics for a single box vs M boxes
    lt = jnp.maximum(box[:2], boxes[:, :2])
    rb = jnp.minimum(box[2:4], boxes[:, 2:4])
    wh = jnp.clip(rb - lt, 0.0)
    inter = wh[:, 0] * wh[:, 1]
    area_a = (box[2] - box[0]) * (box[3] - box[1])
    area_b = (boxes[:, 2] - boxes[:, 0]) * (boxes[:, 3] - boxes[:, 1])
    return inter / (area_a + area_b - inter)


def _wbf_forward(x, pre, thresh, post):
    # Faithful sequential Weighted Boxes Fusion, matching the torch module:
    #   x = x[:pre]; per unique class, greedily cluster boxes by IoU>thresh
    #   against the running weighted-mean merged box (first match wins),
    #   merged box = sum(score*box)/sum(score), merged score = mean(scores),
    #   then sort all merged rows by score desc and keep top `post`.
    x = x[:pre].astype(jnp.float32)
    n = x.shape[0]
    slot_ids = jnp.arange(n)

    def per_class(c):
        mask = x[:, 5] == jnp.float32(c)

        def body(j, st):
            wsum, ssum, cnt, mboxes, mscores, m = st
            box = x[j, :4]
            sc = x[j, 4]
            active = mask[j]
            ious = _iou_one_vs_many(box, mboxes)
            hits = (ious > thresh) & (slot_ids < m)
            any_hit = jnp.any(hits)
            found = jnp.argmax(hits)
            idx = jnp.where(any_hit, found, m)
            prev_w = jnp.where(any_hit, wsum[idx], 0.0)
            prev_s = jnp.where(any_hit, ssum[idx], 0.0)
            prev_c = jnp.where(any_hit, cnt[idx], 0.0)
            new_w = prev_w + sc * box
            new_s = prev_s + sc
            new_c = prev_c + 1.0
            new_box = jnp.where(any_hit, new_w / new_s, box)
            new_score = jnp.where(any_hit, new_s / new_c, sc)
            wsum = jnp.where(active, wsum.at[idx].set(new_w), wsum)
            ssum = jnp.where(active, ssum.at[idx].set(new_s), ssum)
            cnt = jnp.where(active, cnt.at[idx].set(new_c), cnt)
            mboxes = jnp.where(active, mboxes.at[idx].set(new_box), mboxes)
            mscores = jnp.where(active, mscores.at[idx].set(new_score), mscores)
            m = jnp.where(active & ~any_hit, m + 1, m)
            return wsum, ssum, cnt, mboxes, mscores, m

        init = (
            jnp.zeros((n, 4), jnp.float32),
            jnp.zeros((n,), jnp.float32),
            jnp.zeros((n,), jnp.float32),
            jnp.zeros((n, 4), jnp.float32),
            jnp.zeros((n,), jnp.float32),
            jnp.int32(0),
        )
        _, _, _, mboxes, mscores, m = lax.fori_loop(0, n, body, init)
        rows = jnp.column_stack([
            mboxes,
            mscores[:, None],
            jnp.full((n, 1), jnp.float32(c), dtype=jnp.float32),
        ])
        return rows, mscores, slot_ids < m

    all_rows, all_scores, all_valid = [], [], []
    for c in range(N_CLASSES):
        rows, mscores, valid = per_class(c)
        all_rows.append(rows)
        all_scores.append(mscores)
        all_valid.append(valid)
    merged = jnp.concatenate(all_rows, axis=0)
    scores = jnp.concatenate(all_scores, axis=0)
    valid = jnp.concatenate(all_valid, axis=0)
    key = jnp.where(valid, scores, -jnp.inf)
    order = jnp.argsort(-key)
    out = merged[order[:post]]
    return out.astype(jnp.float32)


def reference(x):
    return _wbf_forward(x, PRE_WBF, IOU_THRESH, POST_WBF)

if __name__ == "__main__":
    import jax
    _d = setup_inputs()
    print(jax.jit(kernel)(*tuple(_d.values())))

</pallas_src>

<mosaic_0001>
#map = affine_map<(d0, d1) -> (0)>
#map1 = affine_map<(d0, d1) -> (0, 0, 0)>
module attributes {stable_mosaic.version = 14 : i64} {
  func.func @_wbf_cluster(%arg0: i32, %arg1: i32, %arg2: memref<18000xf32, #tpu.memory_space<hbm>>, %arg3: memref<8x3008x16xf32, #tpu.memory_space<hbm>>, %arg4: memref<24064xf32, #tpu.memory_space<hbm>>, %arg5: memref<128xi32, #tpu.memory_space<hbm>>, %arg6: memref<18000xf32, #tpu.memory_space<vmem>>, %arg7: memref<3008x16xf32, #tpu.memory_space<vmem>>, %arg8: memref<3008xf32, #tpu.memory_space<vmem>>, %arg9: memref<16xi32, #tpu.memory_space<vmem>>, %arg10: memref<3008xi32, #tpu.memory_space<vmem>>, %arg11: memref<2xi32, #tpu.memory_space<smem>>) attributes {dimension_semantics = [#tpu.dimension_semantics<core_parallel>, #tpu.dimension_semantics<subcore_parallel>], iteration_bounds = array<i64: 2, 16>, scalar_prefetch = 0 : i64, scratch_operands = 6 : i64, tpu.core_type = #tpu.core_type<sc_vector_subcore>, window_params = [{transform_indices = #map}, {transform_indices = #map1}, {transform_indices = #map}, {transform_indices = #map}]} {
    %mul3A = arith.constant 2 : i32
    %mul3A_0 = arith.muli %arg1, %mul3A : i32
    %add3A = arith.addi %mul3A_0, %arg0 : i32
    %lt3A = arith.constant 8 : i32
    %lt3A_1 = arith.cmpi slt, %add3A, %lt3A : i32
    %convert_element_type3A = arith.extui %lt3A_1 : i1 to i32
    %cond3A = arith.constant 0 : i32
    %cond3A_2 = arith.cmpi ne, %convert_element_type3A, %cond3A : i32
    scf.if %cond3A_2 {
      %convert_element_type3A_3 = arith.sitofp %add3A : i32 to f32
      "tpu.region"() ({
        %run_scoped3A = tpu.sem_alloc : memref<!tpu.dma_semaphore, #tpu.memory_space<semaphore_mem>>
        tpu.enqueue_dma source(%arg2 : memref<18000xf32, #tpu.memory_space<hbm>>) target(%arg6 : memref<18000xf32, #tpu.memory_space<vmem>>) target_semaphore(%run_scoped3A : memref<!tpu.dma_semaphore, #tpu.memory_space<semaphore_mem>>)
        tpu.wait_dma2 semaphore(%run_scoped3A : memref<!tpu.dma_semaphore, #tpu.memory_space<semaphore_mem>>) src(%arg2 : memref<18000xf32, #tpu.memory_space<hbm>>) dst(%arg6 : memref<18000xf32, #tpu.memory_space<vmem>>)
        tpu.yield
      }) : () -> ()
      %swap3A = arith.constant 0 : i32
      %swap3A_4 = arith.constant 0 : i32
      %swap3A_5 = arith.index_cast %swap3A_4 : i32 to index
      %swap3A_6 = memref.load %arg11[%swap3A_5] : memref<2xi32, #tpu.memory_space<smem>>
      memref.store %swap3A, %arg11[%swap3A_5] : memref<2xi32, #tpu.memory_space<smem>>
      %swap3A_7 = arith.constant 0 : i32
      %swap3A_8 = arith.constant 1 : i32
      %swap3A_9 = arith.index_cast %swap3A_8 : i32 to index
      %swap3A_10 = memref.load %arg11[%swap3A_9] : memref<2xi32, #tpu.memory_space<smem>>
      memref.store %swap3A_7, %arg11[%swap3A_9] : memref<2xi32, #tpu.memory_space<smem>>
      %iota3A = tpu.iota {dimensions = array<i32: 0>} : vector<16xi32>
      %broadcast_in_dim3A = arith.constant 0 : i32
      %broadcast_in_dim3A_11 = vector.broadcast %broadcast_in_dim3A : i32 to vector<16xi32>
      %scan3A = arith.constant 0 : i32
      %scan3A_12 = arith.constant 0 : i32
      %scan3A_13 = arith.constant 188 : i32
      %scan3A_14 = arith.addi %scan3A_12, %scan3A_13 : i32
      %scan3A_15 = arith.constant 1 : i32
      scf.for %scan3A_44 = %scan3A_12 to %scan3A_14 step %scan3A_15  : i32 {
        %mul3A_45 = arith.constant 16 : i32
        %mul3A_46 = arith.muli %scan3A_44, %mul3A_45 : i32
        %add3A_47 = vector.broadcast %mul3A_46 : i32 to vector<16xi32>
        %add3A_48 = arith.addi %add3A_47, %iota3A : vector<16xi32>
        %mul3A_49 = arith.constant 6 : i32
        %mul3A_50 = vector.broadcast %mul3A_49 : i32 to vector<16xi32>
        %mul3A_51 = arith.muli %add3A_48, %mul3A_50 : vector<16xi32>
        %add3A_52 = arith.constant 5 : i32
        %add3A_53 = vector.broadcast %add3A_52 : i32 to vector<16xi32>
        %add3A_54 = arith.addi %mul3A_51, %add3A_53 : vector<16xi32>
        %min3A = arith.constant 17999 : i32
        %min3A_55 = vector.broadcast %min3A : i32 to vector<16xi32>
        %min3A_56 = arith.minsi %add3A_54, %min3A_55 : vector<16xi32>
        %gather3A = tpu.vector_load_idx %arg6[%min3A_56] : memref<18000xf32, #tpu.memory_space<vmem>>[vector<16xi32>], vector<16xf32>,
        %eq3A = vector.broadcast %convert_element_type3A_3 : f32 to vector<16xf32>
        %eq3A_57 = arith.cmpf oeq, %gather3A, %eq3A : vector<16xf32>
        %lt3A_58 = arith.constant 3000 : i32
        %lt3A_59 = vector.broadcast %lt3A_58 : i32 to vector<16xi32>
        %lt3A_60 = arith.cmpi slt, %add3A_48, %lt3A_59 : vector<16xi32>
        %and3A = arith.andi %eq3A_57, %lt3A_60 : vector<16xi1>
        %get3A_61 = arith.constant 1 : i32
        %get3A_62 = arith.index_cast %get3A_61 : i32 to index
        %get3A_63 = memref.load %arg11[%get3A_62] : memref<2xi32, #tpu.memory_space<smem>>
        %convert_element_type3A_64 = arith.extui %and3A : vector<16xi1> to vector<16xi32>
        %broadcast_in_dim3A_65 = arith.constant true
        %broadcast_in_dim3A_66 = vector.broadcast %broadcast_in_dim3A_65 : i1 to vector<16xi1>
        %masked_cumsum3A = tpu.scan <sum>, %convert_element_type3A_64 masked %broadcast_in_dim3A_66 : vector<16xi32>, vector<16xi1> -> vector<16xi32>
        %add3A_67 = vector.broadcast %get3A_63 : i32 to vector<16xi32>
        %add3A_68 = arith.addi %add3A_67, %masked_cumsum3A : vector<16xi32>
        %sub3A = arith.constant 1 : i32
        %sub3A_69 = vector.broadcast %sub3A : i32 to vector<16xi32>
        %sub3A_70 = arith.subi %add3A_68, %sub3A_69 : vector<16xi32>
        tpu.vector_store_idx %arg10[%sub3A_70], %add3A_48 masked %and3A : memref<3008xi32, #tpu.memory_space<vmem>>[vector<16xi32>], vector<16xi32>, vector<16xi1>
        %all_reduce_population_count3A = tpu.all_reduce %and3A {dim = 0 : i64, kind = #tpu.reduction_kind<sum>} : vector<16xi1> -> vector<16xi32>
        %reduce_max3A = arith.constant true
        %reduce_max3A_71 = vector.broadcast %reduce_max3A : i1 to vector<16xi1>
        %reduce_max3A_72 = arith.constant -2147483648 : i32
        %reduce_max3A_73 = vector.broadcast %reduce_max3A_72 : i32 to vector<16xi32>
        %reduce_max3A_74 = arith.xori %all_reduce_population_count3A, %reduce_max3A_73 : vector<16xi32>
        %reduce_max3A_75 = tpu.scan <max>, %reduce_max3A_74 masked %reduce_max3A_71 : vector<16xi32>, vector<16xi1> -> vector<16xi32>
        %reduce_max3A_76 = arith.xori %reduce_max3A_75, %reduce_max3A_73 : vector<16xi32>
        %reduce_max3A_77 = vector.extract %reduce_max3A_76[15] : i32 from vector<16xi32>
        %add3A_78 = arith.addi %get3A_63, %reduce_max3A_77 : i32
        %swap3A_79 = arith.constant 1 : i32
        %swap3A_80 = arith.index_cast %swap3A_79 : i32 to index
        %swap3A_81 = memref.load %arg11[%swap3A_80] : memref<2xi32, #tpu.memory_space<smem>>
        memref.store %add3A_78, %arg11[%swap3A_80] : memref<2xi32, #tpu.memory_space<smem>>
      }
      %scan3A_16 = arith.constant 188 : i32
      %get3A = arith.constant 1 : i32
      %get3A_17 = arith.index_cast %get3A : i32 to index
      %get3A_18 = memref.load %arg11[%get3A_17] : memref<2xi32, #tpu.memory_space<smem>>
      %while3A = arith.constant 0 : i32
      %while3A_19 = arith.constant 0 : i32
      %while3A_20 = arith.subi %get3A_18, %while3A_19 : i32
      %while3A_21 = arith.addi %while3A_19, %while3A_20 : i32
      %while3A_22 = arith.constant 1 : i32
      %while3A_23 = arith.divsi %while3A_20, %while3A_22 : i32
      %while3A_24 = arith.muli %while3A_23, %while3A_22 : i32
      %while3A_25 = arith.addi %while3A_19, %while3A_24 : i32
      %while3A_26 = arith.constant 1 : i32
      scf.for %while3A_44 = %while3A_19 to %while3A_25 step %while3A_26  : i32 {
        %broadcast_in_dim3A_45 = vector.broadcast %while3A_44 : i32 to vector<16xi32>
        %gather3A = tpu.vector_load_idx %arg10[%broadcast_in_dim3A_45] : memref<3008xi32, #tpu.memory_space<vmem>>[vector<16xi32>], vector<16xi32>,
        %slice3A = vector.extract_strided_slice %gather3A {offsets = [0], sizes = [1], strides = [1]} : vector<16xi32> to vector<1xi32>
        %squeeze3A = vector.extract %slice3A[0] : i32 from vector<1xi32>
        %mul3A_46 = arith.constant 6 : i32
        %mul3A_47 = arith.muli %squeeze3A, %mul3A_46 : i32
        %min3A = arith.constant 5 : i32
        %min3A_48 = vector.broadcast %min3A : i32 to vector<16xi32>
        %min3A_49 = arith.minsi %iota3A, %min3A_48 : vector<16xi32>
        %add3A_50 = vector.broadcast %mul3A_47 : i32 to vector<16xi32>
        %add3A_51 = arith.addi %add3A_50, %min3A_49 : vector<16xi32>
        %gather3A_52 = tpu.vector_load_idx %arg6[%add3A_51] : memref<18000xf32, #tpu.memory_space<vmem>>[vector<16xi32>], vector<16xf32>,
        %slice3A_53 = vector.extract_strided_slice %gather3A_52 {offsets = [0], sizes = [1], strides = [1]} : vector<16xf32> to vector<1xf32>
        %squeeze3A_54 = vector.extract %slice3A_53[0] : f32 from vector<1xf32>
        %slice3A_55 = vector.extract_strided_slice %gather3A_52 {offsets = [1], sizes = [1], strides = [1]} : vector<16xf32> to vector<1xf32>
        %squeeze3A_56 = vector.extract %slice3A_55[0] : f32 from vector<1xf32>
        %slice3A_57 = vector.extract_strided_slice %gather3A_52 {offsets = [2], sizes = [1], strides = [1]} : vector<16xf32> to vector<1xf32>
        %squeeze3A_58 = vector.extract %slice3A_57[0] : f32 from vector<1xf32>
        %slice3A_59 = vector.extract_strided_slice %gather3A_52 {offsets = [3], sizes = [1], strides = [1]} : vector<16xf32> to vector<1xf32>
        %squeeze3A_60 = vector.extract %slice3A_59[0] : f32 from vector<1xf32>
        %slice3A_61 = vector.extract_strided_slice %gather3A_52 {offsets = [4], sizes = [1], strides = [1]} : vector<16xf32> to vector<1xf32>
        %squeeze3A_62 = vector.extract %slice3A_61[0] : f32 from vector<1xf32>
        %sub3A = arith.subf %squeeze3A_58, %squeeze3A_54 : f32
        %sub3A_63 = arith.subf %squeeze3A_60, %squeeze3A_56 : f32
        %mul3A_64 = arith.mulf %sub3A, %sub3A_63 : f32
        %get3A_65 = arith.constant 0 : i32
        %get3A_66 = arith.index_cast %get3A_65 : i32 to index
        %get3A_67 = memref.load %arg11[%get3A_66] : memref<2xi32, #tpu.memory_space<smem>>
        %add3A_68 = arith.constant 15 : i32
        %add3A_69 = arith.addi %get3A_67, %add3A_68 : i32
        %jit3A = arith.constant 16 : i32
        %div3A = arith.divsi %add3A_69, %jit3A : i32
        %sign3A = arith.constant 0 : i32
        %sign3A_70 = arith.cmpi sgt, %add3A_69, %sign3A : i32
        %sign3A_71 = arith.extui %sign3A_70 : i1 to i32
        %sign3A_72 = arith.constant 0 : i32
        %sign3A_73 = arith.cmpi slt, %add3A_69, %sign3A_72 : i32
        %sign3A_74 = arith.extui %sign3A_73 : i1 to i32
        %sign3A_75 = arith.subi %sign3A_71, %sign3A_74 : i32
        %sign3A_76 = arith.constant 0 : i32
        %sign3A_77 = arith.cmpi sgt, %jit3A, %sign3A_76 : i32
        %sign3A_78 = arith.extui %sign3A_77 : i1 to i32
        %sign3A_79 = arith.constant 0 : i32
        %sign3A_80 = arith.cmpi slt, %jit3A, %sign3A_79 : i32
        %sign3A_81 = arith.extui %sign3A_80 : i1 to i32
        %sign3A_82 = arith.subi %sign3A_78, %sign3A_81 : i32
        %ne3A = arith.cmpi ne, %sign3A_75, %sign3A_82 : i32
        %rem3A = arith.remsi %add3A_69, %jit3A : i32
        %ne3A_83 = arith.constant 0 : i32
        %ne3A_84 = arith.cmpi ne, %rem3A, %ne3A_83 : i32
        %and3A = arith.andi %ne3A, %ne3A_84 : i1
        %sub3A_85 = arith.constant 1 : i32
        %sub3A_86 = arith.subi %div3A, %sub3A_85 : i32
        %select_n3A = arith.select %and3A, %sub3A_86, %div3A : i32
        %broadcast_in_dim3A_87 = vector.broadcast %squeeze3A_54 : f32 to vector<16xf32>
        %broadcast_in_dim3A_88 = vector.broadcast %squeeze3A_56 : f32 to vector<16xf32>
        %broadcast_in_dim3A_89 = vector.broadcast %squeeze3A_58 : f32 to vector<16xf32>
        %broadcast_in_dim3A_90 = vector.broadcast %squeeze3A_60 : f32 to vector<16xf32>
        %broadcast_in_dim3A_91 = vector.broadcast %mul3A_64 : f32 to vector<16xf32>
        %broadcast_in_dim3A_92 = arith.constant 3008 : i32
        %broadcast_in_dim3A_93 = vector.broadcast %broadcast_in_dim3A_92 : i32 to vector<16xi32>
        %while3A_94 = arith.constant 5.000000e-01 : f32
        %while3A_95 = arith.constant 0 : i32
        %while3A_96 = arith.subi %select_n3A, %while3A_95 : i32
        %while3A_97 = arith.addi %while3A_95, %while3A_96 : i32
        %while3A_98 = arith.constant 1 : i32
        %while3A_99 = arith.divsi %while3A_96, %while3A_98 : i32
        %while3A_100 = arith.muli %while3A_99, %while3A_98 : i32
        %while3A_101 = arith.addi %while3A_95, %while3A_100 : i32
        %while3A_102 = arith.constant 1 : i32
        %while3A_103 = scf.for %while3A_279 = %while3A_95 to %while3A_101 step %while3A_102 iter_args(%while3A_280 = %broadcast_in_dim3A_93) -> (vector<16xi32>)  : i32 {
          %mul3A_281 = arith.constant 16 : i32
          %mul3A_282 = arith.muli %while3A_279, %mul3A_281 : i32
          %add3A_283 = vector.broadcast %mul3A_282 : i32 to vector<16xi32>
          %add3A_284 = arith.addi %add3A_283, %iota3A : vector<16xi32>
          %gather3A_285 = tpu.vector_load_idx %arg7[%add3A_284, %broadcast_in_dim3A_11] : memref<3008x16xf32, #tpu.memory_space<vmem>>[vector<16xi32>, vector<16xi32>], vector<16xf32>,
          %add3A_286 = arith.constant 1 : i32
          %add3A_287 = vector.broadcast %add3A_286 : i32 to vector<16xi32>
          %add3A_288 = arith.addi %broadcast_in_dim3A_11, %add3A_287 : vector<16xi32>
          %gather3A_289 = tpu.vector_load_idx %arg7[%add3A_284, %add3A_288] : memref<3008x16xf32, #tpu.memory_space<vmem>>[vector<16xi32>, vector<16xi32>], vector<16xf32>,
          %add3A_290 = arith.constant 2 : i32
          %add3A_291 = vector.broadcast %add3A_290 : i32 to vector<16xi32>
          %add3A_292 = arith.addi %broadcast_in_dim3A_11, %add3A_291 : vector<16xi32>
          %gather3A_293 = tpu.vector_load_idx %arg7[%add3A_284, %add3A_292] : memref<3008x16xf32, #tpu.memory_space<vmem>>[vector<16xi32>, vector<16xi32>], vector<16xf32>,
          %add3A_294 = arith.constant 3 : i32
          %add3A_295 = vector.broadcast %add3A_294 : i32 to vector<16xi32>
          %add3A_296 = arith.addi %broadcast_in_dim3A_11, %add3A_295 : vector<16xi32>
          %gather3A_297 = tpu.vector_load_idx %arg7[%add3A_284, %add3A_296] : memref<3008x16xf32, #tpu.memory_space<vmem>>[vector<16xi32>, vector<16xi32>], vector<16xf32>,
          %max3A = arith.maximumf %gather3A_285, %broadcast_in_dim3A_87 : vector<16xf32>
          %max3A_298 = arith.maximumf %gather3A_289, %broadcast_in_dim3A_88 : vector<16xf32>
          %min3A_299 = arith.minimumf %gather3A_293, %broadcast_in_dim3A_89 : vector<16xf32>
          %min3A_300 = arith.minimumf %gather3A_297, %broadcast_in_dim3A_90 : vector<16xf32>
          %sub3A_301 = arith.subf %min3A_299, %max3A : vector<16xf32>
          %max3A_302 = arith.constant 0.000000e+00 : f32
          %max3A_303 = vector.broadcast %max3A_302 : f32 to vector<16xf32>
          %max3A_304 = arith.maximumf %sub3A_301, %max3A_303 : vector<16xf32>
          %sub3A_305 = arith.subf %min3A_300, %max3A_298 : vector<16xf32>
          %max3A_306 = arith.constant 0.000000e+00 : f32
          %max3A_307 = vector.broadcast %max3A_306 : f32 to vector<16xf32>
          %max3A_308 = arith.maximumf %sub3A_305, %max3A_307 : vector<16xf32>
          %mul3A_309 = arith.mulf %max3A_304, %max3A_308 : vector<16xf32>
          %sub3A_310 = arith.subf %gather3A_293, %gather3A_285 : vector<16xf32>
          %sub3A_311 = arith.subf %gather3A_297, %gather3A_289 : vector<16xf32>
          %mul3A_312 = arith.mulf %sub3A_310, %sub3A_311 : vector<16xf32>
          %add3A_313 = arith.addf %broadcast_in_dim3A_91, %mul3A_312 : vector<16xf32>
          %sub3A_314 = arith.subf %add3A_313, %mul3A_309 : vector<16xf32>
          %mul3A_315 = vector.broadcast %while3A_94 : f32 to vector<16xf32>
          %mul3A_316 = arith.mulf %mul3A_315, %sub3A_314 : vector<16xf32>
          %gt3A = arith.cmpf ogt, %mul3A_309, %mul3A_316 : vector<16xf32>
          %lt3A_317 = vector.broadcast %get3A_67 : i32 to vector<16xi32>
          %lt3A_318 = arith.cmpi slt, %add3A_284, %lt3A_317 : vector<16xi32>
          %and3A_319 = arith.andi %gt3A, %lt3A_318 : vector<16xi1>
          %jit3A_320 = arith.constant 3008 : i32
          %broadcast_in_dim3A_321 = vector.broadcast %jit3A_320 : i32 to vector<16xi32>
          %select_n3A_322 = arith.select %and3A_319, %add3A_284, %broadcast_in_dim3A_321 : vector<16xi1>, vector<16xi32>
          %min3A_323 = arith.minsi %while3A_280, %select_n3A_322 : vector<16xi32>
          scf.yield %min3A_323 : vector<16xi32>
        }
        %while3A_104 = arith.constant 1 : i32
        %while3A_105 = scf.for %while3A_279 = %while3A_101 to %while3A_97 step %while3A_104 iter_args(%while3A_280 = %while3A_103) -> (vector<16xi32>)  : i32 {
          %mul3A_281 = arith.constant 16 : i32
          %mul3A_282 = arith.muli %while3A_279, %mul3A_281 : i32
          %add3A_283 = vector.broadcast %mul3A_282 : i32 to vector<16xi32>
          %add3A_284 = arith.addi %add3A_283, %iota3A : vector<16xi32>
          %gather3A_285 = tpu.vector_load_idx %arg7[%add3A_284, %broadcast_in_dim3A_11] : memref<3008x16xf32, #tpu.memory_space<vmem>>[vector<16xi32>, vector<16xi32>], vector<16xf32>,
          %add3A_286 = arith.constant 1 : i32
          %add3A_287 = vector.broadcast %add3A_286 : i32 to vector<16xi32>
          %add3A_288 = arith.addi %broadcast_in_dim3A_11, %add3A_287 : vector<16xi32>
          %gather3A_289 = tpu.vector_load_idx %arg7[%add3A_284, %add3A_288] : memref<3008x16xf32, #tpu.memory_space<vmem>>[vector<16xi32>, vector<16xi32>], vector<16xf32>,
          %add3A_290 = arith.constant 2 : i32
          %add3A_291 = vector.broadcast %add3A_290 : i32 to vector<16xi32>
          %add3A_292 = arith.addi %broadcast_in_dim3A_11, %add3A_291 : vector<16xi32>
          %gather3A_293 = tpu.vector_load_idx %arg7[%add3A_284, %add3A_292] : memref<3008x16xf32, #tpu.memory_space<vmem>>[vector<16xi32>, vector<16xi32>], vector<16xf32>,
          %add3A_294 = arith.constant 3 : i32
          %add3A_295 = vector.broadcast %add3A_294 : i32 to vector<16xi32>
          %add3A_296 = arith.addi %broadcast_in_dim3A_11, %add3A_295 : vector<16xi32>
          %gather3A_297 = tpu.vector_load_idx %arg7[%add3A_284, %add3A_296] : memref<3008x16xf32, #tpu.memory_space<vmem>>[vector<16xi32>, vector<16xi32>], vector<16xf32>,
          %max3A = arith.maximumf %gather3A_285, %broadcast_in_dim3A_87 : vector<16xf32>
          %max3A_298 = arith.maximumf %gather3A_289, %broadcast_in_dim3A_88 : vector<16xf32>
          %min3A_299 = arith.minimumf %gather3A_293, %broadcast_in_dim3A_89 : vector<16xf32>
          %min3A_300 = arith.minimumf %gather3A_297, %broadcast_in_dim3A_90 : vector<16xf32>
          %sub3A_301 = arith.subf %min3A_299, %max3A : vector<16xf32>
          %max3A_302 = arith.constant 0.000000e+00 : f32
          %max3A_303 = vector.broadcast %max3A_302 : f32 to vector<16xf32>
          %max3A_304 = arith.maximumf %sub3A_301, %max3A_303 : vector<16xf32>
          %sub3A_305 = arith.subf %min3A_300, %max3A_298 : vector<16xf32>
          %max3A_306 = arith.constant 0.000000e+00 : f32
          %max3A_307 = vector.broadcast %max3A_306 : f32 to vector<16xf32>
          %max3A_308 = arith.maximumf %sub3A_305, %max3A_307 : vector<16xf32>
          %mul3A_309 = arith.mulf %max3A_304, %max3A_308 : vector<16xf32>
          %sub3A_310 = arith.subf %gather3A_293, %gather3A_285 : vector<16xf32>
          %sub3A_311 = arith.subf %gather3A_297, %gather3A_289 : vector<16xf32>
          %mul3A_312 = arith.mulf %sub3A_310, %sub3A_311 : vector<16xf32>
          %add3A_313 = arith.addf %broadcast_in_dim3A_91, %mul3A_312 : vector<16xf32>
          %sub3A_314 = arith.subf %add3A_313, %mul3A_309 : vector<16xf32>
          %mul3A_315 = vector.broadcast %while3A_94 : f32 to vector<16xf32>
          %mul3A_316 = arith.mulf %mul3A_315, %sub3A_314 : vector<16xf32>
          %gt3A = arith.cmpf ogt, %mul3A_309, %mul3A_316 : vector<16xf32>
          %lt3A_317 = vector.broadcast %get3A_67 : i32 to vector<16xi32>
          %lt3A_318 = arith.cmpi slt, %add3A_284, %lt3A_317 : vector<16xi32>
          %and3A_319 = arith.andi %gt3A, %lt3A_318 : vector<16xi1>
          %jit3A_320 = arith.constant 3008 : i32
          %broadcast_in_dim3A_321 = vector.broadcast %jit3A_320 : i32 to vector<16xi32>
          %select_n3A_322 = arith.select %and3A_319, %add3A_284, %broadcast_in_dim3A_321 : vector<16xi1>, vector<16xi32>
          %min3A_323 = arith.minsi %while3A_280, %select_n3A_322 : vector<16xi32>
          scf.yield %min3A_323 : vector<16xi32>
        }
        %reduce_min3A = arith.constant true
        %reduce_min3A_106 = vector.broadcast %reduce_min3A : i1 to vector<16xi1>
        %reduce_min3A_107 = arith.constant -2147483648 : i32
        %reduce_min3A_108 = vector.broadcast %reduce_min3A_107 : i32 to vector<16xi32>
        %reduce_min3A_109 = arith.xori %while3A_105, %reduce_min3A_108 : vector<16xi32>
        %reduce_min3A_110 = tpu.scan <min>, %reduce_min3A_109 masked %reduce_min3A_106 : vector<16xi32>, vector<16xi1> -> vector<16xi32>
        %reduce_min3A_111 = arith.xori %reduce_min3A_110, %reduce_min3A_108 : vector<16xi32>
        %reduce_min3A_112 = vector.extract %reduce_min3A_111[15] : i32 from vector<16xi32>
        %lt3A_113 = arith.cmpi slt, %reduce_min3A_112, %get3A_67 : i32
        %select_n3A_114 = arith.select %lt3A_113, %reduce_min3A_112, %get3A_67 : i32
        %get3A_115 = arith.index_cast %select_n3A_114 : i32 to index
        %get3A_116 = arith.constant 0 : index
        %get3A_117 = tpu.vector_load %arg7[%get3A_115, %get3A_116] {strides = array<i32>} : memref<3008x16xf32, #tpu.memory_space<vmem>>, vector<16xf32>,
        %slice3A_118 = vector.extract_strided_slice %get3A_117 {offsets = [6], sizes = [1], strides = [1]} : vector<16xf32> to vector<1xf32>
        %squeeze3A_119 = vector.extract %slice3A_118[0] : f32 from vector<1xf32>
        %mul3A_120 = arith.mulf %squeeze3A_62, %squeeze3A_54 : f32
        %add3A_121 = arith.addf %squeeze3A_119, %mul3A_120 : f32
        %slice3A_122 = vector.extract_strided_slice %get3A_117 {offsets = [7], sizes = [1], strides = [1]} : vector<16xf32> to vector<1xf32>
        %squeeze3A_123 = vector.extract %slice3A_122[0] : f32 from vector<1xf32>
        %mul3A_124 = arith.mulf %squeeze3A_62, %squeeze3A_56 : f32
        %add3A_125 = arith.addf %squeeze3A_123, %mul3A_124 : f32
        %slice3A_126 = vector.extract_strided_slice %get3A_117 {offsets = [8], sizes = [1], strides = [1]} : vector<16xf32> to vector<1xf32>
        %squeeze3A_127 = vector.extract %slice3A_126[0] : f32 from vector<1xf32>
        %mul3A_128 = arith.mulf %squeeze3A_62, %squeeze3A_58 : f32
        %add3A_129 = arith.addf %squeeze3A_127, %mul3A_128 : f32
        %slice3A_130 = vector.extract_strided_slice %get3A_117 {offsets = [9], sizes = [1], strides = [1]} : vector<16xf32> to vector<1xf32>
        %squeeze3A_131 = vector.extract %slice3A_130[0] : f32 from vector<1xf32>
        %mul3A_132 = arith.mulf %squeeze3A_62, %squeeze3A_60 : f32
        %add3A_133 = arith.addf %squeeze3A_131, %mul3A_132 : f32
        %slice3A_134 = vector.extract_strided_slice %get3A_117 {offsets = [10], sizes = [1], strides = [1]} : vector<16xf32> to vector<1xf32>
        %squeeze3A_135 = vector.extract %slice3A_134[0] : f32 from vector<1xf32>
        %add3A_136 = arith.addf %squeeze3A_135, %squeeze3A_62 : f32
        %slice3A_137 = vector.extract_strided_slice %get3A_117 {offsets = [11], sizes = [1], strides = [1]} : vector<16xf32> to vector<1xf32>
        %squeeze3A_138 = vector.extract %slice3A_137[0] : f32 from vector<1xf32>
        %add3A_139 = arith.constant 1.000000e+00 : f32
        %add3A_140 = arith.addf %squeeze3A_138, %add3A_139 : f32
        %eq3A = arith.constant 0 : i32
        %eq3A_141 = vector.broadcast %eq3A : i32 to vector<16xi32>
        %eq3A_142 = arith.cmpi eq, %iota3A, %eq3A_141 : vector<16xi32>
        %eq3A_143 = arith.constant 1 : i32
        %eq3A_144 = vector.broadcast %eq3A_143 : i32 to vector<16xi32>
        %eq3A_145 = arith.cmpi eq, %iota3A, %eq3A_144 : vector<16xi32>
        %eq3A_146 = arith.constant 2 : i32
        %eq3A_147 = vector.broadcast %eq3A_146 : i32 to vector<16xi32>
        %eq3A_148 = arith.cmpi eq, %iota3A, %eq3A_147 : vector<16xi32>
        %eq3A_149 = arith.constant 3 : i32
        %eq3A_150 = vector.broadcast %eq3A_149 : i32 to vector<16xi32>
        %eq3A_151 = arith.cmpi eq, %iota3A, %eq3A_150 : vector<16xi32>
        %broadcast_in_dim3A_152 = vector.broadcast %add3A_133 : f32 to vector<16xf32>
        %broadcast_in_dim3A_153 = vector.broadcast %add3A_136 : f32 to vector<16xf32>
        %select_n3A_154 = arith.select %eq3A_151, %broadcast_in_dim3A_152, %broadcast_in_dim3A_153 : vector<16xi1>, vector<16xf32>
        %broadcast_in_dim3A_155 = vector.broadcast %add3A_129 : f32 to vector<16xf32>
        %select_n3A_156 = arith.select %eq3A_148, %broadcast_in_dim3A_155, %select_n3A_154 : vector<16xi1>, vector<16xf32>
        %broadcast_in_dim3A_157 = vector.broadcast %add3A_125 : f32 to vector<16xf32>
        %select_n3A_158 = arith.select %eq3A_145, %broadcast_in_dim3A_157, %select_n3A_156 : vector<16xi1>, vector<16xf32>
        %broadcast_in_dim3A_159 = vector.broadcast %add3A_121 : f32 to vector<16xf32>
        %select_n3A_160 = arith.select %eq3A_142, %broadcast_in_dim3A_159, %select_n3A_158 : vector<16xi1>, vector<16xf32>
        %lt3A_161 = arith.constant 4 : i32
        %lt3A_162 = vector.broadcast %lt3A_161 : i32 to vector<16xi32>
        %lt3A_163 = arith.cmpi slt, %iota3A, %lt3A_162 : vector<16xi32>
        %eq3A_164 = arith.constant 4 : i32
        %eq3A_165 = vector.broadcast %eq3A_164 : i32 to vector<16xi32>
        %eq3A_166 = arith.cmpi eq, %iota3A, %eq3A_165 : vector<16xi32>
        %jit3A_167 = arith.constant 1.000000e+00 : f32
        %broadcast_in_dim3A_168 = vector.broadcast %add3A_140 : f32 to vector<16xf32>
        %broadcast_in_dim3A_169 = vector.broadcast %jit3A_167 : f32 to vector<16xf32>
        %select_n3A_170 = arith.select %eq3A_166, %broadcast_in_dim3A_168, %broadcast_in_dim3A_169 : vector<16xi1>, vector<16xf32>
        %broadcast_in_dim3A_171 = vector.broadcast %add3A_136 : f32 to vector<16xf32>
        %select_n3A_172 = arith.select %lt3A_163, %broadcast_in_dim3A_171, %select_n3A_170 : vector<16xi1>, vector<16xf32>
        %div3A_173 = arith.divf %select_n3A_160, %select_n3A_172 : vector<16xf32>
        %le3A = arith.constant 4 : i32
        %le3A_174 = vector.broadcast %le3A : i32 to vector<16xi32>
        %le3A_175 = arith.cmpi sle, %iota3A, %le3A_174 : vector<16xi32>
        %eq3A_176 = arith.constant 5 : i32
        %eq3A_177 = vector.broadcast %eq3A_176 : i32 to vector<16xi32>
        %eq3A_178 = arith.cmpi eq, %iota3A, %eq3A_177 : vector<16xi32>
        %eq3A_179 = arith.constant 6 : i32
        %eq3A_180 = vector.broadcast %eq3A_179 : i32 to vector<16xi32>
        %eq3A_181 = arith.cmpi eq, %iota3A, %eq3A_180 : vector<16xi32>
        %eq3A_182 = arith.constant 7 : i32
        %eq3A_183 = vector.broadcast %eq3A_182 : i32 to vector<16xi32>
        %eq3A_184 = arith.cmpi eq, %iota3A, %eq3A_183 : vector<16xi32>
        %eq3A_185 = arith.constant 8 : i32
        %eq3A_186 = vector.broadcast %eq3A_185 : i32 to vector<16xi32>
        %eq3A_187 = arith.cmpi eq, %iota3A, %eq3A_186 : vector<16xi32>
        %eq3A_188 = arith.constant 9 : i32
        %eq3A_189 = vector.broadcast %eq3A_188 : i32 to vector<16xi32>
        %eq3A_190 = arith.cmpi eq, %iota3A, %eq3A_189 : vector<16xi32>
        %eq3A_191 = arith.constant 10 : i32
        %eq3A_192 = vector.broadcast %eq3A_191 : i32 to vector<16xi32>
        %eq3A_193 = arith.cmpi eq, %iota3A, %eq3A_192 : vector<16xi32>
        %broadcast_in_dim3A_194 = vector.broadcast %add3A_136 : f32 to vector<16xf32>
        %broadcast_in_dim3A_195 = vector.broadcast %add3A_140 : f32 to vector<16xf32>
        %select_n3A_196 = arith.select %eq3A_193, %broadcast_in_dim3A_194, %broadcast_in_dim3A_195 : vector<16xi1>, vector<16xf32>
        %broadcast_in_dim3A_197 = vector.broadcast %add3A_133 : f32 to vector<16xf32>
        %select_n3A_198 = arith.select %eq3A_190, %broadcast_in_dim3A_197, %select_n3A_196 : vector<16xi1>, vector<16xf32>
        %broadcast_in_dim3A_199 = vector.broadcast %add3A_129 : f32 to vector<16xf32>
        %select_n3A_200 = arith.select %eq3A_187, %broadcast_in_dim3A_199, %select_n3A_198 : vector<16xi1>, vector<16xf32>
        %broadcast_in_dim3A_201 = vector.broadcast %add3A_125 : f32 to vector<16xf32>
        %select_n3A_202 = arith.select %eq3A_184, %broadcast_in_dim3A_201, %select_n3A_200 : vector<16xi1>, vector<16xf32>
        %broadcast_in_dim3A_203 = vector.broadcast %add3A_121 : f32 to vector<16xf32>
        %select_n3A_204 = arith.select %eq3A_181, %broadcast_in_dim3A_203, %select_n3A_202 : vector<16xi1>, vector<16xf32>
        %broadcast_in_dim3A_205 = vector.broadcast %convert_element_type3A_3 : f32 to vector<16xf32>
        %select_n3A_206 = arith.select %eq3A_178, %broadcast_in_dim3A_205, %select_n3A_204 : vector<16xi1>, vector<16xf32>
        %select_n3A_207 = arith.select %le3A_175, %div3A_173, %select_n3A_206 : vector<16xi1>, vector<16xf32>
        %eq3A_208 = arith.constant 0 : i32
        %eq3A_209 = vector.broadcast %eq3A_208 : i32 to vector<16xi32>
        %eq3A_210 = arith.cmpi eq, %iota3A, %eq3A_209 : vector<16xi32>
        %eq3A_211 = arith.constant 1 : i32
        %eq3A_212 = vector.broadcast %eq3A_211 : i32 to vector<16xi32>
        %eq3A_213 = arith.cmpi eq, %iota3A, %eq3A_212 : vector<16xi32>
        %eq3A_214 = arith.constant 2 : i32
        %eq3A_215 = vector.broadcast %eq3A_214 : i32 to vector<16xi32>
        %eq3A_216 = arith.cmpi eq, %iota3A, %eq3A_215 : vector<16xi32>
        %eq3A_217 = arith.constant 3 : i32
        %eq3A_218 = vector.broadcast %eq3A_217 : i32 to vector<16xi32>
        %eq3A_219 = arith.cmpi eq, %iota3A, %eq3A_218 : vector<16xi32>
        %eq3A_220 = arith.constant 4 : i32
        %eq3A_221 = vector.broadcast %eq3A_220 : i32 to vector<16xi32>
        %eq3A_222 = arith.cmpi eq, %iota3A, %eq3A_221 : vector<16xi32>
        %eq3A_223 = arith.constant 5 : i32
        %eq3A_224 = vector.broadcast %eq3A_223 : i32 to vector<16xi32>
        %eq3A_225 = arith.cmpi eq, %iota3A, %eq3A_224 : vector<16xi32>
        %eq3A_226 = arith.constant 6 : i32
        %eq3A_227 = vector.broadcast %eq3A_226 : i32 to vector<16xi32>
        %eq3A_228 = arith.cmpi eq, %iota3A, %eq3A_227 : vector<16xi32>
        %mul3A_229 = arith.mulf %squeeze3A_62, %squeeze3A_54 : f32
        %eq3A_230 = arith.constant 7 : i32
        %eq3A_231 = vector.broadcast %eq3A_230 : i32 to vector<16xi32>
        %eq3A_232 = arith.cmpi eq, %iota3A, %eq3A_231 : vector<16xi32>
        %mul3A_233 = arith.mulf %squeeze3A_62, %squeeze3A_56 : f32
        %eq3A_234 = arith.constant 8 : i32
        %eq3A_235 = vector.broadcast %eq3A_234 : i32 to vector<16xi32>
        %eq3A_236 = arith.cmpi eq, %iota3A, %eq3A_235 : vector<16xi32>
        %mul3A_237 = arith.mulf %squeeze3A_62, %squeeze3A_58 : f32
        %eq3A_238 = arith.constant 9 : i32
        %eq3A_239 = vector.broadcast %eq3A_238 : i32 to vector<16xi32>
        %eq3A_240 = arith.cmpi eq, %iota3A, %eq3A_239 : vector<16xi32>
        %mul3A_241 = arith.mulf %squeeze3A_62, %squeeze3A_60 : f32
        %eq3A_242 = arith.constant 10 : i32
        %eq3A_243 = vector.broadcast %eq3A_242 : i32 to vector<16xi32>
        %eq3A_244 = arith.cmpi eq, %iota3A, %eq3A_243 : vector<16xi32>
        %jit3A_245 = arith.constant 1.000000e+00 : f32
        %broadcast_in_dim3A_246 = vector.broadcast %squeeze3A_62 : f32 to vector<16xf32>
        %broadcast_in_dim3A_247 = vector.broadcast %jit3A_245 : f32 to vector<16xf32>
        %select_n3A_248 = arith.select %eq3A_244, %broadcast_in_dim3A_246, %broadcast_in_dim3A_247 : vector<16xi1>, vector<16xf32>
        %broadcast_in_dim3A_249 = vector.broadcast %mul3A_241 : f32 to vector<16xf32>
        %select_n3A_250 = arith.select %eq3A_240, %broadcast_in_dim3A_249, %select_n3A_248 : vector<16xi1>, vector<16xf32>
        %broadcast_in_dim3A_251 = vector.broadcast %mul3A_237 : f32 to vector<16xf32>
        %select_n3A_252 = arith.select %eq3A_236, %broadcast_in_dim3A_251, %select_n3A_250 : vector<16xi1>, vector<16xf32>
        %broadcast_in_dim3A_253 = vector.broadcast %mul3A_233 : f32 to vector<16xf32>
        %select_n3A_254 = arith.select %eq3A_232, %broadcast_in_dim3A_253, %select_n3A_252 : vector<16xi1>, vector<16xf32>
        %broadcast_in_dim3A_255 = vector.broadcast %mul3A_229 : f32 to vector<16xf32>
        %select_n3A_256 = arith.select %eq3A_228, %broadcast_in_dim3A_255, %select_n3A_254 : vector<16xi1>, vector<16xf32>
        %broadcast_in_dim3A_257 = vector.broadcast %convert_element_type3A_3 : f32 to vector<16xf32>
        %select_n3A_258 = arith.select %eq3A_225, %broadcast_in_dim3A_257, %select_n3A_256 : vector<16xi1>, vector<16xf32>
        %broadcast_in_dim3A_259 = vector.broadcast %squeeze3A_62 : f32 to vector<16xf32>
        %select_n3A_260 = arith.select %eq3A_222, %broadcast_in_dim3A_259, %select_n3A_258 : vector<16xi1>, vector<16xf32>
        %broadcast_in_dim3A_261 = vector.broadcast %squeeze3A_60 : f32 to vector<16xf32>
        %select_n3A_262 = arith.select %eq3A_219, %broadcast_in_dim3A_261, %select_n3A_260 : vector<16xi1>, vector<16xf32>
        %broadcast_in_dim3A_263 = vector.broadcast %squeeze3A_58 : f32 to vector<16xf32>
        %select_n3A_264 = arith.select %eq3A_216, %broadcast_in_dim3A_263, %select_n3A_262 : vector<16xi1>, vector<16xf32>
        %broadcast_in_dim3A_265 = vector.broadcast %squeeze3A_56 : f32 to vector<16xf32>
        %select_n3A_266 = arith.select %eq3A_213, %broadcast_in_dim3A_265, %select_n3A_264 : vector<16xi1>, vector<16xf32>
        %broadcast_in_dim3A_267 = vector.broadcast %squeeze3A_54 : f32 to vector<16xf32>
        %select_n3A_268 = arith.select %eq3A_210, %broadcast_in_dim3A_267, %select_n3A_266 : vector<16xi1>, vector<16xf32>
        %select_n3A_269 = arith.select %lt3A_113, %select_n3A_207, %select_n3A_268 : vector<16xf32>
        %swap3A_270 = arith.index_cast %select_n3A_114 : i32 to index
        %swap3A_271 = arith.constant 0 : index
        %swap3A_272 = tpu.vector_load %arg7[%swap3A_270, %swap3A_271] {strides = array<i32>} : memref<3008x16xf32, #tpu.memory_space<vmem>>, vector<16xf32>,
        tpu.vector_store %arg7[%swap3A_270, %swap3A_271], %select_n3A_269 {strides = array<i32>} : memref<3008x16xf32, #tpu.memory_space<vmem>>, vector<16xf32>,
        %add3A_273 = arith.constant 1 : i32
        %add3A_274 = arith.addi %get3A_67, %add3A_273 : i32
        %select_n3A_275 = arith.select %lt3A_113, %get3A_67, %add3A_274 : i32
        %swap3A_276 = arith.constant 0 : i32
        %swap3A_277 = arith.index_cast %swap3A_276 : i32 to index
        %swap3A_278 = memref.load %arg11[%swap3A_277] : memref<2xi32, #tpu.memory_space<smem>>
        memref.store %select_n3A_275, %arg11[%swap3A_277] : memref<2xi32, #tpu.memory_space<smem>>
      }
      %while3A_27 = arith.constant 1 : i32
      scf.for %while3A_44 = %while3A_25 to %while3A_21 step %while3A_27  : i32 {
        %broadcast_in_dim3A_45 = vector.broadcast %while3A_44 : i32 to vector<16xi32>
        %gather3A = tpu.vector_load_idx %arg10[%broadcast_in_dim3A_45] : memref<3008xi32, #tpu.memory_space<vmem>>[vector<16xi32>], vector<16xi32>,
        %slice3A = vector.extract_strided_slice %gather3A {offsets = [0], sizes = [1], strides = [1]} : vector<16xi32> to vector<1xi32>
        %squeeze3A = vector.extract %slice3A[0] : i32 from vector<1xi32>
        %mul3A_46 = arith.constant 6 : i32
        %mul3A_47 = arith.muli %squeeze3A, %mul3A_46 : i32
        %min3A = arith.constant 5 : i32
        %min3A_48 = vector.broadcast %min3A : i32 to vector<16xi32>
        %min3A_49 = arith.minsi %iota3A, %min3A_48 : vector<16xi32>
        %add3A_50 = vector.broadcast %mul3A_47 : i32 to vector<16xi32>
        %add3A_51 = arith.addi %add3A_50, %min3A_49 : vector<16xi32>
        %gather3A_52 = tpu.vector_load_idx %arg6[%add3A_51] : memref<18000xf32, #tpu.memory_space<vmem>>[vector<16xi32>], vector<16xf32>,
        %slice3A_53 = vector.extract_strided_slice %gather3A_52 {offsets = [0], sizes = [1], strides = [1]} : vector<16xf32> to vector<1xf32>
        %squeeze3A_54 = vector.extract %slice3A_53[0] : f32 from vector<1xf32>
        %slice3A_55 = vector.extract_strided_slice %gather3A_52 {offsets = [1], sizes = [1], strides = [1]} : vector<16xf32> to vector<1xf32>
        %squeeze3A_56 = vector.extract %slice3A_55[0] : f32 from vector<1xf32>
        %slice3A_57 = vector.extract_strided_slice %gather3A_52 {offsets = [2], sizes = [1], strides = [1]} : vector<16xf32> to vector<1xf32>
        %squeeze3A_58 = vector.extract %slice3A_57[0] : f32 from vector<1xf32>
        %slice3A_59 = vector.extract_strided_slice %gather3A_52 {offsets = [3], sizes = [1], strides = [1]} : vector<16xf32> to vector<1xf32>
        %squeeze3A_60 = vector.extract %slice3A_59[0] : f32 from vector<1xf32>
        %slice3A_61 = vector.extract_strided_slice %gather3A_52 {offsets = [4], sizes = [1], strides = [1]} : vector<16xf32> to vector<1xf32>
        %squeeze3A_62 = vector.extract %slice3A_61[0] : f32 from vector<1xf32>
        %sub3A = arith.subf %squeeze3A_58, %squeeze3A_54 : f32
        %sub3A_63 = arith.subf %squeeze3A_60, %squeeze3A_56 : f32
        %mul3A_64 = arith.mulf %sub3A, %sub3A_63 : f32
        %get3A_65 = arith.constant 0 : i32
        %get3A_66 = arith.index_cast %get3A_65 : i32 to index
        %get3A_67 = memref.load %arg11[%get3A_66] : memref<2xi32, #tpu.memory_space<smem>>
        %add3A_68 = arith.constant 15 : i32
        %add3A_69 = arith.addi %get3A_67, %add3A_68 : i32
        %jit3A = arith.constant 16 : i32
        %div3A = arith.divsi %add3A_69, %jit3A : i32
        %sign3A = arith.constant 0 : i32
        %sign3A_70 = arith.cmpi sgt, %add3A_69, %sign3A : i32
        %sign3A_71 = arith.extui %sign3A_70 : i1 to i32
        %sign3A_72 = arith.constant 0 : i32
        %sign3A_73 = arith.cmpi slt, %add3A_69, %sign3A_72 : i32
        %sign3A_74 = arith.extui %sign3A_73 : i1 to i32
        %sign3A_75 = arith.subi %sign3A_71, %sign3A_74 : i32
        %sign3A_76 = arith.constant 0 : i32
        %sign3A_77 = arith.cmpi sgt, %jit3A, %sign3A_76 : i32
        %sign3A_78 = arith.extui %sign3A_77 : i1 to i32
        %sign3A_79 = arith.constant 0 : i32
        %sign3A_80 = arith.cmpi slt, %jit3A, %sign3A_79 : i32
        %sign3A_81 = arith.extui %sign3A_80 : i1 to i32
        %sign3A_82 = arith.subi %sign3A_78, %sign3A_81 : i32
        %ne3A = arith.cmpi ne, %sign3A_75, %sign3A_82 : i32
        %rem3A = arith.remsi %add3A_69, %jit3A : i32
        %ne3A_83 = arith.constant 0 : i32
        %ne3A_84 = arith.cmpi ne, %rem3A, %ne3A_83 : i32
        %and3A = arith.andi %ne3A, %ne3A_84 : i1
        %sub3A_85 = arith.constant 1 : i32
        %sub3A_86 = arith.subi %div3A, %sub3A_85 : i32
        %select_n3A = arith.select %and3A, %sub3A_86, %div3A : i32
        %broadcast_in_dim3A_87 = vector.broadcast %squeeze3A_54 : f32 to vector<16xf32>
        %broadcast_in_dim3A_88 = vector.broadcast %squeeze3A_56 : f32 to vector<16xf32>
        %broadcast_in_dim3A_89 = vector.broadcast %squeeze3A_58 : f32 to vector<16xf32>
        %broadcast_in_dim3A_90 = vector.broadcast %squeeze3A_60 : f32 to vector<16xf32>
        %broadcast_in_dim3A_91 = vector.broadcast %mul3A_64 : f32 to vector<16xf32>
        %broadcast_in_dim3A_92 = arith.constant 3008 : i32
        %broadcast_in_dim3A_93 = vector.broadcast %broadcast_in_dim3A_92 : i32 to vector<16xi32>
        %while3A_94 = arith.constant 5.000000e-01 : f32
        %while3A_95 = arith.constant 0 : i32
        %while3A_96 = arith.subi %select_n3A, %while3A_95 : i32
        %while3A_97 = arith.addi %while3A_95, %while3A_96 : i32
        %while3A_98 = arith.constant 1 : i32
        %while3A_99 = arith.divsi %while3A_96, %while3A_98 : i32
        %while3A_100 = arith.muli %while3A_99, %while3A_98 : i32
        %while3A_101 = arith.addi %while3A_95, %while3A_100 : i32
        %while3A_102 = arith.constant 1 : i32
        %while3A_103 = scf.for %while3A_279 = %while3A_95 to %while3A_101 step %while3A_102 iter_args(%while3A_280 = %broadcast_in_dim3A_93) -> (vector<16xi32>)  : i32 {
          %mul3A_281 = arith.constant 16 : i32
          %mul3A_282 = arith.muli %while3A_279, %mul3A_281 : i32
          %add3A_283 = vector.broadcast %mul3A_282 : i32 to vector<16xi32>
          %add3A_284 = arith.addi %add3A_283, %iota3A : vector<16xi32>
          %gather3A_285 = tpu.vector_load_idx %arg7[%add3A_284, %broadcast_in_dim3A_11] : memref<3008x16xf32, #tpu.memory_space<vmem>>[vector<16xi32>, vector<16xi32>], vector<16xf32>,
          %add3A_286 = arith.constant 1 : i32
          %add3A_287 = vector.broadcast %add3A_286 : i32 to vector<16xi32>
          %add3A_288 = arith.addi %broadcast_in_dim3A_11, %add3A_287 : vector<16xi32>
          %gather3A_289 = tpu.vector_load_idx %arg7[%add3A_284, %add3A_288] : memref<3008x16xf32, #tpu.memory_space<vmem>>[vector<16xi32>, vector<16xi32>], vector<16xf32>,
          %add3A_290 = arith.constant 2 : i32
          %add3A_291 = vector.broadcast %add3A_290 : i32 to vector<16xi32>
          %add3A_292 = arith.addi %broadcast_in_dim3A_11, %add3A_291 : vector<16xi32>
          %gather3A_293 = tpu.vector_load_idx %arg7[%add3A_284, %add3A_292] : memref<3008x16xf32, #tpu.memory_space<vmem>>[vector<16xi32>, vector<16xi32>], vector<16xf32>,
          %add3A_294 = arith.constant 3 : i32
          %add3A_295 = vector.broadcast %add3A_294 : i32 to vector<16xi32>
          %add3A_296 = arith.addi %broadcast_in_dim3A_11, %add3A_295 : vector<16xi32>
          %gather3A_297 = tpu.vector_load_idx %arg7[%add3A_284, %add3A_296] : memref<3008x16xf32, #tpu.memory_space<vmem>>[vector<16xi32>, vector<16xi32>], vector<16xf32>,
          %max3A = arith.maximumf %gather3A_285, %broadcast_in_dim3A_87 : vector<16xf32>
          %max3A_298 = arith.maximumf %gather3A_289, %broadcast_in_dim3A_88 : vector<16xf32>
          %min3A_299 = arith.minimumf %gather3A_293, %broadcast_in_dim3A_89 : vector<16xf32>
          %min3A_300 = arith.minimumf %gather3A_297, %broadcast_in_dim3A_90 : vector<16xf32>
          %sub3A_301 = arith.subf %min3A_299, %max3A : vector<16xf32>
          %max3A_302 = arith.constant 0.000000e+00 : f32
          %max3A_303 = vector.broadcast %max3A_302 : f32 to vector<16xf32>
          %max3A_304 = arith.maximumf %sub3A_301, %max3A_303 : vector<16xf32>
          %sub3A_305 = arith.subf %min3A_300, %max3A_298 : vector<16xf32>
          %max3A_306 = arith.constant 0.000000e+00 : f32
          %max3A_307 = vector.broadcast %max3A_306 : f32 to vector<16xf32>
          %max3A_308 = arith.maximumf %sub3A_305, %max3A_307 : vector<16xf32>
          %mul3A_309 = arith.mulf %max3A_304, %max3A_308 : vector<16xf32>
          %sub3A_310 = arith.subf %gather3A_293, %gather3A_285 : vector<16xf32>
          %sub3A_311 = arith.subf %gather3A_297, %gather3A_289 : vector<16xf32>
          %mul3A_312 = arith.mulf %sub3A_310, %sub3A_311 : vector<16xf32>
          %add3A_313 = arith.addf %broadcast_in_dim3A_91, %mul3A_312 : vector<16xf32>
          %sub3A_314 = arith.subf %add3A_313, %mul3A_309 : vector<16xf32>
          %mul3A_315 = vector.broadcast %while3A_94 : f32 to vector<16xf32>
          %mul3A_316 = arith.mulf %mul3A_315, %sub3A_314 : vector<16xf32>
          %gt3A = arith.cmpf ogt, %mul3A_309, %mul3A_316 : vector<16xf32>
          %lt3A_317 = vector.broadcast %get3A_67 : i32 to vector<16xi32>
          %lt3A_318 = arith.cmpi slt, %add3A_284, %lt3A_317 : vector<16xi32>
          %and3A_319 = arith.andi %gt3A, %lt3A_318 : vector<16xi1>
          %jit3A_320 = arith.constant 3008 : i32
          %broadcast_in_dim3A_321 = vector.broadcast %jit3A_320 : i32 to vector<16xi32>
          %select_n3A_322 = arith.select %and3A_319, %add3A_284, %broadcast_in_dim3A_321 : vector<16xi1>, vector<16xi32>
          %min3A_323 = arith.minsi %while3A_280, %select_n3A_322 : vector<16xi32>
          scf.yield %min3A_323 : vector<16xi32>
        }
        %while3A_104 = arith.constant 1 : i32
        %while3A_105 = scf.for %while3A_279 = %while3A_101 to %while3A_97 step %while3A_104 iter_args(%while3A_280 = %while3A_103) -> (vector<16xi32>)  : i32 {
          %mul3A_281 = arith.constant 16 : i32
          %mul3A_282 = arith.muli %while3A_279, %mul3A_281 : i32
          %add3A_283 = vector.broadcast %mul3A_282 : i32 to vector<16xi32>
          %add3A_284 = arith.addi %add3A_283, %iota3A : vector<16xi32>
          %gather3A_285 = tpu.vector_load_idx %arg7[%add3A_284, %broadcast_in_dim3A_11] : memref<3008x16xf32, #tpu.memory_space<vmem>>[vector<16xi32>, vector<16xi32>], vector<16xf32>,
          %add3A_286 = arith.constant 1 : i32
          %add3A_287 = vector.broadcast %add3A_286 : i32 to vector<16xi32>
          %add3A_288 = arith.addi %broadcast_in_dim3A_11, %add3A_287 : vector<16xi32>
          %gather3A_289 = tpu.vector_load_idx %arg7[%add3A_284, %add3A_288] : memref<3008x16xf32, #tpu.memory_space<vmem>>[vector<16xi32>, vector<16xi32>], vector<16xf32>,
          %add3A_290 = arith.constant 2 : i32
          %add3A_291 = vector.broadcast %add3A_290 : i32 to vector<16xi32>
          %add3A_292 = arith.addi %broadcast_in_dim3A_11, %add3A_291 : vector<16xi32>
          %gather3A_293 = tpu.vector_load_idx %arg7[%add3A_284, %add3A_292] : memref<3008x16xf32, #tpu.memory_space<vmem>>[vector<16xi32>, vector<16xi32>], vector<16xf32>,
          %add3A_294 = arith.constant 3 : i32
          %add3A_295 = vector.broadcast %add3A_294 : i32 to vector<16xi32>
          %add3A_296 = arith.addi %broadcast_in_dim3A_11, %add3A_295 : vector<16xi32>
          %gather3A_297 = tpu.vector_load_idx %arg7[%add3A_284, %add3A_296] : memref<3008x16xf32, #tpu.memory_space<vmem>>[vector<16xi32>, vector<16xi32>], vector<16xf32>,
          %max3A = arith.maximumf %gather3A_285, %broadcast_in_dim3A_87 : vector<16xf32>
          %max3A_298 = arith.maximumf %gather3A_289, %broadcast_in_dim3A_88 : vector<16xf32>
          %min3A_299 = arith.minimumf %gather3A_293, %broadcast_in_dim3A_89 : vector<16xf32>
          %min3A_300 = arith.minimumf %gather3A_297, %broadcast_in_dim3A_90 : vector<16xf32>
          %sub3A_301 = arith.subf %min3A_299, %max3A : vector<16xf32>
          %max3A_302 = arith.constant 0.000000e+00 : f32
          %max3A_303 = vector.broadcast %max3A_302 : f32 to vector<16xf32>
          %max3A_304 = arith.maximumf %sub3A_301, %max3A_303 : vector<16xf32>
          %sub3A_305 = arith.subf %min3A_300, %max3A_298 : vector<16xf32>
          %max3A_306 = arith.constant 0.000000e+00 : f32
          %max3A_307 = vector.broadcast %max3A_306 : f32 to vector<16xf32>
          %max3A_308 = arith.maximumf %sub3A_305, %max3A_307 : vector<16xf32>
          %mul3A_309 = arith.mulf %max3A_304, %max3A_308 : vector<16xf32>
          %sub3A_310 = arith.subf %gather3A_293, %gather3A_285 : vector<16xf32>
          %sub3A_311 = arith.subf %gather3A_297, %gather3A_289 : vector<16xf32>
          %mul3A_312 = arith.mulf %sub3A_310, %sub3A_311 : vector<16xf32>
          %add3A_313 = arith.addf %broadcast_in_dim3A_91, %mul3A_312 : vector<16xf32>
          %sub3A_314 = arith.subf %add3A_313, %mul3A_309 : vector<16xf32>
          %mul3A_315 = vector.broadcast %while3A_94 : f32 to vector<16xf32>
          %mul3A_316 = arith.mulf %mul3A_315, %sub3A_314 : vector<16xf32>
          %gt3A = arith.cmpf ogt, %mul3A_309, %mul3A_316 : vector<16xf32>
          %lt3A_317 = vector.broadcast %get3A_67 : i32 to vector<16xi32>
          %lt3A_318 = arith.cmpi slt, %add3A_284, %lt3A_317 : vector<16xi32>
          %and3A_319 = arith.andi %gt3A, %lt3A_318 : vector<16xi1>
          %jit3A_320 = arith.constant 3008 : i32
          %broadcast_in_dim3A_321 = vector.broadcast %jit3A_320 : i32 to vector<16xi32>
          %select_n3A_322 = arith.select %and3A_319, %add3A_284, %broadcast_in_dim3A_321 : vector<16xi1>, vector<16xi32>
          %min3A_323 = arith.minsi %while3A_280, %select_n3A_322 : vector<16xi32>
          scf.yield %min3A_323 : vector<16xi32>
        }
        %reduce_min3A = arith.constant true
        %reduce_min3A_106 = vector.broadcast %reduce_min3A : i1 to vector<16xi1>
        %reduce_min3A_107 = arith.constant -2147483648 : i32
        %reduce_min3A_108 = vector.broadcast %reduce_min3A_107 : i32 to vector<16xi32>
        %reduce_min3A_109 = arith.xori %while3A_105, %reduce_min3A_108 : vector<16xi32>
        %reduce_min3A_110 = tpu.scan <min>, %reduce_min3A_109 masked %reduce_min3A_106 : vector<16xi32>, vector<16xi1> -> vector<16xi32>
        %reduce_min3A_111 = arith.xori %reduce_min3A_110, %reduce_min3A_108 : vector<16xi32>
        %reduce_min3A_112 = vector.extract %reduce_min3A_111[15] : i32 from vector<16xi32>
        %lt3A_113 = arith.cmpi slt, %reduce_min3A_112, %get3A_67 : i32
        %select_n3A_114 = arith.select %lt3A_113, %reduce_min3A_112, %get3A_67 : i32
        %get3A_115 = arith.index_cast %select_n3A_114 : i32 to index
        %get3A_116 = arith.constant 0 : index
        %get3A_117 = tpu.vector_load %arg7[%get3A_115, %get3A_116] {strides = array<i32>} : memref<3008x16xf32, #tpu.memory_space<vmem>>, vector<16xf32>,
        %slice3A_118 = vector.extract_strided_slice %get3A_117 {offsets = [6], sizes = [1], strides = [1]} : vector<16xf32> to vector<1xf32>
        %squeeze3A_119 = vector.extract %slice3A_118[0] : f32 from vector<1xf32>
        %mul3A_120 = arith.mulf %squeeze3A_62, %squeeze3A_54 : f32
        %add3A_121 = arith.addf %squeeze3A_119, %mul3A_120 : f32
        %slice3A_122 = vector.extract_strided_slice %get3A_117 {offsets = [7], sizes = [1], strides = [1]} : vector<16xf32> to vector<1xf32>
        %squeeze3A_123 = vector.extract %slice3A_122[0] : f32 from vector<1xf32>
        %mul3A_124 = arith.mulf %squeeze3A_62, %squeeze3A_56 : f32
        %add3A_125 = arith.addf %squeeze3A_123, %mul3A_124 : f32
        %slice3A_126 = vector.extract_strided_slice %get3A_117 {offsets = [8], sizes = [1], strides = [1]} : vector<16xf32> to vector<1xf32>
        %squeeze3A_127 = vector.extract %slice3A_126[0] : f32 from vector<1xf32>
        %mul3A_128 = arith.mulf %squeeze3A_62, %squeeze3A_58 : f32
        %add3A_129 = arith.addf %squeeze3A_127, %mul3A_128 : f32
        %slice3A_130 = vector.extract_strided_slice %get3A_117 {offsets = [9], sizes = [1], strides = [1]} : vector<16xf32> to vector<1xf32>
        %squeeze3A_131 = vector.extract %slice3A_130[0] : f32 from vector<1xf32>
        %mul3A_132 = arith.mulf %squeeze3A_62, %squeeze3A_60 : f32
        %add3A_133 = arith.addf %squeeze3A_131, %mul3A_132 : f32
        %slice3A_134 = vector.extract_strided_slice %get3A_117 {offsets = [10], sizes = [1], strides = [1]} : vector<16xf32> to vector<1xf32>
        %squeeze3A_135 = vector.extract %slice3A_134[0] : f32 from vector<1xf32>
        %add3A_136 = arith.addf %squeeze3A_135, %squeeze3A_62 : f32
        %slice3A_137 = vector.extract_strided_slice %get3A_117 {offsets = [11], sizes = [1], strides = [1]} : vector<16xf32> to vector<1xf32>
        %squeeze3A_138 = vector.extract %slice3A_137[0] : f32 from vector<1xf32>
        %add3A_139 = arith.constant 1.000000e+00 : f32
        %add3A_140 = arith.addf %squeeze3A_138, %add3A_139 : f32
        %eq3A = arith.constant 0 : i32
        %eq3A_141 = vector.broadcast %eq3A : i32 to vector<16xi32>
        %eq3A_142 = arith.cmpi eq, %iota3A, %eq3A_141 : vector<16xi32>
        %eq3A_143 = arith.constant 1 : i32
        %eq3A_144 = vector.broadcast %eq3A_143 : i32 to vector<16xi32>
        %eq3A_145 = arith.cmpi eq, %iota3A, %eq3A_144 : vector<16xi32>
        %eq3A_146 = arith.constant 2 : i32
        %eq3A_147 = vector.broadcast %eq3A_146 : i32 to vector<16xi32>
        %eq3A_148 = arith.cmpi eq, %iota3A, %eq3A_147 : vector<16xi32>
        %eq3A_149 = arith.constant 3 : i32
        %eq3A_150 = vector.broadcast %eq3A_149 : i32 to vector<16xi32>
        %eq3A_151 = arith.cmpi eq, %iota3A, %eq3A_150 : vector<16xi32>
        %broadcast_in_dim3A_152 = vector.broadcast %add3A_133 : f32 to vector<16xf32>
        %broadcast_in_dim3A_153 = vector.broadcast %add3A_136 : f32 to vector<16xf32>
        %select_n3A_154 = arith.select %eq3A_151, %broadcast_in_dim3A_152, %broadcast_in_dim3A_153 : vector<16xi1>, vector<16xf32>
        %broadcast_in_dim3A_155 = vector.broadcast %add3A_129 : f32 to vector<16xf32>
        %select_n3A_156 = arith.select %eq3A_148, %broadcast_in_dim3A_155, %select_n3A_154 : vector<16xi1>, vector<16xf32>
        %broadcast_in_dim3A_157 = vector.broadcast %add3A_125 : f32 to vector<16xf32>
        %select_n3A_158 = arith.select %eq3A_145, %broadcast_in_dim3A_157, %select_n3A_156 : vector<16xi1>, vector<16xf32>
        %broadcast_in_dim3A_159 = vector.broadcast %add3A_121 : f32 to vector<16xf32>
        %select_n3A_160 = arith.select %eq3A_142, %broadcast_in_dim3A_159, %select_n3A_158 : vector<16xi1>, vector<16xf32>
        %lt3A_161 = arith.constant 4 : i32
        %lt3A_162 = vector.broadcast %lt3A_161 : i32 to vector<16xi32>
        %lt3A_163 = arith.cmpi slt, %iota3A, %lt3A_162 : vector<16xi32>
        %eq3A_164 = arith.constant 4 : i32
        %eq3A_165 = vector.broadcast %eq3A_164 : i32 to vector<16xi32>
        %eq3A_166 = arith.cmpi eq, %iota3A, %eq3A_165 : vector<16xi32>
        %jit3A_167 = arith.constant 1.000000e+00 : f32
        %broadcast_in_dim3A_168 = vector.broadcast %add3A_140 : f32 to vector<16xf32>
        %broadcast_in_dim3A_169 = vector.broadcast %jit3A_167 : f32 to vector<16xf32>
        %select_n3A_170 = arith.select %eq3A_166, %broadcast_in_dim3A_168, %broadcast_in_dim3A_169 : vector<16xi1>, vector<16xf32>
        %broadcast_in_dim3A_171 = vector.broadcast %add3A_136 : f32 to vector<16xf32>
        %select_n3A_172 = arith.select %lt3A_163, %broadcast_in_dim3A_171, %select_n3A_170 : vector<16xi1>, vector<16xf32>
        %div3A_173 = arith.divf %select_n3A_160, %select_n3A_172 : vector<16xf32>
        %le3A = arith.constant 4 : i32
        %le3A_174 = vector.broadcast %le3A : i32 to vector<16xi32>
        %le3A_175 = arith.cmpi sle, %iota3A, %le3A_174 : vector<16xi32>
        %eq3A_176 = arith.constant 5 : i32
        %eq3A_177 = vector.broadcast %eq3A_176 : i32 to vector<16xi32>
        %eq3A_178 = arith.cmpi eq, %iota3A, %eq3A_177 : vector<16xi32>
        %eq3A_179 = arith.constant 6 : i32
        %eq3A_180 = vector.broadcast %eq3A_179 : i32 to vector<16xi32>
        %eq3A_181 = arith.cmpi eq, %iota3A, %eq3A_180 : vector<16xi32>
        %eq3A_182 = arith.constant 7 : i32
        %eq3A_183 = vector.broadcast %eq3A_182 : i32 to vector<16xi32>
        %eq3A_184 = arith.cmpi eq, %iota3A, %eq3A_183 : vector<16xi32>
        %eq3A_185 = arith.constant 8 : i32
        %eq3A_186 = vector.broadcast %eq3A_185 : i32 to vector<16xi32>
        %eq3A_187 = arith.cmpi eq, %iota3A, %eq3A_186 : vector<16xi32>
        %eq3A_188 = arith.constant 9 : i32
        %eq3A_189 = vector.broadcast %eq3A_188 : i32 to vector<16xi32>
        %eq3A_190 = arith.cmpi eq, %iota3A, %eq3A_189 : vector<16xi32>
        %eq3A_191 = arith.constant 10 : i32
        %eq3A_192 = vector.broadcast %eq3A_191 : i32 to vector<16xi32>
        %eq3A_193 = arith.cmpi eq, %iota3A, %eq3A_192 : vector<16xi32>
        %broadcast_in_dim3A_194 = vector.broadcast %add3A_136 : f32 to vector<16xf32>
        %broadcast_in_dim3A_195 = vector.broadcast %add3A_140 : f32 to vector<16xf32>
        %select_n3A_196 = arith.select %eq3A_193, %broadcast_in_dim3A_194, %broadcast_in_dim3A_195 : vector<16xi1>, vector<16xf32>
        %broadcast_in_dim3A_197 = vector.broadcast %add3A_133 : f32 to vector<16xf32>
        %select_n3A_198 = arith.select %eq3A_190, %broadcast_in_dim3A_197, %select_n3A_196 : vector<16xi1>, vector<16xf32>
        %broadcast_in_dim3A_199 = vector.broadcast %add3A_129 : f32 to vector<16xf32>
        %select_n3A_200 = arith.select %eq3A_187, %broadcast_in_dim3A_199, %select_n3A_198 : vector<16xi1>, vector<16xf32>
        %broadcast_in_dim3A_201 = vector.broadcast %add3A_125 : f32 to vector<16xf32>
        %select_n3A_202 = arith.select %eq3A_184, %broadcast_in_dim3A_201, %select_n3A_200 : vector<16xi1>, vector<16xf32>
        %broadcast_in_dim3A_203 = vector.broadcast %add3A_121 : f32 to vector<16xf32>
        %select_n3A_204 = arith.select %eq3A_181, %broadcast_in_dim3A_203, %select_n3A_202 : vector<16xi1>, vector<16xf32>
        %broadcast_in_dim3A_205 = vector.broadcast %convert_element_type3A_3 : f32 to vector<16xf32>
        %select_n3A_206 = arith.select %eq3A_178, %broadcast_in_dim3A_205, %select_n3A_204 : vector<16xi1>, vector<16xf32>
        %select_n3A_207 = arith.select %le3A_175, %div3A_173, %select_n3A_206 : vector<16xi1>, vector<16xf32>
        %eq3A_208 = arith.constant 0 : i32
        %eq3A_209 = vector.broadcast %eq3A_208 : i32 to vector<16xi32>
        %eq3A_210 = arith.cmpi eq, %iota3A, %eq3A_209 : vector<16xi32>
        %eq3A_211 = arith.constant 1 : i32
        %eq3A_212 = vector.broadcast %eq3A_211 : i32 to vector<16xi32>
        %eq3A_213 = arith.cmpi eq, %iota3A, %eq3A_212 : vector<16xi32>
        %eq3A_214 = arith.constant 2 : i32
        %eq3A_215 = vector.broadcast %eq3A_214 : i32 to vector<16xi32>
        %eq3A_216 = arith.cmpi eq, %iota3A, %eq3A_215 : vector<16xi32>
        %eq3A_217 = arith.constant 3 : i32
        %eq3A_218 = vector.broadcast %eq3A_217 : i32 to vector<16xi32>
        %eq3A_219 = arith.cmpi eq, %iota3A, %eq3A_218 : vector<16xi32>
        %eq3A_220 = arith.constant 4 : i32
        %eq3A_221 = vector.broadcast %eq3A_220 : i32 to vector<16xi32>
        %eq3A_222 = arith.cmpi eq, %iota3A, %eq3A_221 : vector<16xi32>
        %eq3A_223 = arith.constant 5 : i32
        %eq3A_224 = vector.broadcast %eq3A_223 : i32 to vector<16xi32>
        %eq3A_225 = arith.cmpi eq, %iota3A, %eq3A_224 : vector<16xi32>
        %eq3A_226 = arith.constant 6 : i32
        %eq3A_227 = vector.broadcast %eq3A_226 : i32 to vector<16xi32>
        %eq3A_228 = arith.cmpi eq, %iota3A, %eq3A_227 : vector<16xi32>
        %mul3A_229 = arith.mulf %squeeze3A_62, %squeeze3A_54 : f32
        %eq3A_230 = arith.constant 7 : i32
        %eq3A_231 = vector.broadcast %eq3A_230 : i32 to vector<16xi32>
        %eq3A_232 = arith.cmpi eq, %iota3A, %eq3A_231 : vector<16xi32>
        %mul3A_233 = arith.mulf %squeeze3A_62, %squeeze3A_56 : f32
        %eq3A_234 = arith.constant 8 : i32
        %eq3A_235 = vector.broadcast %eq3A_234 : i32 to vector<16xi32>
        %eq3A_236 = arith.cmpi eq, %iota3A, %eq3A_235 : vector<16xi32>
        %mul3A_237 = arith.mulf %squeeze3A_62, %squeeze3A_58 : f32
        %eq3A_238 = arith.constant 9 : i32
        %eq3A_239 = vector.broadcast %eq3A_238 : i32 to vector<16xi32>
        %eq3A_240 = arith.cmpi eq, %iota3A, %eq3A_239 : vector<16xi32>
        %mul3A_241 = arith.mulf %squeeze3A_62, %squeeze3A_60 : f32
        %eq3A_242 = arith.constant 10 : i32
        %eq3A_243 = vector.broadcast %eq3A_242 : i32 to vector<16xi32>
        %eq3A_244 = arith.cmpi eq, %iota3A, %eq3A_243 : vector<16xi32>
        %jit3A_245 = arith.constant 1.000000e+00 : f32
        %broadcast_in_dim3A_246 = vector.broadcast %squeeze3A_62 : f32 to vector<16xf32>
        %broadcast_in_dim3A_247 = vector.broadcast %jit3A_245 : f32 to vector<16xf32>
        %select_n3A_248 = arith.select %eq3A_244, %broadcast_in_dim3A_246, %broadcast_in_dim3A_247 : vector<16xi1>, vector<16xf32>
        %broadcast_in_dim3A_249 = vector.broadcast %mul3A_241 : f32 to vector<16xf32>
        %select_n3A_250 = arith.select %eq3A_240, %broadcast_in_dim3A_249, %select_n3A_248 : vector<16xi1>, vector<16xf32>
        %broadcast_in_dim3A_251 = vector.broadcast %mul3A_237 : f32 to vector<16xf32>
        %select_n3A_252 = arith.select %eq3A_236, %broadcast_in_dim3A_251, %select_n3A_250 : vector<16xi1>, vector<16xf32>
        %broadcast_in_dim3A_253 = vector.broadcast %mul3A_233 : f32 to vector<16xf32>
        %select_n3A_254 = arith.select %eq3A_232, %broadcast_in_dim3A_253, %select_n3A_252 : vector<16xi1>, vector<16xf32>
        %broadcast_in_dim3A_255 = vector.broadcast %mul3A_229 : f32 to vector<16xf32>
        %select_n3A_256 = arith.select %eq3A_228, %broadcast_in_dim3A_255, %select_n3A_254 : vector<16xi1>, vector<16xf32>
        %broadcast_in_dim3A_257 = vector.broadcast %convert_element_type3A_3 : f32 to vector<16xf32>
        %select_n3A_258 = arith.select %eq3A_225, %broadcast_in_dim3A_257, %select_n3A_256 : vector<16xi1>, vector<16xf32>
        %broadcast_in_dim3A_259 = vector.broadcast %squeeze3A_62 : f32 to vector<16xf32>
        %select_n3A_260 = arith.select %eq3A_222, %broadcast_in_dim3A_259, %select_n3A_258 : vector<16xi1>, vector<16xf32>
        %broadcast_in_dim3A_261 = vector.broadcast %squeeze3A_60 : f32 to vector<16xf32>
        %select_n3A_262 = arith.select %eq3A_219, %broadcast_in_dim3A_261, %select_n3A_260 : vector<16xi1>, vector<16xf32>
        %broadcast_in_dim3A_263 = vector.broadcast %squeeze3A_58 : f32 to vector<16xf32>
        %select_n3A_264 = arith.select %eq3A_216, %broadcast_in_dim3A_263, %select_n3A_262 : vector<16xi1>, vector<16xf32>
        %broadcast_in_dim3A_265 = vector.broadcast %squeeze3A_56 : f32 to vector<16xf32>
        %select_n3A_266 = arith.select %eq3A_213, %broadcast_in_dim3A_265, %select_n3A_264 : vector<16xi1>, vector<16xf32>
        %broadcast_in_dim3A_267 = vector.broadcast %squeeze3A_54 : f32 to vector<16xf32>
        %select_n3A_268 = arith.select %eq3A_210, %broadcast_in_dim3A_267, %select_n3A_266 : vector<16xi1>, vector<16xf32>
        %select_n3A_269 = arith.select %lt3A_113, %select_n3A_207, %select_n3A_268 : vector<16xf32>
        %swap3A_270 = arith.index_cast %select_n3A_114 : i32 to index
        %swap3A_271 = arith.constant 0 : index
        %swap3A_272 = tpu.vector_load %arg7[%swap3A_270, %swap3A_271] {strides = array<i32>} : memref<3008x16xf32, #tpu.memory_space<vmem>>, vector<16xf32>,
        tpu.vector_store %arg7[%swap3A_270, %swap3A_271], %select_n3A_269 {strides = array<i32>} : memref<3008x16xf32, #tpu.memory_space<vmem>>, vector<16xf32>,
        %add3A_273 = arith.constant 1 : i32
        %add3A_274 = arith.addi %get3A_67, %add3A_273 : i32
        %select_n3A_275 = arith.select %lt3A_113, %get3A_67, %add3A_274 : i32
        %swap3A_276 = arith.constant 0 : i32
        %swap3A_277 = arith.index_cast %swap3A_276 : i32 to index
        %swap3A_278 = memref.load %arg11[%swap3A_277] : memref<2xi32, #tpu.memory_space<smem>>
        memref.store %select_n3A_275, %arg11[%swap3A_277] : memref<2xi32, #tpu.memory_space<smem>>
      }
      %get3A_28 = arith.constant 0 : i32
      %get3A_29 = arith.index_cast %get3A_28 : i32 to index
      %get3A_30 = memref.load %arg11[%get3A_29] : memref<2xi32, #tpu.memory_space<smem>>
      %scan3A_31 = arith.constant 0 : i32
      %scan3A_32 = arith.constant 0 : i32
      %scan3A_33 = arith.constant 188 : i32
      %scan3A_34 = arith.addi %scan3A_32, %scan3A_33 : i32
      %scan3A_35 = arith.constant 1 : i32
      scf.for %scan3A_44 = %scan3A_32 to %scan3A_34 step %scan3A_35  : i32 {
        %mul3A_45 = arith.constant 16 : i32
        %mul3A_46 = arith.muli %scan3A_44, %mul3A_45 : i32
        %add3A_47 = vector.broadcast %mul3A_46 : i32 to vector<16xi32>
        %add3A_48 = arith.addi %add3A_47, %iota3A : vector<16xi32>
        %add3A_49 = arith.constant 4 : i32
        %add3A_50 = vector.broadcast %add3A_49 : i32 to vector<16xi32>
        %add3A_51 = arith.addi %broadcast_in_dim3A_11, %add3A_50 : vector<16xi32>
        %gather3A = tpu.vector_load_idx %arg7[%add3A_48, %add3A_51] : memref<3008x16xf32, #tpu.memory_space<vmem>>[vector<16xi32>, vector<16xi32>], vector<16xf32>,
        %lt3A_52 = vector.broadcast %get3A_30 : i32 to vector<16xi32>
        %lt3A_53 = arith.cmpi slt, %add3A_48, %lt3A_52 : vector<16xi32>
        %jit3A = arith.constant -1.000000e+00 : f32
        %broadcast_in_dim3A_54 = vector.broadcast %jit3A : f32 to vector<16xf32>
        %select_n3A = arith.select %lt3A_53, %gather3A, %broadcast_in_dim3A_54 : vector<16xi1>, vector<16xf32>
        %mul3A_55 = arith.constant 16 : i32
        %mul3A_56 = arith.muli %scan3A_44, %mul3A_55 : i32
        %swap3A_57 = arith.index_cast %mul3A_56 : i32 to index
        %swap3A_58 = tpu.vector_load %arg8[%swap3A_57] {strides = array<i32>} : memref<3008xf32, #tpu.memory_space<vmem>>, vector<16xf32>,
        tpu.vector_store %arg8[%swap3A_57], %select_n3A {strides = array<i32>} : memref<3008xf32, #tpu.memory_space<vmem>>, vector<16xf32>,
      }
      %scan3A_36 = arith.constant 188 : i32
      %broadcast_in_dim3A_37 = vector.broadcast %get3A_30 : i32 to vector<16xi32>
      %swap3A_38 = arith.constant 0 : index
      %swap3A_39 = tpu.vector_load %arg9[%swap3A_38] {strides = array<i32>} : memref<16xi32, #tpu.memory_space<vmem>>, vector<16xi32>,
      tpu.vector_store %arg9[%swap3A_38], %broadcast_in_dim3A_37 {strides = array<i32>} : memref<16xi32, #tpu.memory_space<vmem>>, vector<16xi32>,
      "tpu.region"() ({
        %run_scoped3A = tpu.sem_alloc : memref<!tpu.dma_semaphore, #tpu.memory_space<semaphore_mem>>
        %dma_start3A = arith.constant 0 : i32
        %dma_start3A_44 = arith.constant 0 : i32
        %dma_start3A_45 = tpu.memref_slice %arg3[%add3A, %dma_start3A, %dma_start3A_44] : memref<8x3008x16xf32, #tpu.memory_space<hbm>> -> memref<1x3008x16xf32, #tpu.memory_space<hbm>>
        %dma_start3A_46 = tpu.memref_squeeze %dma_start3A_45 : memref<1x3008x16xf32, #tpu.memory_space<hbm>> -> memref<3008x16xf32, #tpu.memory_space<hbm>>
        %dma_start3A_47 = arith.constant 0 : i32
        %dma_start3A_48 = arith.constant 0 : i32
        %dma_start3A_49 = tpu.memref_slice %arg3[%add3A, %dma_start3A_47, %dma_start3A_48] : memref<8x3008x16xf32, #tpu.memory_space<hbm>> -> memref<1x3008x16xf32, #tpu.memory_space<hbm>>
        %dma_start3A_50 = tpu.memref_squeeze %dma_start3A_49 : memref<1x3008x16xf32, #tpu.memory_space<hbm>> -> memref<3008x16xf32, #tpu.memory_space<hbm>>
        tpu.enqueue_dma source(%arg7 : memref<3008x16xf32, #tpu.memory_space<vmem>>) target(%dma_start3A_50 : memref<3008x16xf32, #tpu.memory_space<hbm>>) target_semaphore(%run_scoped3A : memref<!tpu.dma_semaphore, #tpu.memory_space<semaphore_mem>>)
        %dma_wait3A = arith.constant 0 : i32
        %dma_wait3A_51 = arith.constant 0 : i32
        %dma_wait3A_52 = tpu.memref_slice %arg3[%add3A, %dma_wait3A, %dma_wait3A_51] : memref<8x3008x16xf32, #tpu.memory_space<hbm>> -> memref<1x3008x16xf32, #tpu.memory_space<hbm>>
        %dma_wait3A_53 = tpu.memref_squeeze %dma_wait3A_52 : memref<1x3008x16xf32, #tpu.memory_space<hbm>> -> memref<3008x16xf32, #tpu.memory_space<hbm>>
        %dma_wait3A_54 = arith.constant 0 : i32
        %dma_wait3A_55 = arith.constant 0 : i32
        %dma_wait3A_56 = tpu.memref_slice %arg3[%add3A, %dma_wait3A_54, %dma_wait3A_55] : memref<8x3008x16xf32, #tpu.memory_space<hbm>> -> memref<1x3008x16xf32, #tpu.memory_space<hbm>>
        %dma_wait3A_57 = tpu.memref_squeeze %dma_wait3A_56 : memref<1x3008x16xf32, #tpu.memory_space<hbm>> -> memref<3008x16xf32, #tpu.memory_space<hbm>>
        tpu.wait_dma2 semaphore(%run_scoped3A : memref<!tpu.dma_semaphore, #tpu.memory_space<semaphore_mem>>) src(%arg7 : memref<3008x16xf32, #tpu.memory_space<vmem>>) dst(%dma_wait3A_57 : memref<3008x16xf32, #tpu.memory_space<hbm>>)
        tpu.yield
      }) : () -> ()
      %mul3A_40 = arith.constant 3008 : i32
      %mul3A_41 = arith.muli %add3A, %mul3A_40 : i32
      "tpu.region"() ({
        %run_scoped3A = tpu.sem_alloc : memref<!tpu.dma_semaphore, #tpu.memory_space<semaphore_mem>>
        %dma_start3A = tpu.memref_slice %arg4[%mul3A_41] : memref<24064xf32, #tpu.memory_space<hbm>> -> memref<3008xf32, #tpu.memory_space<hbm>>
        %dma_start3A_44 = tpu.memref_slice %arg4[%mul3A_41] : memref<24064xf32, #tpu.memory_space<hbm>> -> memref<3008xf32, #tpu.memory_space<hbm>>
        tpu.enqueue_dma source(%arg8 : memref<3008xf32, #tpu.memory_space<vmem>>) target(%dma_start3A_44 : memref<3008xf32, #tpu.memory_space<hbm>>) target_semaphore(%run_scoped3A : memref<!tpu.dma_semaphore, #tpu.memory_space<semaphore_mem>>)
        %dma_wait3A = tpu.memref_slice %arg4[%mul3A_41] : memref<24064xf32, #tpu.memory_space<hbm>> -> memref<3008xf32, #tpu.memory_space<hbm>>
        %dma_wait3A_45 = tpu.memref_slice %arg4[%mul3A_41] : memref<24064xf32, #tpu.memory_space<hbm>> -> memref<3008xf32, #tpu.memory_space<hbm>>
        tpu.wait_dma2 semaphore(%run_scoped3A : memref<!tpu.dma_semaphore, #tpu.memory_space<semaphore_mem>>) src(%arg8 : memref<3008xf32, #tpu.memory_space<vmem>>) dst(%dma_wait3A_45 : memref<3008xf32, #tpu.memory_space<hbm>>)
        tpu.yield
      }) : () -> ()
      %mul3A_42 = arith.constant 16 : i32
      %mul3A_43 = arith.muli %add3A, %mul3A_42 : i32
      "tpu.region"() ({
        %run_scoped3A = tpu.sem_alloc : memref<!tpu.dma_semaphore, #tpu.memory_space<semaphore_mem>>
        %dma_start3A = tpu.memref_slice %arg5[%mul3A_43] : memref<128xi32, #tpu.memory_space<hbm>> -> memref<16xi32, #tpu.memory_space<hbm>>
        %dma_start3A_44 = tpu.memref_slice %arg5[%mul3A_43] : memref<128xi32, #tpu.memory_space<hbm>> -> memref<16xi32, #tpu.memory_space<hbm>>
        tpu.enqueue_dma source(%arg9 : memref<16xi32, #tpu.memory_space<vmem>>) target(%dma_start3A_44 : memref<16xi32, #tpu.memory_space<hbm>>) target_semaphore(%run_scoped3A : memref<!tpu.dma_semaphore, #tpu.memory_space<semaphore_mem>>)
        %dma_wait3A = tpu.memref_slice %arg5[%mul3A_43] : memref<128xi32, #tpu.memory_space<hbm>> -> memref<16xi32, #tpu.memory_space<hbm>>
        %dma_wait3A_45 = tpu.memref_slice %arg5[%mul3A_43] : memref<128xi32, #tpu.memory_space<hbm>> -> memref<16xi32, #tpu.memory_space<hbm>>
        tpu.wait_dma2 semaphore(%run_scoped3A : memref<!tpu.dma_semaphore, #tpu.memory_space<semaphore_mem>>) src(%arg9 : memref<16xi32, #tpu.memory_space<vmem>>) dst(%dma_wait3A_45 : memref<16xi32, #tpu.memory_space<hbm>>)
        tpu.yield
      }) : () -> ()
    } else {
    }
    return
  }
}

#map = affine_map<(d0, d1) -> (0, 0, 0)>
#map1 = affine_map<(d0, d1) -> (0)>
#map2 = affine_map<(d0, d1) -> (0, 0)>
module attributes {stable_mosaic.version = 14 : i64} {
  func.func @_wbf_topk(%arg0: i32, %arg1: i32, %arg2: memref<8x3008x16xf32, #tpu.memory_space<hbm>>, %arg3: memref<24064xf32, #tpu.memory_space<hbm>>, %arg4: memref<128xi32, #tpu.memory_space<hbm>>, %arg5: memref<2080x16xf32, #tpu.memory_space<hbm>>, %arg6: memref<24064xf32, #tpu.memory_space<vmem>>, %arg7: memref<128xi32, #tpu.memory_space<vmem>>, %arg8: memref<768x16xf32, #tpu.memory_space<vmem>>, %arg9: memref<6x128xi32, #tpu.memory_space<vmem>>, %arg10: memref<6x128xi32, #tpu.memory_space<vmem>>, %arg11: memref<1024x16xf32, #tpu.memory_space<vmem>>, %arg12: memref<!tpu.dma_semaphore, #tpu.memory_space<semaphore_mem>>) attributes {dimension_semantics = [#tpu.dimension_semantics<core_parallel>, #tpu.dimension_semantics<subcore_parallel>], iteration_bounds = array<i64: 2, 16>, scalar_prefetch = 0 : i64, scratch_operands = 7 : i64, tpu.core_type = #tpu.core_type<sc_vector_subcore>, window_params = [{transform_indices = #map}, {transform_indices = #map1}, {transform_indices = #map1}, {transform_indices = #map2}]} {
    %mul3A = arith.constant 2 : i32
    %mul3A_0 = arith.muli %arg1, %mul3A : i32
    %add3A = arith.addi %mul3A_0, %arg0 : i32
    %jit3A = arith.constant 4 : i32
    %div3A = arith.divsi %add3A, %jit3A : i32
    %sign3A = arith.constant 0 : i32
    %sign3A_1 = arith.cmpi sgt, %add3A, %sign3A : i32
    %sign3A_2 = arith.extui %sign3A_1 : i1 to i32
    %sign3A_3 = arith.constant 0 : i32
    %sign3A_4 = arith.cmpi slt, %add3A, %sign3A_3 : i32
    %sign3A_5 = arith.extui %sign3A_4 : i1 to i32
    %sign3A_6 = arith.subi %sign3A_2, %sign3A_5 : i32
    %sign3A_7 = arith.constant 0 : i32
    %sign3A_8 = arith.cmpi sgt, %jit3A, %sign3A_7 : i32
    %sign3A_9 = arith.extui %sign3A_8 : i1 to i32
    %sign3A_10 = arith.constant 0 : i32
    %sign3A_11 = arith.cmpi slt, %jit3A, %sign3A_10 : i32
    %sign3A_12 = arith.extui %sign3A_11 : i1 to i32
    %sign3A_13 = arith.subi %sign3A_9, %sign3A_12 : i32
    %ne3A = arith.cmpi ne, %sign3A_6, %sign3A_13 : i32
    %rem3A = arith.remsi %add3A, %jit3A : i32
    %ne3A_14 = arith.constant 0 : i32
    %ne3A_15 = arith.cmpi ne, %rem3A, %ne3A_14 : i32
    %and3A = arith.andi %ne3A, %ne3A_15 : i1
    %sub3A = arith.constant 1 : i32
    %sub3A_16 = arith.subi %div3A, %sub3A : i32
    %select_n3A = arith.select %and3A, %sub3A_16, %div3A : i32
    %jit3A_17 = arith.constant 4 : i32
    %eq3A = arith.constant 0 : i32
    %eq3A_18 = arith.cmpi eq, %jit3A_17, %eq3A : i32
    %jit3A_19 = arith.constant 1 : i32
    %select_n3A_20 = arith.select %eq3A_18, %jit3A_19, %jit3A_17 : i32
    %rem3A_21 = arith.remsi %add3A, %select_n3A_20 : i32
    %ne3A_22 = arith.constant 0 : i32
    %ne3A_23 = arith.cmpi ne, %rem3A_21, %ne3A_22 : i32
    %lt3A = arith.constant 0 : i32
    %lt3A_24 = arith.cmpi slt, %rem3A_21, %lt3A : i32
    %lt3A_25 = arith.constant 0 : i32
    %lt3A_26 = arith.cmpi slt, %select_n3A_20, %lt3A_25 : i32
    %ne3A_27 = arith.xori %lt3A_24, %lt3A_26 : i1
    %and3A_28 = arith.andi %ne3A_27, %ne3A_23 : i1
    %add3A_29 = arith.addi %rem3A_21, %select_n3A_20 : i32
    %select_n3A_30 = arith.select %and3A_28, %add3A_29, %rem3A_21 : i32
    %iota3A = tpu.iota {dimensions = array<i32: 0>} : vector<16xi32>
    "tpu.region"() ({
      %run_scoped3A = tpu.sem_alloc : memref<!tpu.dma_semaphore, #tpu.memory_space<semaphore_mem>>
      tpu.enqueue_dma source(%arg3 : memref<24064xf32, #tpu.memory_space<hbm>>) target(%arg6 : memref<24064xf32, #tpu.memory_space<vmem>>) target_semaphore(%run_scoped3A : memref<!tpu.dma_semaphore, #tpu.memory_space<semaphore_mem>>)
      tpu.wait_dma2 semaphore(%run_scoped3A : memref<!tpu.dma_semaphore, #tpu.memory_space<semaphore_mem>>) src(%arg3 : memref<24064xf32, #tpu.memory_space<hbm>>) dst(%arg6 : memref<24064xf32, #tpu.memory_space<vmem>>)
      tpu.yield
    }) : () -> ()
    "tpu.region"() ({
      %run_scoped3A = tpu.sem_alloc : memref<!tpu.dma_semaphore, #tpu.memory_space<semaphore_mem>>
      tpu.enqueue_dma source(%arg4 : memref<128xi32, #tpu.memory_space<hbm>>) target(%arg7 : memref<128xi32, #tpu.memory_space<vmem>>) target_semaphore(%run_scoped3A : memref<!tpu.dma_semaphore, #tpu.memory_space<semaphore_mem>>)
      tpu.wait_dma2 semaphore(%run_scoped3A : memref<!tpu.dma_semaphore, #tpu.memory_space<semaphore_mem>>) src(%arg4 : memref<128xi32, #tpu.memory_space<hbm>>) dst(%arg7 : memref<128xi32, #tpu.memory_space<vmem>>)
      tpu.yield
    }) : () -> ()
    %add3A_31 = arith.constant 0 : i32
    %add3A_32 = arith.addi %select_n3A_30, %add3A_31 : i32
    %mul3A_33 = arith.constant 16 : i32
    %mul3A_34 = arith.muli %add3A_32, %mul3A_33 : i32
    %add3A_35 = vector.broadcast %mul3A_34 : i32 to vector<16xi32>
    %add3A_36 = arith.addi %add3A_35, %iota3A : vector<16xi32>
    %swap3A = arith.constant 0 : i32
    %swap3A_37 = arith.index_cast %swap3A : i32 to index
    %swap3A_38 = arith.constant 0 : index
    %swap3A_39 = tpu.vector_load %arg10[%swap3A_37, %swap3A_38] {strides = array<i32>} : memref<6x128xi32, #tpu.memory_space<vmem>>, vector<16xi32>,
    tpu.vector_store %arg10[%swap3A_37, %swap3A_38], %add3A_36 {strides = array<i32>} : memref<6x128xi32, #tpu.memory_space<vmem>>, vector<16xi32>,
    %add3A_40 = arith.constant 4 : i32
    %add3A_41 = arith.addi %select_n3A_30, %add3A_40 : i32
    %mul3A_42 = arith.constant 16 : i32
    %mul3A_43 = arith.muli %add3A_41, %mul3A_42 : i32
    %add3A_44 = vector.broadcast %mul3A_43 : i32 to vector<16xi32>
    %add3A_45 = arith.addi %add3A_44, %iota3A : vector<16xi32>
    %swap3A_46 = arith.constant 0 : i32
    %swap3A_47 = arith.index_cast %swap3A_46 : i32 to index
    %swap3A_48 = arith.constant 16 : index
    %swap3A_49 = tpu.vector_load %arg10[%swap3A_47, %swap3A_48] {strides = array<i32>} : memref<6x128xi32, #tpu.memory_space<vmem>>, vector<16xi32>,
    tpu.vector_store %arg10[%swap3A_47, %swap3A_48], %add3A_45 {strides = array<i32>} : memref<6x128xi32, #tpu.memory_space<vmem>>, vector<16xi32>,
    %add3A_50 = arith.constant 8 : i32
    %add3A_51 = arith.addi %select_n3A_30, %add3A_50 : i32
    %mul3A_52 = arith.constant 16 : i32
    %mul3A_53 = arith.muli %add3A_51, %mul3A_52 : i32
    %add3A_54 = vector.broadcast %mul3A_53 : i32 to vector<16xi32>
    %add3A_55 = arith.addi %add3A_54, %iota3A : vector<16xi32>
    %swap3A_56 = arith.constant 0 : i32
    %swap3A_57 = arith.index_cast %swap3A_56 : i32 to index
    %swap3A_58 = arith.constant 32 : index
    %swap3A_59 = tpu.vector_load %arg10[%swap3A_57, %swap3A_58] {strides = array<i32>} : memref<6x128xi32, #tpu.memory_space<vmem>>, vector<16xi32>,
    tpu.vector_store %arg10[%swap3A_57, %swap3A_58], %add3A_55 {strides = array<i32>} : memref<6x128xi32, #tpu.memory_space<vmem>>, vector<16xi32>,
    %add3A_60 = arith.constant 12 : i32
    %add3A_61 = arith.addi %select_n3A_30, %add3A_60 : i32
    %mul3A_62 = arith.constant 16 : i32
    %mul3A_63 = arith.muli %add3A_61, %mul3A_62 : i32
    %add3A_64 = vector.broadcast %mul3A_63 : i32 to vector<16xi32>
    %add3A_65 = arith.addi %add3A_64, %iota3A : vector<16xi32>
    %swap3A_66 = arith.constant 0 : i32
    %swap3A_67 = arith.index_cast %swap3A_66 : i32 to index
    %swap3A_68 = arith.constant 48 : index
    %swap3A_69 = tpu.vector_load %arg10[%swap3A_67, %swap3A_68] {strides = array<i32>} : memref<6x128xi32, #tpu.memory_space<vmem>>, vector<16xi32>,
    tpu.vector_store %arg10[%swap3A_67, %swap3A_68], %add3A_65 {strides = array<i32>} : memref<6x128xi32, #tpu.memory_space<vmem>>, vector<16xi32>,
    %add3A_70 = arith.constant 16 : i32
    %add3A_71 = arith.addi %select_n3A_30, %add3A_70 : i32
    %mul3A_72 = arith.constant 16 : i32
    %mul3A_73 = arith.muli %add3A_71, %mul3A_72 : i32
    %add3A_74 = vector.broadcast %mul3A_73 : i32 to vector<16xi32>
    %add3A_75 = arith.addi %add3A_74, %iota3A : vector<16xi32>
    %swap3A_76 = arith.constant 0 : i32
    %swap3A_77 = arith.index_cast %swap3A_76 : i32 to index
    %swap3A_78 = arith.constant 64 : index
    %swap3A_79 = tpu.vector_load %arg10[%swap3A_77, %swap3A_78] {strides = array<i32>} : memref<6x128xi32, #tpu.memory_space<vmem>>, vector<16xi32>,
    tpu.vector_store %arg10[%swap3A_77, %swap3A_78], %add3A_75 {strides = array<i32>} : memref<6x128xi32, #tpu.memory_space<vmem>>, vector<16xi32>,
    %add3A_80 = arith.constant 20 : i32
    %add3A_81 = arith.addi %select_n3A_30, %add3A_80 : i32
    %mul3A_82 = arith.constant 16 : i32
    %mul3A_83 = arith.muli %add3A_81, %mul3A_82 : i32
    %add3A_84 = vector.broadcast %mul3A_83 : i32 to vector<16xi32>
    %add3A_85 = arith.addi %add3A_84, %iota3A : vector<16xi32>
    %swap3A_86 = arith.constant 0 : i32
    %swap3A_87 = arith.index_cast %swap3A_86 : i32 to index
    %swap3A_88 = arith.constant 80 : index
    %swap3A_89 = tpu.vector_load %arg10[%swap3A_87, %swap3A_88] {strides = array<i32>} : memref<6x128xi32, #tpu.memory_space<vmem>>, vector<16xi32>,
    tpu.vector_store %arg10[%swap3A_87, %swap3A_88], %add3A_85 {strides = array<i32>} : memref<6x128xi32, #tpu.memory_space<vmem>>, vector<16xi32>,
    %add3A_90 = arith.constant 24 : i32
    %add3A_91 = arith.addi %select_n3A_30, %add3A_90 : i32
    %mul3A_92 = arith.constant 16 : i32
    %mul3A_93 = arith.muli %add3A_91, %mul3A_92 : i32
    %add3A_94 = vector.broadcast %mul3A_93 : i32 to vector<16xi32>
    %add3A_95 = arith.addi %add3A_94, %iota3A : vector<16xi32>
    %swap3A_96 = arith.constant 0 : i32
    %swap3A_97 = arith.index_cast %swap3A_96 : i32 to index
    %swap3A_98 = arith.constant 96 : index
    %swap3A_99 = tpu.vector_load %arg10[%swap3A_97, %swap3A_98] {strides = array<i32>} : memref<6x128xi32, #tpu.memory_space<vmem>>, vector<16xi32>,
    tpu.vector_store %arg10[%swap3A_97, %swap3A_98], %add3A_95 {strides = array<i32>} : memref<6x128xi32, #tpu.memory_space<vmem>>, vector<16xi32>,
    %add3A_100 = arith.constant 28 : i32
    %add3A_101 = arith.addi %select_n3A_30, %add3A_100 : i32
    %mul3A_102 = arith.constant 16 : i32
    %mul3A_103 = arith.muli %add3A_101, %mul3A_102 : i32
    %add3A_104 = vector.broadcast %mul3A_103 : i32 to vector<16xi32>
    %add3A_105 = arith.addi %add3A_104, %iota3A : vector<16xi32>
    %swap3A_106 = arith.constant 0 : i32
    %swap3A_107 = arith.index_cast %swap3A_106 : i32 to index
    %swap3A_108 = arith.constant 112 : index
    %swap3A_109 = tpu.vector_load %arg10[%swap3A_107, %swap3A_108] {strides = array<i32>} : memref<6x128xi32, #tpu.memory_space<vmem>>, vector<16xi32>,
    tpu.vector_store %arg10[%swap3A_107, %swap3A_108], %add3A_105 {strides = array<i32>} : memref<6x128xi32, #tpu.memory_space<vmem>>, vector<16xi32>,
    %add3A_110 = arith.constant 32 : i32
    %add3A_111 = arith.addi %select_n3A_30, %add3A_110 : i32
    %mul3A_112 = arith.constant 16 : i32
    %mul3A_113 = arith.muli %add3A_111, %mul3A_112 : i32
    %add3A_114 = vector.broadcast %mul3A_113 : i32 to vector<16xi32>
    %add3A_115 = arith.addi %add3A_114, %iota3A : vector<16xi32>
    %swap3A_116 = arith.constant 1 : i32
    %swap3A_117 = arith.index_cast %swap3A_116 : i32 to index
    %swap3A_118 = arith.constant 0 : index
    %swap3A_119 = tpu.vector_load %arg10[%swap3A_117, %swap3A_118] {strides = array<i32>} : memref<6x128xi32, #tpu.memory_space<vmem>>, vector<16xi32>,
    tpu.vector_store %arg10[%swap3A_117, %swap3A_118], %add3A_115 {strides = array<i32>} : memref<6x128xi32, #tpu.memory_space<vmem>>, vector<16xi32>,
    %add3A_120 = arith.constant 36 : i32
    %add3A_121 = arith.addi %select_n3A_30, %add3A_120 : i32
    %mul3A_122 = arith.constant 16 : i32
    %mul3A_123 = arith.muli %add3A_121, %mul3A_122 : i32
    %add3A_124 = vector.broadcast %mul3A_123 : i32 to vector<16xi32>
    %add3A_125 = arith.addi %add3A_124, %iota3A : vector<16xi32>
    %swap3A_126 = arith.constant 1 : i32
    %swap3A_127 = arith.index_cast %swap3A_126 : i32 to index
    %swap3A_128 = arith.constant 16 : index
    %swap3A_129 = tpu.vector_load %arg10[%swap3A_127, %swap3A_128] {strides = array<i32>} : memref<6x128xi32, #tpu.memory_space<vmem>>, vector<16xi32>,
    tpu.vector_store %arg10[%swap3A_127, %swap3A_128], %add3A_125 {strides = array<i32>} : memref<6x128xi32, #tpu.memory_space<vmem>>, vector<16xi32>,
    %add3A_130 = arith.constant 40 : i32
    %add3A_131 = arith.addi %select_n3A_30, %add3A_130 : i32
    %mul3A_132 = arith.constant 16 : i32
    %mul3A_133 = arith.muli %add3A_131, %mul3A_132 : i32
    %add3A_134 = vector.broadcast %mul3A_133 : i32 to vector<16xi32>
    %add3A_135 = arith.addi %add3A_134, %iota3A : vector<16xi32>
    %swap3A_136 = arith.constant 1 : i32
    %swap3A_137 = arith.index_cast %swap3A_136 : i32 to index
    %swap3A_138 = arith.constant 32 : index
    %swap3A_139 = tpu.vector_load %arg10[%swap3A_137, %swap3A_138] {strides = array<i32>} : memref<6x128xi32, #tpu.memory_space<vmem>>, vector<16xi32>,
    tpu.vector_store %arg10[%swap3A_137, %swap3A_138], %add3A_135 {strides = array<i32>} : memref<6x128xi32, #tpu.memory_space<vmem>>, vector<16xi32>,
    %add3A_140 = arith.constant 44 : i32
    %add3A_141 = arith.addi %select_n3A_30, %add3A_140 : i32
    %mul3A_142 = arith.constant 16 : i32
    %mul3A_143 = arith.muli %add3A_141, %mul3A_142 : i32
    %add3A_144 = vector.broadcast %mul3A_143 : i32 to vector<16xi32>
    %add3A_145 = arith.addi %add3A_144, %iota3A : vector<16xi32>
    %swap3A_146 = arith.constant 1 : i32
    %swap3A_147 = arith.index_cast %swap3A_146 : i32 to index
    %swap3A_148 = arith.constant 48 : index
    %swap3A_149 = tpu.vector_load %arg10[%swap3A_147, %swap3A_148] {strides = array<i32>} : memref<6x128xi32, #tpu.memory_space<vmem>>, vector<16xi32>,
    tpu.vector_store %arg10[%swap3A_147, %swap3A_148], %add3A_145 {strides = array<i32>} : memref<6x128xi32, #tpu.memory_space<vmem>>, vector<16xi32>,
    %add3A_150 = arith.constant 48 : i32
    %add3A_151 = arith.addi %select_n3A_30, %add3A_150 : i32
    %mul3A_152 = arith.constant 16 : i32
    %mul3A_153 = arith.muli %add3A_151, %mul3A_152 : i32
    %add3A_154 = vector.broadcast %mul3A_153 : i32 to vector<16xi32>
    %add3A_155 = arith.addi %add3A_154, %iota3A : vector<16xi32>
    %swap3A_156 = arith.constant 1 : i32
    %swap3A_157 = arith.index_cast %swap3A_156 : i32 to index
    %swap3A_158 = arith.constant 64 : index
    %swap3A_159 = tpu.vector_load %arg10[%swap3A_157, %swap3A_158] {strides = array<i32>} : memref<6x128xi32, #tpu.memory_space<vmem>>, vector<16xi32>,
    tpu.vector_store %arg10[%swap3A_157, %swap3A_158], %add3A_155 {strides = array<i32>} : memref<6x128xi32, #tpu.memory_space<vmem>>, vector<16xi32>,
    %add3A_160 = arith.constant 52 : i32
    %add3A_161 = arith.addi %select_n3A_30, %add3A_160 : i32
    %mul3A_162 = arith.constant 16 : i32
    %mul3A_163 = arith.muli %add3A_161, %mul3A_162 : i32
    %add3A_164 = vector.broadcast %mul3A_163 : i32 to vector<16xi32>
    %add3A_165 = arith.addi %add3A_164, %iota3A : vector<16xi32>
    %swap3A_166 = arith.constant 1 : i32
    %swap3A_167 = arith.index_cast %swap3A_166 : i32 to index
    %swap3A_168 = arith.constant 80 : index
    %swap3A_169 = tpu.vector_load %arg10[%swap3A_167, %swap3A_168] {strides = array<i32>} : memref<6x128xi32, #tpu.memory_space<vmem>>, vector<16xi32>,
    tpu.vector_store %arg10[%swap3A_167, %swap3A_168], %add3A_165 {strides = array<i32>} : memref<6x128xi32, #tpu.memory_space<vmem>>, vector<16xi32>,
    %add3A_170 = arith.constant 56 : i32
    %add3A_171 = arith.addi %select_n3A_30, %add3A_170 : i32
    %mul3A_172 = arith.constant 16 : i32
    %mul3A_173 = arith.muli %add3A_171, %mul3A_172 : i32
    %add3A_174 = vector.broadcast %mul3A_173 : i32 to vector<16xi32>
    %add3A_175 = arith.addi %add3A_174, %iota3A : vector<16xi32>
    %swap3A_176 = arith.constant 1 : i32
    %swap3A_177 = arith.index_cast %swap3A_176 : i32 to index
    %swap3A_178 = arith.constant 96 : index
    %swap3A_179 = tpu.vector_load %arg10[%swap3A_177, %swap3A_178] {strides = array<i32>} : memref<6x128xi32, #tpu.memory_space<vmem>>, vector<16xi32>,
    tpu.vector_store %arg10[%swap3A_177, %swap3A_178], %add3A_175 {strides = array<i32>} : memref<6x128xi32, #tpu.memory_space<vmem>>, vector<16xi32>,
    %add3A_180 = arith.constant 60 : i32
    %add3A_181 = arith.addi %select_n3A_30, %add3A_180 : i32
    %mul3A_182 = arith.constant 16 : i32
    %mul3A_183 = arith.muli %add3A_181, %mul3A_182 : i32
    %add3A_184 = vector.broadcast %mul3A_183 : i32 to vector<16xi32>
    %add3A_185 = arith.addi %add3A_184, %iota3A : vector<16xi32>
    %swap3A_186 = arith.constant 1 : i32
    %swap3A_187 = arith.index_cast %swap3A_186 : i32 to index
    %swap3A_188 = arith.constant 112 : index
    %swap3A_189 = tpu.vector_load %arg10[%swap3A_187, %swap3A_188] {strides = array<i32>} : memref<6x128xi32, #tpu.memory_space<vmem>>, vector<16xi32>,
    tpu.vector_store %arg10[%swap3A_187, %swap3A_188], %add3A_185 {strides = array<i32>} : memref<6x128xi32, #tpu.memory_space<vmem>>, vector<16xi32>,
    %add3A_190 = arith.constant 64 : i32
    %add3A_191 = arith.addi %select_n3A_30, %add3A_190 : i32
    %mul3A_192 = arith.constant 16 : i32
    %mul3A_193 = arith.muli %add3A_191, %mul3A_192 : i32
    %add3A_194 = vector.broadcast %mul3A_193 : i32 to vector<16xi32>
    %add3A_195 = arith.addi %add3A_194, %iota3A : vector<16xi32>
    %swap3A_196 = arith.constant 2 : i32
    %swap3A_197 = arith.index_cast %swap3A_196 : i32 to index
    %swap3A_198 = arith.constant 0 : index
    %swap3A_199 = tpu.vector_load %arg10[%swap3A_197, %swap3A_198] {strides = array<i32>} : memref<6x128xi32, #tpu.memory_space<vmem>>, vector<16xi32>,
    tpu.vector_store %arg10[%swap3A_197, %swap3A_198], %add3A_195 {strides = array<i32>} : memref<6x128xi32, #tpu.memory_space<vmem>>, vector<16xi32>,
    %add3A_200 = arith.constant 68 : i32
    %add3A_201 = arith.addi %select_n3A_30, %add3A_200 : i32
    %mul3A_202 = arith.constant 16 : i32
    %mul3A_203 = arith.muli %add3A_201, %mul3A_202 : i32
    %add3A_204 = vector.broadcast %mul3A_203 : i32 to vector<16xi32>
    %add3A_205 = arith.addi %add3A_204, %iota3A : vector<16xi32>
    %swap3A_206 = arith.constant 2 : i32
    %swap3A_207 = arith.index_cast %swap3A_206 : i32 to index
    %swap3A_208 = arith.constant 16 : index
    %swap3A_209 = tpu.vector_load %arg10[%swap3A_207, %swap3A_208] {strides = array<i32>} : memref<6x128xi32, #tpu.memory_space<vmem>>, vector<16xi32>,
    tpu.vector_store %arg10[%swap3A_207, %swap3A_208], %add3A_205 {strides = array<i32>} : memref<6x128xi32, #tpu.memory_space<vmem>>, vector<16xi32>,
    %add3A_210 = arith.constant 72 : i32
    %add3A_211 = arith.addi %select_n3A_30, %add3A_210 : i32
    %mul3A_212 = arith.constant 16 : i32
    %mul3A_213 = arith.muli %add3A_211, %mul3A_212 : i32
    %add3A_214 = vector.broadcast %mul3A_213 : i32 to vector<16xi32>
    %add3A_215 = arith.addi %add3A_214, %iota3A : vector<16xi32>
    %swap3A_216 = arith.constant 2 : i32
    %swap3A_217 = arith.index_cast %swap3A_216 : i32 to index
    %swap3A_218 = arith.constant 32 : index
    %swap3A_219 = tpu.vector_load %arg10[%swap3A_217, %swap3A_218] {strides = array<i32>} : memref<6x128xi32, #tpu.memory_space<vmem>>, vector<16xi32>,
    tpu.vector_store %arg10[%swap3A_217, %swap3A_218], %add3A_215 {strides = array<i32>} : memref<6x128xi32, #tpu.memory_space<vmem>>, vector<16xi32>,
    %add3A_220 = arith.constant 76 : i32
    %add3A_221 = arith.addi %select_n3A_30, %add3A_220 : i32
    %mul3A_222 = arith.constant 16 : i32
    %mul3A_223 = arith.muli %add3A_221, %mul3A_222 : i32
    %add3A_224 = vector.broadcast %mul3A_223 : i32 to vector<16xi32>
    %add3A_225 = arith.addi %add3A_224, %iota3A : vector<16xi32>
    %swap3A_226 = arith.constant 2 : i32
    %swap3A_227 = arith.index_cast %swap3A_226 : i32 to index
    %swap3A_228 = arith.constant 48 : index
    %swap3A_229 = tpu.vector_load %arg10[%swap3A_227, %swap3A_228] {strides = array<i32>} : memref<6x128xi32, #tpu.memory_space<vmem>>, vector<16xi32>,
    tpu.vector_store %arg10[%swap3A_227, %swap3A_228], %add3A_225 {strides = array<i32>} : memref<6x128xi32, #tpu.memory_space<vmem>>, vector<16xi32>,
    %add3A_230 = arith.constant 80 : i32
    %add3A_231 = arith.addi %select_n3A_30, %add3A_230 : i32
    %mul3A_232 = arith.constant 16 : i32
    %mul3A_233 = arith.muli %add3A_231, %mul3A_232 : i32
    %add3A_234 = vector.broadcast %mul3A_233 : i32 to vector<16xi32>
    %add3A_235 = arith.addi %add3A_234, %iota3A : vector<16xi32>
    %swap3A_236 = arith.constant 2 : i32
    %swap3A_237 = arith.index_cast %swap3A_236 : i32 to index
    %swap3A_238 = arith.constant 64 : index
    %swap3A_239 = tpu.vector_load %arg10[%swap3A_237, %swap3A_238] {strides = array<i32>} : memref<6x128xi32, #tpu.memory_space<vmem>>, vector<16xi32>,
    tpu.vector_store %arg10[%swap3A_237, %swap3A_238], %add3A_235 {strides = array<i32>} : memref<6x128xi32, #tpu.memory_space<vmem>>, vector<16xi32>,
    %add3A_240 = arith.constant 84 : i32
    %add3A_241 = arith.addi %select_n3A_30, %add3A_240 : i32
    %mul3A_242 = arith.constant 16 : i32
    %mul3A_243 = arith.muli %add3A_241, %mul3A_242 : i32
    %add3A_244 = vector.broadcast %mul3A_243 : i32 to vector<16xi32>
    %add3A_245 = arith.addi %add3A_244, %iota3A : vector<16xi32>
    %swap3A_246 = arith.constant 2 : i32
    %swap3A_247 = arith.index_cast %swap3A_246 : i32 to index
    %swap3A_248 = arith.constant 80 : index
    %swap3A_249 = tpu.vector_load %arg10[%swap3A_247, %swap3A_248] {strides = array<i32>} : memref<6x128xi32, #tpu.memory_space<vmem>>, vector<16xi32>,
    tpu.vector_store %arg10[%swap3A_247, %swap3A_248], %add3A_245 {strides = array<i32>} : memref<6x128xi32, #tpu.memory_space<vmem>>, vector<16xi32>,
    %add3A_250 = arith.constant 88 : i32
    %add3A_251 = arith.addi %select_n3A_30, %add3A_250 : i32
    %mul3A_252 = arith.constant 16 : i32
    %mul3A_253 = arith.muli %add3A_251, %mul3A_252 : i32
    %add3A_254 = vector.broadcast %mul3A_253 : i32 to vector<16xi32>
    %add3A_255 = arith.addi %add3A_254, %iota3A : vector<16xi32>
    %swap3A_256 = arith.constant 2 : i32
    %swap3A_257 = arith.index_cast %swap3A_256 : i32 to index
    %swap3A_258 = arith.constant 96 : index
    %swap3A_259 = tpu.vector_load %arg10[%swap3A_257, %swap3A_258] {strides = array<i32>} : memref<6x128xi32, #tpu.memory_space<vmem>>, vector<16xi32>,
    tpu.vector_store %arg10[%swap3A_257, %swap3A_258], %add3A_255 {strides = array<i32>} : memref<6x128xi32, #tpu.memory_space<vmem>>, vector<16xi32>,
    %add3A_260 = arith.constant 92 : i32
    %add3A_261 = arith.addi %select_n3A_30, %add3A_260 : i32
    %mul3A_262 = arith.constant 16 : i32
    %mul3A_263 = arith.muli %add3A_261, %mul3A_262 : i32
    %add3A_264 = vector.broadcast %mul3A_263 : i32 to vector<16xi32>
    %add3A_265 = arith.addi %add3A_264, %iota3A : vector<16xi32>
    %swap3A_266 = arith.constant 2 : i32
    %swap3A_267 = arith.index_cast %swap3A_266 : i32 to index
    %swap3A_268 = arith.constant 112 : index
    %swap3A_269 = tpu.vector_load %arg10[%swap3A_267, %swap3A_268] {strides = array<i32>} : memref<6x128xi32, #tpu.memory_space<vmem>>, vector<16xi32>,
    tpu.vector_store %arg10[%swap3A_267, %swap3A_268], %add3A_265 {strides = array<i32>} : memref<6x128xi32, #tpu.memory_space<vmem>>, vector<16xi32>,
    %add3A_270 = arith.constant 96 : i32
    %add3A_271 = arith.addi %select_n3A_30, %add3A_270 : i32
    %mul3A_272 = arith.constant 16 : i32
    %mul3A_273 = arith.muli %add3A_271, %mul3A_272 : i32
    %add3A_274 = vector.broadcast %mul3A_273 : i32 to vector<16xi32>
    %add3A_275 = arith.addi %add3A_274, %iota3A : vector<16xi32>
    %swap3A_276 = arith.constant 3 : i32
    %swap3A_277 = arith.index_cast %swap3A_276 : i32 to index
    %swap3A_278 = arith.constant 0 : index
    %swap3A_279 = tpu.vector_load %arg10[%swap3A_277, %swap3A_278] {strides = array<i32>} : memref<6x128xi32, #tpu.memory_space<vmem>>, vector<16xi32>,
    tpu.vector_store %arg10[%swap3A_277, %swap3A_278], %add3A_275 {strides = array<i32>} : memref<6x128xi32, #tpu.memory_space<vmem>>, vector<16xi32>,
    %add3A_280 = arith.constant 100 : i32
    %add3A_281 = arith.addi %select_n3A_30, %add3A_280 : i32
    %mul3A_282 = arith.constant 16 : i32
    %mul3A_283 = arith.muli %add3A_281, %mul3A_282 : i32
    %add3A_284 = vector.broadcast %mul3A_283 : i32 to vector<16xi32>
    %add3A_285 = arith.addi %add3A_284, %iota3A : vector<16xi32>
    %swap3A_286 = arith.constant 3 : i32
    %swap3A_287 = arith.index_cast %swap3A_286 : i32 to index
    %swap3A_288 = arith.constant 16 : index
    %swap3A_289 = tpu.vector_load %arg10[%swap3A_287, %swap3A_288] {strides = array<i32>} : memref<6x128xi32, #tpu.memory_space<vmem>>, vector<16xi32>,
    tpu.vector_store %arg10[%swap3A_287, %swap3A_288], %add3A_285 {strides = array<i32>} : memref<6x128xi32, #tpu.memory_space<vmem>>, vector<16xi32>,
    %add3A_290 = arith.constant 104 : i32
    %add3A_291 = arith.addi %select_n3A_30, %add3A_290 : i32
    %mul3A_292 = arith.constant 16 : i32
    %mul3A_293 = arith.muli %add3A_291, %mul3A_292 : i32
    %add3A_294 = vector.broadcast %mul3A_293 : i32 to vector<16xi32>
    %add3A_295 = arith.addi %add3A_294, %iota3A : vector<16xi32>
    %swap3A_296 = arith.constant 3 : i32
    %swap3A_297 = arith.index_cast %swap3A_296 : i32 to index
    %swap3A_298 = arith.constant 32 : index
    %swap3A_299 = tpu.vector_load %arg10[%swap3A_297, %swap3A_298] {strides = array<i32>} : memref<6x128xi32, #tpu.memory_space<vmem>>, vector<16xi32>,
    tpu.vector_store %arg10[%swap3A_297, %swap3A_298], %add3A_295 {strides = array<i32>} : memref<6x128xi32, #tpu.memory_space<vmem>>, vector<16xi32>,
    %add3A_300 = arith.constant 108 : i32
    %add3A_301 = arith.addi %select_n3A_30, %add3A_300 : i32
    %mul3A_302 = arith.constant 16 : i32
    %mul3A_303 = arith.muli %add3A_301, %mul3A_302 : i32
    %add3A_304 = vector.broadcast %mul3A_303 : i32 to vector<16xi32>
    %add3A_305 = arith.addi %add3A_304, %iota3A : vector<16xi32>
    %swap3A_306 = arith.constant 3 : i32
    %swap3A_307 = arith.index_cast %swap3A_306 : i32 to index
    %swap3A_308 = arith.constant 48 : index
    %swap3A_309 = tpu.vector_load %arg10[%swap3A_307, %swap3A_308] {strides = array<i32>} : memref<6x128xi32, #tpu.memory_space<vmem>>, vector<16xi32>,
    tpu.vector_store %arg10[%swap3A_307, %swap3A_308], %add3A_305 {strides = array<i32>} : memref<6x128xi32, #tpu.memory_space<vmem>>, vector<16xi32>,
    %add3A_310 = arith.constant 112 : i32
    %add3A_311 = arith.addi %select_n3A_30, %add3A_310 : i32
    %mul3A_312 = arith.constant 16 : i32
    %mul3A_313 = arith.muli %add3A_311, %mul3A_312 : i32
    %add3A_314 = vector.broadcast %mul3A_313 : i32 to vector<16xi32>
    %add3A_315 = arith.addi %add3A_314, %iota3A : vector<16xi32>
    %swap3A_316 = arith.constant 3 : i32
    %swap3A_317 = arith.index_cast %swap3A_316 : i32 to index
    %swap3A_318 = arith.constant 64 : index
    %swap3A_319 = tpu.vector_load %arg10[%swap3A_317, %swap3A_318] {strides = array<i32>} : memref<6x128xi32, #tpu.memory_space<vmem>>, vector<16xi32>,
    tpu.vector_store %arg10[%swap3A_317, %swap3A_318], %add3A_315 {strides = array<i32>} : memref<6x128xi32, #tpu.memory_space<vmem>>, vector<16xi32>,
    %add3A_320 = arith.constant 116 : i32
    %add3A_321 = arith.addi %select_n3A_30, %add3A_320 : i32
    %mul3A_322 = arith.constant 16 : i32
    %mul3A_323 = arith.muli %add3A_321, %mul3A_322 : i32
    %add3A_324 = vector.broadcast %mul3A_323 : i32 to vector<16xi32>
    %add3A_325 = arith.addi %add3A_324, %iota3A : vector<16xi32>
    %swap3A_326 = arith.constant 3 : i32
    %swap3A_327 = arith.index_cast %swap3A_326 : i32 to index
    %swap3A_328 = arith.constant 80 : index
    %swap3A_329 = tpu.vector_load %arg10[%swap3A_327, %swap3A_328] {strides = array<i32>} : memref<6x128xi32, #tpu.memory_space<vmem>>, vector<16xi32>,
    tpu.vector_store %arg10[%swap3A_327, %swap3A_328], %add3A_325 {strides = array<i32>} : memref<6x128xi32, #tpu.memory_space<vmem>>, vector<16xi32>,
    %add3A_330 = arith.constant 120 : i32
    %add3A_331 = arith.addi %select_n3A_30, %add3A_330 : i32
    %mul3A_332 = arith.constant 16 : i32
    %mul3A_333 = arith.muli %add3A_331, %mul3A_332 : i32
    %add3A_334 = vector.broadcast %mul3A_333 : i32 to vector<16xi32>
    %add3A_335 = arith.addi %add3A_334, %iota3A : vector<16xi32>
    %swap3A_336 = arith.constant 3 : i32
    %swap3A_337 = arith.index_cast %swap3A_336 : i32 to index
    %swap3A_338 = arith.constant 96 : index
    %swap3A_339 = tpu.vector_load %arg10[%swap3A_337, %swap3A_338] {strides = array<i32>} : memref<6x128xi32, #tpu.memory_space<vmem>>, vector<16xi32>,
    tpu.vector_store %arg10[%swap3A_337, %swap3A_338], %add3A_335 {strides = array<i32>} : memref<6x128xi32, #tpu.memory_space<vmem>>, vector<16xi32>,
    %add3A_340 = arith.constant 124 : i32
    %add3A_341 = arith.addi %select_n3A_30, %add3A_340 : i32
    %mul3A_342 = arith.constant 16 : i32
    %mul3A_343 = arith.muli %add3A_341, %mul3A_342 : i32
    %add3A_344 = vector.broadcast %mul3A_343 : i32 to vector<16xi32>
    %add3A_345 = arith.addi %add3A_344, %iota3A : vector<16xi32>
    %swap3A_346 = arith.constant 3 : i32
    %swap3A_347 = arith.index_cast %swap3A_346 : i32 to index
    %swap3A_348 = arith.constant 112 : index
    %swap3A_349 = tpu.vector_load %arg10[%swap3A_347, %swap3A_348] {strides = array<i32>} : memref<6x128xi32, #tpu.memory_space<vmem>>, vector<16xi32>,
    tpu.vector_store %arg10[%swap3A_347, %swap3A_348], %add3A_345 {strides = array<i32>} : memref<6x128xi32, #tpu.memory_space<vmem>>, vector<16xi32>,
    %add3A_350 = arith.constant 128 : i32
    %add3A_351 = arith.addi %select_n3A_30, %add3A_350 : i32
    %mul3A_352 = arith.constant 16 : i32
    %mul3A_353 = arith.muli %add3A_351, %mul3A_352 : i32
    %add3A_354 = vector.broadcast %mul3A_353 : i32 to vector<16xi32>
    %add3A_355 = arith.addi %add3A_354, %iota3A : vector<16xi32>
    %swap3A_356 = arith.constant 4 : i32
    %swap3A_357 = arith.index_cast %swap3A_356 : i32 to index
    %swap3A_358 = arith.constant 0 : index
    %swap3A_359 = tpu.vector_load %arg10[%swap3A_357, %swap3A_358] {strides = array<i32>} : memref<6x128xi32, #tpu.memory_space<vmem>>, vector<16xi32>,
    tpu.vector_store %arg10[%swap3A_357, %swap3A_358], %add3A_355 {strides = array<i32>} : memref<6x128xi32, #tpu.memory_space<vmem>>, vector<16xi32>,
    %add3A_360 = arith.constant 132 : i32
    %add3A_361 = arith.addi %select_n3A_30, %add3A_360 : i32
    %mul3A_362 = arith.constant 16 : i32
    %mul3A_363 = arith.muli %add3A_361, %mul3A_362 : i32
    %add3A_364 = vector.broadcast %mul3A_363 : i32 to vector<16xi32>
    %add3A_365 = arith.addi %add3A_364, %iota3A : vector<16xi32>
    %swap3A_366 = arith.constant 4 : i32
    %swap3A_367 = arith.index_cast %swap3A_366 : i32 to index
    %swap3A_368 = arith.constant 16 : index
    %swap3A_369 = tpu.vector_load %arg10[%swap3A_367, %swap3A_368] {strides = array<i32>} : memref<6x128xi32, #tpu.memory_space<vmem>>, vector<16xi32>,
    tpu.vector_store %arg10[%swap3A_367, %swap3A_368], %add3A_365 {strides = array<i32>} : memref<6x128xi32, #tpu.memory_space<vmem>>, vector<16xi32>,
    %add3A_370 = arith.constant 136 : i32
    %add3A_371 = arith.addi %select_n3A_30, %add3A_370 : i32
    %mul3A_372 = arith.constant 16 : i32
    %mul3A_373 = arith.muli %add3A_371, %mul3A_372 : i32
    %add3A_374 = vector.broadcast %mul3A_373 : i32 to vector<16xi32>
    %add3A_375 = arith.addi %add3A_374, %iota3A : vector<16xi32>
    %swap3A_376 = arith.constant 4 : i32
    %swap3A_377 = arith.index_cast %swap3A_376 : i32 to index
    %swap3A_378 = arith.constant 32 : index
    %swap3A_379 = tpu.vector_load %arg10[%swap3A_377, %swap3A_378] {strides = array<i32>} : memref<6x128xi32, #tpu.memory_space<vmem>>, vector<16xi32>,
    tpu.vector_store %arg10[%swap3A_377, %swap3A_378], %add3A_375 {strides = array<i32>} : memref<6x128xi32, #tpu.memory_space<vmem>>, vector<16xi32>,
    %add3A_380 = arith.constant 140 : i32
    %add3A_381 = arith.addi %select_n3A_30, %add3A_380 : i32
    %mul3A_382 = arith.constant 16 : i32
    %mul3A_383 = arith.muli %add3A_381, %mul3A_382 : i32
    %add3A_384 = vector.broadcast %mul3A_383 : i32 to vector<16xi32>
    %add3A_385 = arith.addi %add3A_384, %iota3A : vector<16xi32>
    %swap3A_386 = arith.constant 4 : i32
    %swap3A_387 = arith.index_cast %swap3A_386 : i32 to index
    %swap3A_388 = arith.constant 48 : index
    %swap3A_389 = tpu.vector_load %arg10[%swap3A_387, %swap3A_388] {strides = array<i32>} : memref<6x128xi32, #tpu.memory_space<vmem>>, vector<16xi32>,
    tpu.vector_store %arg10[%swap3A_387, %swap3A_388], %add3A_385 {strides = array<i32>} : memref<6x128xi32, #tpu.memory_space<vmem>>, vector<16xi32>,
    %add3A_390 = arith.constant 144 : i32
    %add3A_391 = arith.addi %select_n3A_30, %add3A_390 : i32
    %mul3A_392 = arith.constant 16 : i32
    %mul3A_393 = arith.muli %add3A_391, %mul3A_392 : i32
    %add3A_394 = vector.broadcast %mul3A_393 : i32 to vector<16xi32>
    %add3A_395 = arith.addi %add3A_394, %iota3A : vector<16xi32>
    %swap3A_396 = arith.constant 4 : i32
    %swap3A_397 = arith.index_cast %swap3A_396 : i32 to index
    %swap3A_398 = arith.constant 64 : index
    %swap3A_399 = tpu.vector_load %arg10[%swap3A_397, %swap3A_398] {strides = array<i32>} : memref<6x128xi32, #tpu.memory_space<vmem>>, vector<16xi32>,
    tpu.vector_store %arg10[%swap3A_397, %swap3A_398], %add3A_395 {strides = array<i32>} : memref<6x128xi32, #tpu.memory_space<vmem>>, vector<16xi32>,
    %add3A_400 = arith.constant 148 : i32
    %add3A_401 = arith.addi %select_n3A_30, %add3A_400 : i32
    %mul3A_402 = arith.constant 16 : i32
    %mul3A_403 = arith.muli %add3A_401, %mul3A_402 : i32
    %add3A_404 = vector.broadcast %mul3A_403 : i32 to vector<16xi32>
    %add3A_405 = arith.addi %add3A_404, %iota3A : vector<16xi32>
    %swap3A_406 = arith.constant 4 : i32
    %swap3A_407 = arith.index_cast %swap3A_406 : i32 to index
    %swap3A_408 = arith.constant 80 : index
    %swap3A_409 = tpu.vector_load %arg10[%swap3A_407, %swap3A_408] {strides = array<i32>} : memref<6x128xi32, #tpu.memory_space<vmem>>, vector<16xi32>,
    tpu.vector_store %arg10[%swap3A_407, %swap3A_408], %add3A_405 {strides = array<i32>} : memref<6x128xi32, #tpu.memory_space<vmem>>, vector<16xi32>,
    %add3A_410 = arith.constant 152 : i32
    %add3A_411 = arith.addi %select_n3A_30, %add3A_410 : i32
    %mul3A_412 = arith.constant 16 : i32
    %mul3A_413 = arith.muli %add3A_411, %mul3A_412 : i32
    %add3A_414 = vector.broadcast %mul3A_413 : i32 to vector<16xi32>
    %add3A_415 = arith.addi %add3A_414, %iota3A : vector<16xi32>
    %swap3A_416 = arith.constant 4 : i32
    %swap3A_417 = arith.index_cast %swap3A_416 : i32 to index
    %swap3A_418 = arith.constant 96 : index
    %swap3A_419 = tpu.vector_load %arg10[%swap3A_417, %swap3A_418] {strides = array<i32>} : memref<6x128xi32, #tpu.memory_space<vmem>>, vector<16xi32>,
    tpu.vector_store %arg10[%swap3A_417, %swap3A_418], %add3A_415 {strides = array<i32>} : memref<6x128xi32, #tpu.memory_space<vmem>>, vector<16xi32>,
    %add3A_420 = arith.constant 156 : i32
    %add3A_421 = arith.addi %select_n3A_30, %add3A_420 : i32
    %mul3A_422 = arith.constant 16 : i32
    %mul3A_423 = arith.muli %add3A_421, %mul3A_422 : i32
    %add3A_424 = vector.broadcast %mul3A_423 : i32 to vector<16xi32>
    %add3A_425 = arith.addi %add3A_424, %iota3A : vector<16xi32>
    %swap3A_426 = arith.constant 4 : i32
    %swap3A_427 = arith.index_cast %swap3A_426 : i32 to index
    %swap3A_428 = arith.constant 112 : index
    %swap3A_429 = tpu.vector_load %arg10[%swap3A_427, %swap3A_428] {strides = array<i32>} : memref<6x128xi32, #tpu.memory_space<vmem>>, vector<16xi32>,
    tpu.vector_store %arg10[%swap3A_427, %swap3A_428], %add3A_425 {strides = array<i32>} : memref<6x128xi32, #tpu.memory_space<vmem>>, vector<16xi32>,
    %add3A_430 = arith.constant 160 : i32
    %add3A_431 = arith.addi %select_n3A_30, %add3A_430 : i32
    %mul3A_432 = arith.constant 16 : i32
    %mul3A_433 = arith.muli %add3A_431, %mul3A_432 : i32
    %add3A_434 = vector.broadcast %mul3A_433 : i32 to vector<16xi32>
    %add3A_435 = arith.addi %add3A_434, %iota3A : vector<16xi32>
    %swap3A_436 = arith.constant 5 : i32
    %swap3A_437 = arith.index_cast %swap3A_436 : i32 to index
    %swap3A_438 = arith.constant 0 : index
    %swap3A_439 = tpu.vector_load %arg10[%swap3A_437, %swap3A_438] {strides = array<i32>} : memref<6x128xi32, #tpu.memory_space<vmem>>, vector<16xi32>,
    tpu.vector_store %arg10[%swap3A_437, %swap3A_438], %add3A_435 {strides = array<i32>} : memref<6x128xi32, #tpu.memory_space<vmem>>, vector<16xi32>,
    %add3A_440 = arith.constant 164 : i32
    %add3A_441 = arith.addi %select_n3A_30, %add3A_440 : i32
    %mul3A_442 = arith.constant 16 : i32
    %mul3A_443 = arith.muli %add3A_441, %mul3A_442 : i32
    %add3A_444 = vector.broadcast %mul3A_443 : i32 to vector<16xi32>
    %add3A_445 = arith.addi %add3A_444, %iota3A : vector<16xi32>
    %swap3A_446 = arith.constant 5 : i32
    %swap3A_447 = arith.index_cast %swap3A_446 : i32 to index
    %swap3A_448 = arith.constant 16 : index
    %swap3A_449 = tpu.vector_load %arg10[%swap3A_447, %swap3A_448] {strides = array<i32>} : memref<6x128xi32, #tpu.memory_space<vmem>>, vector<16xi32>,
    tpu.vector_store %arg10[%swap3A_447, %swap3A_448], %add3A_445 {strides = array<i32>} : memref<6x128xi32, #tpu.memory_space<vmem>>, vector<16xi32>,
    %add3A_450 = arith.constant 168 : i32
    %add3A_451 = arith.addi %select_n3A_30, %add3A_450 : i32
    %mul3A_452 = arith.constant 16 : i32
    %mul3A_453 = arith.muli %add3A_451, %mul3A_452 : i32
    %add3A_454 = vector.broadcast %mul3A_453 : i32 to vector<16xi32>
    %add3A_455 = arith.addi %add3A_454, %iota3A : vector<16xi32>
    %swap3A_456 = arith.constant 5 : i32
    %swap3A_457 = arith.index_cast %swap3A_456 : i32 to index
    %swap3A_458 = arith.constant 32 : index
    %swap3A_459 = tpu.vector_load %arg10[%swap3A_457, %swap3A_458] {strides = array<i32>} : memref<6x128xi32, #tpu.memory_space<vmem>>, vector<16xi32>,
    tpu.vector_store %arg10[%swap3A_457, %swap3A_458], %add3A_455 {strides = array<i32>} : memref<6x128xi32, #tpu.memory_space<vmem>>, vector<16xi32>,
    %add3A_460 = arith.constant 172 : i32
    %add3A_461 = arith.addi %select_n3A_30, %add3A_460 : i32
    %mul3A_462 = arith.constant 16 : i32
    %mul3A_463 = arith.muli %add3A_461, %mul3A_462 : i32
    %add3A_464 = vector.broadcast %mul3A_463 : i32 to vector<16xi32>
    %add3A_465 = arith.addi %add3A_464, %iota3A : vector<16xi32>
    %swap3A_466 = arith.constant 5 : i32
    %swap3A_467 = arith.index_cast %swap3A_466 : i32 to index
    %swap3A_468 = arith.constant 48 : index
    %swap3A_469 = tpu.vector_load %arg10[%swap3A_467, %swap3A_468] {strides = array<i32>} : memref<6x128xi32, #tpu.memory_space<vmem>>, vector<16xi32>,
    tpu.vector_store %arg10[%swap3A_467, %swap3A_468], %add3A_465 {strides = array<i32>} : memref<6x128xi32, #tpu.memory_space<vmem>>, vector<16xi32>,
    %add3A_470 = arith.constant 176 : i32
    %add3A_471 = arith.addi %select_n3A_30, %add3A_470 : i32
    %mul3A_472 = arith.constant 16 : i32
    %mul3A_473 = arith.muli %add3A_471, %mul3A_472 : i32
    %add3A_474 = vector.broadcast %mul3A_473 : i32 to vector<16xi32>
    %add3A_475 = arith.addi %add3A_474, %iota3A : vector<16xi32>
    %swap3A_476 = arith.constant 5 : i32
    %swap3A_477 = arith.index_cast %swap3A_476 : i32 to index
    %swap3A_478 = arith.constant 64 : index
    %swap3A_479 = tpu.vector_load %arg10[%swap3A_477, %swap3A_478] {strides = array<i32>} : memref<6x128xi32, #tpu.memory_space<vmem>>, vector<16xi32>,
    tpu.vector_store %arg10[%swap3A_477, %swap3A_478], %add3A_475 {strides = array<i32>} : memref<6x128xi32, #tpu.memory_space<vmem>>, vector<16xi32>,
    %add3A_480 = arith.constant 180 : i32
    %add3A_481 = arith.addi %select_n3A_30, %add3A_480 : i32
    %mul3A_482 = arith.constant 16 : i32
    %mul3A_483 = arith.muli %add3A_481, %mul3A_482 : i32
    %add3A_484 = vector.broadcast %mul3A_483 : i32 to vector<16xi32>
    %add3A_485 = arith.addi %add3A_484, %iota3A : vector<16xi32>
    %swap3A_486 = arith.constant 5 : i32
    %swap3A_487 = arith.index_cast %swap3A_486 : i32 to index
    %swap3A_488 = arith.constant 80 : index
    %swap3A_489 = tpu.vector_load %arg10[%swap3A_487, %swap3A_488] {strides = array<i32>} : memref<6x128xi32, #tpu.memory_space<vmem>>, vector<16xi32>,
    tpu.vector_store %arg10[%swap3A_487, %swap3A_488], %add3A_485 {strides = array<i32>} : memref<6x128xi32, #tpu.memory_space<vmem>>, vector<16xi32>,
    %add3A_490 = arith.constant 184 : i32
    %add3A_491 = arith.addi %select_n3A_30, %add3A_490 : i32
    %mul3A_492 = arith.constant 16 : i32
    %mul3A_493 = arith.muli %add3A_491, %mul3A_492 : i32
    %add3A_494 = vector.broadcast %mul3A_493 : i32 to vector<16xi32>
    %add3A_495 = arith.addi %add3A_494, %iota3A : vector<16xi32>
    %swap3A_496 = arith.constant 5 : i32
    %swap3A_497 = arith.index_cast %swap3A_496 : i32 to index
    %swap3A_498 = arith.constant 96 : index
    %swap3A_499 = tpu.vector_load %arg10[%swap3A_497, %swap3A_498] {strides = array<i32>} : memref<6x128xi32, #tpu.memory_space<vmem>>, vector<16xi32>,
    tpu.vector_store %arg10[%swap3A_497, %swap3A_498], %add3A_495 {strides = array<i32>} : memref<6x128xi32, #tpu.memory_space<vmem>>, vector<16xi32>,
    %broadcast_in_dim3A = arith.constant 0 : i32
    %broadcast_in_dim3A_500 = vector.broadcast %broadcast_in_dim3A : i32 to vector<16xi32>
    %swap3A_501 = arith.constant 5 : i32
    %swap3A_502 = arith.index_cast %swap3A_501 : i32 to index
    %swap3A_503 = arith.constant 112 : index
    %swap3A_504 = tpu.vector_load %arg10[%swap3A_502, %swap3A_503] {strides = array<i32>} : memref<6x128xi32, #tpu.memory_space<vmem>>, vector<16xi32>,
    tpu.vector_store %arg10[%swap3A_502, %swap3A_503], %broadcast_in_dim3A_500 {strides = array<i32>} : memref<6x128xi32, #tpu.memory_space<vmem>>, vector<16xi32>,
    %dma_start3A = arith.constant 0 : i32
    %dma_start3A_505 = arith.constant 0 : i32
    %dma_start3A_506 = arith.constant 0 : i32
    %dma_start3A_507 = tpu.memref_slice %arg8[%dma_start3A_505, %dma_start3A_506] : memref<768x16xf32, #tpu.memory_space<vmem>> -> memref<128x16xf32, #tpu.memory_space<vmem>>
    %dma_start3A_508 = arith.constant 0 : i32
    %dma_start3A_509 = tpu.memref_slice %arg10[%dma_start3A, %dma_start3A_508] : memref<6x128xi32, #tpu.memory_space<vmem>> -> memref<1x128xi32, #tpu.memory_space<vmem>>
    %dma_start3A_510 = tpu.memref_squeeze %dma_start3A_509 : memref<1x128xi32, #tpu.memory_space<vmem>> -> memref<128xi32, #tpu.memory_space<vmem>>
    %dma_start3A_511 = arith.constant 0 : i32
    %dma_start3A_512 = arith.constant 0 : i32
    %dma_start3A_513 = tpu.memref_slice %arg2[%select_n3A, %dma_start3A_511, %dma_start3A_512] : memref<8x3008x16xf32, #tpu.memory_space<hbm>> -> memref<1x3008x16xf32, #tpu.memory_space<hbm>>
    %dma_start3A_514 = tpu.memref_squeeze %dma_start3A_513 : memref<1x3008x16xf32, #tpu.memory_space<hbm>> -> memref<3008x16xf32, #tpu.memory_space<hbm>>
    %dma_start3A_515 = arith.constant 0 : i32
    %dma_start3A_516 = arith.constant 0 : i32
    %dma_start3A_517 = tpu.memref_slice %dma_start3A_514[%dma_start3A_515, %dma_start3A_516] : memref<3008x16xf32, #tpu.memory_space<hbm>> -> memref<3008x16xf32, #tpu.memory_space<hbm>>
    tpu.enqueue_indirect_dma source(%dma_start3A_517 : memref<3008x16xf32, #tpu.memory_space<hbm>>) target(%dma_start3A_507 : memref<128x16xf32, #tpu.memory_space<vmem>>) offsets(%dma_start3A_510 : memref<128xi32, #tpu.memory_space<vmem>>) semaphore(%arg12 : memref<!tpu.dma_semaphore, #tpu.memory_space<semaphore_mem>>)
    %dma_start3A_518 = arith.constant 1 : i32
    %dma_start3A_519 = arith.constant 128 : i32
    %dma_start3A_520 = arith.constant 0 : i32
    %dma_start3A_521 = tpu.memref_slice %arg8[%dma_start3A_519, %dma_start3A_520] : memref<768x16xf32, #tpu.memory_space<vmem>> -> memref<128x16xf32, #tpu.memory_space<vmem>>
    %dma_start3A_522 = arith.constant 0 : i32
    %dma_start3A_523 = tpu.memref_slice %arg10[%dma_start3A_518, %dma_start3A_522] : memref<6x128xi32, #tpu.memory_space<vmem>> -> memref<1x128xi32, #tpu.memory_space<vmem>>
    %dma_start3A_524 = tpu.memref_squeeze %dma_start3A_523 : memref<1x128xi32, #tpu.memory_space<vmem>> -> memref<128xi32, #tpu.memory_space<vmem>>
    %dma_start3A_525 = arith.constant 0 : i32
    %dma_start3A_526 = arith.constant 0 : i32
    %dma_start3A_527 = tpu.memref_slice %arg2[%select_n3A, %dma_start3A_525, %dma_start3A_526] : memref<8x3008x16xf32, #tpu.memory_space<hbm>> -> memref<1x3008x16xf32, #tpu.memory_space<hbm>>
    %dma_start3A_528 = tpu.memref_squeeze %dma_start3A_527 : memref<1x3008x16xf32, #tpu.memory_space<hbm>> -> memref<3008x16xf32, #tpu.memory_space<hbm>>
    %dma_start3A_529 = arith.constant 0 : i32
    %dma_start3A_530 = arith.constant 0 : i32
    %dma_start3A_531 = tpu.memref_slice %dma_start3A_528[%dma_start3A_529, %dma_start3A_530] : memref<3008x16xf32, #tpu.memory_space<hbm>> -> memref<3008x16xf32, #tpu.memory_space<hbm>>
    tpu.enqueue_indirect_dma source(%dma_start3A_531 : memref<3008x16xf32, #tpu.memory_space<hbm>>) target(%dma_start3A_521 : memref<128x16xf32, #tpu.memory_space<vmem>>) offsets(%dma_start3A_524 : memref<128xi32, #tpu.memory_space<vmem>>) semaphore(%arg12 : memref<!tpu.dma_semaphore, #tpu.memory_space<semaphore_mem>>)
    %dma_start3A_532 = arith.constant 2 : i32
    %dma_start3A_533 = arith.constant 256 : i32
    %dma_start3A_534 = arith.constant 0 : i32
    %dma_start3A_535 = tpu.memref_slice %arg8[%dma_start3A_533, %dma_start3A_534] : memref<768x16xf32, #tpu.memory_space<vmem>> -> memref<128x16xf32, #tpu.memory_space<vmem>>
    %dma_start3A_536 = arith.constant 0 : i32
    %dma_start3A_537 = tpu.memref_slice %arg10[%dma_start3A_532, %dma_start3A_536] : memref<6x128xi32, #tpu.memory_space<vmem>> -> memref<1x128xi32, #tpu.memory_space<vmem>>
    %dma_start3A_538 = tpu.memref_squeeze %dma_start3A_537 : memref<1x128xi32, #tpu.memory_space<vmem>> -> memref<128xi32, #tpu.memory_space<vmem>>
    %dma_start3A_539 = arith.constant 0 : i32
    %dma_start3A_540 = arith.constant 0 : i32
    %dma_start3A_541 = tpu.memref_slice %arg2[%select_n3A, %dma_start3A_539, %dma_start3A_540] : memref<8x3008x16xf32, #tpu.memory_space<hbm>> -> memref<1x3008x16xf32, #tpu.memory_space<hbm>>
    %dma_start3A_542 = tpu.memref_squeeze %dma_start3A_541 : memref<1x3008x16xf32, #tpu.memory_space<hbm>> -> memref<3008x16xf32, #tpu.memory_space<hbm>>
    %dma_start3A_543 = arith.constant 0 : i32
    %dma_start3A_544 = arith.constant 0 : i32
    %dma_start3A_545 = tpu.memref_slice %dma_start3A_542[%dma_start3A_543, %dma_start3A_544] : memref<3008x16xf32, #tpu.memory_space<hbm>> -> memref<3008x16xf32, #tpu.memory_space<hbm>>
    tpu.enqueue_indirect_dma source(%dma_start3A_545 : memref<3008x16xf32, #tpu.memory_space<hbm>>) target(%dma_start3A_535 : memref<128x16xf32, #tpu.memory_space<vmem>>) offsets(%dma_start3A_538 : memref<128xi32, #tpu.memory_space<vmem>>) semaphore(%arg12 : memref<!tpu.dma_semaphore, #tpu.memory_space<semaphore_mem>>)
    %dma_start3A_546 = arith.constant 3 : i32
    %dma_start3A_547 = arith.constant 384 : i32
    %dma_start3A_548 = arith.constant 0 : i32
    %dma_start3A_549 = tpu.memref_slice %arg8[%dma_start3A_547, %dma_start3A_548] : memref<768x16xf32, #tpu.memory_space<vmem>> -> memref<128x16xf32, #tpu.memory_space<vmem>>
    %dma_start3A_550 = arith.constant 0 : i32
    %dma_start3A_551 = tpu.memref_slice %arg10[%dma_start3A_546, %dma_start3A_550] : memref<6x128xi32, #tpu.memory_space<vmem>> -> memref<1x128xi32, #tpu.memory_space<vmem>>
    %dma_start3A_552 = tpu.memref_squeeze %dma_start3A_551 : memref<1x128xi32, #tpu.memory_space<vmem>> -> memref<128xi32, #tpu.memory_space<vmem>>
    %dma_start3A_553 = arith.constant 0 : i32
    %dma_start3A_554 = arith.constant 0 : i32
    %dma_start3A_555 = tpu.memref_slice %arg2[%select_n3A, %dma_start3A_553, %dma_start3A_554] : memref<8x3008x16xf32, #tpu.memory_space<hbm>> -> memref<1x3008x16xf32, #tpu.memory_space<hbm>>
    %dma_start3A_556 = tpu.memref_squeeze %dma_start3A_555 : memref<1x3008x16xf32, #tpu.memory_space<hbm>> -> memref<3008x16xf32, #tpu.memory_space<hbm>>
    %dma_start3A_557 = arith.constant 0 : i32
    %dma_start3A_558 = arith.constant 0 : i32
    %dma_start3A_559 = tpu.memref_slice %dma_start3A_556[%dma_start3A_557, %dma_start3A_558] : memref<3008x16xf32, #tpu.memory_space<hbm>> -> memref<3008x16xf32, #tpu.memory_space<hbm>>
    tpu.enqueue_indirect_dma source(%dma_start3A_559 : memref<3008x16xf32, #tpu.memory_space<hbm>>) target(%dma_start3A_549 : memref<128x16xf32, #tpu.memory_space<vmem>>) offsets(%dma_start3A_552 : memref<128xi32, #tpu.memory_space<vmem>>) semaphore(%arg12 : memref<!tpu.dma_semaphore, #tpu.memory_space<semaphore_mem>>)
    %dma_start3A_560 = arith.constant 4 : i32
    %dma_start3A_561 = arith.constant 512 : i32
    %dma_start3A_562 = arith.constant 0 : i32
    %dma_start3A_563 = tpu.memref_slice %arg8[%dma_start3A_561, %dma_start3A_562] : memref<768x16xf32, #tpu.memory_space<vmem>> -> memref<128x16xf32, #tpu.memory_space<vmem>>
    %dma_start3A_564 = arith.constant 0 : i32
    %dma_start3A_565 = tpu.memref_slice %arg10[%dma_start3A_560, %dma_start3A_564] : memref<6x128xi32, #tpu.memory_space<vmem>> -> memref<1x128xi32, #tpu.memory_space<vmem>>
    %dma_start3A_566 = tpu.memref_squeeze %dma_start3A_565 : memref<1x128xi32, #tpu.memory_space<vmem>> -> memref<128xi32, #tpu.memory_space<vmem>>
    %dma_start3A_567 = arith.constant 0 : i32
    %dma_start3A_568 = arith.constant 0 : i32
    %dma_start3A_569 = tpu.memref_slice %arg2[%select_n3A, %dma_start3A_567, %dma_start3A_568] : memref<8x3008x16xf32, #tpu.memory_space<hbm>> -> memref<1x3008x16xf32, #tpu.memory_space<hbm>>
    %dma_start3A_570 = tpu.memref_squeeze %dma_start3A_569 : memref<1x3008x16xf32, #tpu.memory_space<hbm>> -> memref<3008x16xf32, #tpu.memory_space<hbm>>
    %dma_start3A_571 = arith.constant 0 : i32
    %dma_start3A_572 = arith.constant 0 : i32
    %dma_start3A_573 = tpu.memref_slice %dma_start3A_570[%dma_start3A_571, %dma_start3A_572] : memref<3008x16xf32, #tpu.memory_space<hbm>> -> memref<3008x16xf32, #tpu.memory_space<hbm>>
    tpu.enqueue_indirect_dma source(%dma_start3A_573 : memref<3008x16xf32, #tpu.memory_space<hbm>>) target(%dma_start3A_563 : memref<128x16xf32, #tpu.memory_space<vmem>>) offsets(%dma_start3A_566 : memref<128xi32, #tpu.memory_space<vmem>>) semaphore(%arg12 : memref<!tpu.dma_semaphore, #tpu.memory_space<semaphore_mem>>)
    %dma_start3A_574 = arith.constant 5 : i32
    %dma_start3A_575 = arith.constant 640 : i32
    %dma_start3A_576 = arith.constant 0 : i32
    %dma_start3A_577 = tpu.memref_slice %arg8[%dma_start3A_575, %dma_start3A_576] : memref<768x16xf32, #tpu.memory_space<vmem>> -> memref<128x16xf32, #tpu.memory_space<vmem>>
    %dma_start3A_578 = arith.constant 0 : i32
    %dma_start3A_579 = tpu.memref_slice %arg10[%dma_start3A_574, %dma_start3A_578] : memref<6x128xi32, #tpu.memory_space<vmem>> -> memref<1x128xi32, #tpu.memory_space<vmem>>
    %dma_start3A_580 = tpu.memref_squeeze %dma_start3A_579 : memref<1x128xi32, #tpu.memory_space<vmem>> -> memref<128xi32, #tpu.memory_space<vmem>>
    %dma_start3A_581 = arith.constant 0 : i32
    %dma_start3A_582 = arith.constant 0 : i32
    %dma_start3A_583 = tpu.memref_slice %arg2[%select_n3A, %dma_start3A_581, %dma_start3A_582] : memref<8x3008x16xf32, #tpu.memory_space<hbm>> -> memref<1x3008x16xf32, #tpu.memory_space<hbm>>
    %dma_start3A_584 = tpu.memref_squeeze %dma_start3A_583 : memref<1x3008x16xf32, #tpu.memory_space<hbm>> -> memref<3008x16xf32, #tpu.memory_space<hbm>>
    %dma_start3A_585 = arith.constant 0 : i32
    %dma_start3A_586 = arith.constant 0 : i32
    %dma_start3A_587 = tpu.memref_slice %dma_start3A_584[%dma_start3A_585, %dma_start3A_586] : memref<3008x16xf32, #tpu.memory_space<hbm>> -> memref<3008x16xf32, #tpu.memory_space<hbm>>
    tpu.enqueue_indirect_dma source(%dma_start3A_587 : memref<3008x16xf32, #tpu.memory_space<hbm>>) target(%dma_start3A_577 : memref<128x16xf32, #tpu.memory_space<vmem>>) offsets(%dma_start3A_580 : memref<128xi32, #tpu.memory_space<vmem>>) semaphore(%arg12 : memref<!tpu.dma_semaphore, #tpu.memory_space<semaphore_mem>>)
    %dma_wait3A = arith.constant 0 : i32
    %dma_wait3A_588 = arith.constant 0 : i32
    %dma_wait3A_589 = arith.constant 0 : i32
    %dma_wait3A_590 = tpu.memref_slice %arg8[%dma_wait3A_588, %dma_wait3A_589] : memref<768x16xf32, #tpu.memory_space<vmem>> -> memref<128x16xf32, #tpu.memory_space<vmem>>
    %dma_wait3A_591 = arith.constant 0 : i32
    %dma_wait3A_592 = tpu.memref_slice %arg10[%dma_wait3A, %dma_wait3A_591] : memref<6x128xi32, #tpu.memory_space<vmem>> -> memref<1x128xi32, #tpu.memory_space<vmem>>
    %dma_wait3A_593 = tpu.memref_squeeze %dma_wait3A_592 : memref<1x128xi32, #tpu.memory_space<vmem>> -> memref<128xi32, #tpu.memory_space<vmem>>
    %dma_wait3A_594 = arith.constant 0 : i32
    %dma_wait3A_595 = arith.constant 0 : i32
    %dma_wait3A_596 = tpu.memref_slice %arg2[%select_n3A, %dma_wait3A_594, %dma_wait3A_595] : memref<8x3008x16xf32, #tpu.memory_space<hbm>> -> memref<1x3008x16xf32, #tpu.memory_space<hbm>>
    %dma_wait3A_597 = tpu.memref_squeeze %dma_wait3A_596 : memref<1x3008x16xf32, #tpu.memory_space<hbm>> -> memref<3008x16xf32, #tpu.memory_space<hbm>>
    %dma_wait3A_598 = arith.constant 0 : i32
    %dma_wait3A_599 = arith.constant 0 : i32
    %dma_wait3A_600 = tpu.memref_slice %dma_wait3A_597[%dma_wait3A_598, %dma_wait3A_599] : memref<3008x16xf32, #tpu.memory_space<hbm>> -> memref<3008x16xf32, #tpu.memory_space<hbm>>
    tpu.wait_indirect_dma semaphore(%arg12 : memref<!tpu.dma_semaphore, #tpu.memory_space<semaphore_mem>>) src(%dma_wait3A_600 : memref<3008x16xf32, #tpu.memory_space<hbm>>) dst(%dma_wait3A_590 : memref<128x16xf32, #tpu.memory_space<vmem>>)
    %dma_wait3A_601 = arith.constant 1 : i32
    %dma_wait3A_602 = arith.constant 128 : i32
    %dma_wait3A_603 = arith.constant 0 : i32
    %dma_wait3A_604 = tpu.memref_slice %arg8[%dma_wait3A_602, %dma_wait3A_603] : memref<768x16xf32, #tpu.memory_space<vmem>> -> memref<128x16xf32, #tpu.memory_space<vmem>>
    %dma_wait3A_605 = arith.constant 0 : i32
    %dma_wait3A_606 = tpu.memref_slice %arg10[%dma_wait3A_601, %dma_wait3A_605] : memref<6x128xi32, #tpu.memory_space<vmem>> -> memref<1x128xi32, #tpu.memory_space<vmem>>
    %dma_wait3A_607 = tpu.memref_squeeze %dma_wait3A_606 : memref<1x128xi32, #tpu.memory_space<vmem>> -> memref<128xi32, #tpu.memory_space<vmem>>
    %dma_wait3A_608 = arith.constant 0 : i32
    %dma_wait3A_609 = arith.constant 0 : i32
    %dma_wait3A_610 = tpu.memref_slice %arg2[%select_n3A, %dma_wait3A_608, %dma_wait3A_609] : memref<8x3008x16xf32, #tpu.memory_space<hbm>> -> memref<1x3008x16xf32, #tpu.memory_space<hbm>>
    %dma_wait3A_611 = tpu.memref_squeeze %dma_wait3A_610 : memref<1x3008x16xf32, #tpu.memory_space<hbm>> -> memref<3008x16xf32, #tpu.memory_space<hbm>>
    %dma_wait3A_612 = arith.constant 0 : i32
    %dma_wait3A_613 = arith.constant 0 : i32
    %dma_wait3A_614 = tpu.memref_slice %dma_wait3A_611[%dma_wait3A_612, %dma_wait3A_613] : memref<3008x16xf32, #tpu.memory_space<hbm>> -> memref<3008x16xf32, #tpu.memory_space<hbm>>
    tpu.wait_indirect_dma semaphore(%arg12 : memref<!tpu.dma_semaphore, #tpu.memory_space<semaphore_mem>>) src(%dma_wait3A_614 : memref<3008x16xf32, #tpu.memory_space<hbm>>) dst(%dma_wait3A_604 : memref<128x16xf32, #tpu.memory_space<vmem>>)
    %dma_wait3A_615 = arith.constant 2 : i32
    %dma_wait3A_616 = arith.constant 256 : i32
    %dma_wait3A_617 = arith.constant 0 : i32
    %dma_wait3A_618 = tpu.memref_slice %arg8[%dma_wait3A_616, %dma_wait3A_617] : memref<768x16xf32, #tpu.memory_space<vmem>> -> memref<128x16xf32, #tpu.memory_space<vmem>>
    %dma_wait3A_619 = arith.constant 0 : i32
    %dma_wait3A_620 = tpu.memref_slice %arg10[%dma_wait3A_615, %dma_wait3A_619] : memref<6x128xi32, #tpu.memory_space<vmem>> -> memref<1x128xi32, #tpu.memory_space<vmem>>
    %dma_wait3A_621 = tpu.memref_squeeze %dma_wait3A_620 : memref<1x128xi32, #tpu.memory_space<vmem>> -> memref<128xi32, #tpu.memory_space<vmem>>
    %dma_wait3A_622 = arith.constant 0 : i32
    %dma_wait3A_623 = arith.constant 0 : i32
    %dma_wait3A_624 = tpu.memref_slice %arg2[%select_n3A, %dma_wait3A_622, %dma_wait3A_623] : memref<8x3008x16xf32, #tpu.memory_space<hbm>> -> memref<1x3008x16xf32, #tpu.memory_space<hbm>>
    %dma_wait3A_625 = tpu.memref_squeeze %dma_wait3A_624 : memref<1x3008x16xf32, #tpu.memory_space<hbm>> -> memref<3008x16xf32, #tpu.memory_space<hbm>>
    %dma_wait3A_626 = arith.constant 0 : i32
    %dma_wait3A_627 = arith.constant 0 : i32
    %dma_wait3A_628 = tpu.memref_slice %dma_wait3A_625[%dma_wait3A_626, %dma_wait3A_627] : memref<3008x16xf32, #tpu.memory_space<hbm>> -> memref<3008x16xf32, #tpu.memory_space<hbm>>
    tpu.wait_indirect_dma semaphore(%arg12 : memref<!tpu.dma_semaphore, #tpu.memory_space<semaphore_mem>>) src(%dma_wait3A_628 : memref<3008x16xf32, #tpu.memory_space<hbm>>) dst(%dma_wait3A_618 : memref<128x16xf32, #tpu.memory_space<vmem>>)
    %dma_wait3A_629 = arith.constant 3 : i32
    %dma_wait3A_630 = arith.constant 384 : i32
    %dma_wait3A_631 = arith.constant 0 : i32
    %dma_wait3A_632 = tpu.memref_slice %arg8[%dma_wait3A_630, %dma_wait3A_631] : memref<768x16xf32, #tpu.memory_space<vmem>> -> memref<128x16xf32, #tpu.memory_space<vmem>>
    %dma_wait3A_633 = arith.constant 0 : i32
    %dma_wait3A_634 = tpu.memref_slice %arg10[%dma_wait3A_629, %dma_wait3A_633] : memref<6x128xi32, #tpu.memory_space<vmem>> -> memref<1x128xi32, #tpu.memory_space<vmem>>
    %dma_wait3A_635 = tpu.memref_squeeze %dma_wait3A_634 : memref<1x128xi32, #tpu.memory_space<vmem>> -> memref<128xi32, #tpu.memory_space<vmem>>
    %dma_wait3A_636 = arith.constant 0 : i32
    %dma_wait3A_637 = arith.constant 0 : i32
    %dma_wait3A_638 = tpu.memref_slice %arg2[%select_n3A, %dma_wait3A_636, %dma_wait3A_637] : memref<8x3008x16xf32, #tpu.memory_space<hbm>> -> memref<1x3008x16xf32, #tpu.memory_space<hbm>>
    %dma_wait3A_639 = tpu.memref_squeeze %dma_wait3A_638 : memref<1x3008x16xf32, #tpu.memory_space<hbm>> -> memref<3008x16xf32, #tpu.memory_space<hbm>>
    %dma_wait3A_640 = arith.constant 0 : i32
    %dma_wait3A_641 = arith.constant 0 : i32
    %dma_wait3A_642 = tpu.memref_slice %dma_wait3A_639[%dma_wait3A_640, %dma_wait3A_641] : memref<3008x16xf32, #tpu.memory_space<hbm>> -> memref<3008x16xf32, #tpu.memory_space<hbm>>
    tpu.wait_indirect_dma semaphore(%arg12 : memref<!tpu.dma_semaphore, #tpu.memory_space<semaphore_mem>>) src(%dma_wait3A_642 : memref<3008x16xf32, #tpu.memory_space<hbm>>) dst(%dma_wait3A_632 : memref<128x16xf32, #tpu.memory_space<vmem>>)
    %dma_wait3A_643 = arith.constant 4 : i32
    %dma_wait3A_644 = arith.constant 512 : i32
    %dma_wait3A_645 = arith.constant 0 : i32
    %dma_wait3A_646 = tpu.memref_slice %arg8[%dma_wait3A_644, %dma_wait3A_645] : memref<768x16xf32, #tpu.memory_space<vmem>> -> memref<128x16xf32, #tpu.memory_space<vmem>>
    %dma_wait3A_647 = arith.constant 0 : i32
    %dma_wait3A_648 = tpu.memref_slice %arg10[%dma_wait3A_643, %dma_wait3A_647] : memref<6x128xi32, #tpu.memory_space<vmem>> -> memref<1x128xi32, #tpu.memory_space<vmem>>
    %dma_wait3A_649 = tpu.memref_squeeze %dma_wait3A_648 : memref<1x128xi32, #tpu.memory_space<vmem>> -> memref<128xi32, #tpu.memory_space<vmem>>
    %dma_wait3A_650 = arith.constant 0 : i32
    %dma_wait3A_651 = arith.constant 0 : i32
    %dma_wait3A_652 = tpu.memref_slice %arg2[%select_n3A, %dma_wait3A_650, %dma_wait3A_651] : memref<8x3008x16xf32, #tpu.memory_space<hbm>> -> memref<1x3008x16xf32, #tpu.memory_space<hbm>>
    %dma_wait3A_653 = tpu.memref_squeeze %dma_wait3A_652 : memref<1x3008x16xf32, #tpu.memory_space<hbm>> -> memref<3008x16xf32, #tpu.memory_space<hbm>>
    %dma_wait3A_654 = arith.constant 0 : i32
    %dma_wait3A_655 = arith.constant 0 : i32
    %dma_wait3A_656 = tpu.memref_slice %dma_wait3A_653[%dma_wait3A_654, %dma_wait3A_655] : memref<3008x16xf32, #tpu.memory_space<hbm>> -> memref<3008x16xf32, #tpu.memory_space<hbm>>
    tpu.wait_indirect_dma semaphore(%arg12 : memref<!tpu.dma_semaphore, #tpu.memory_space<semaphore_mem>>) src(%dma_wait3A_656 : memref<3008x16xf32, #tpu.memory_space<hbm>>) dst(%dma_wait3A_646 : memref<128x16xf32, #tpu.memory_space<vmem>>)
    %dma_wait3A_657 = arith.constant 5 : i32
    %dma_wait3A_658 = arith.constant 640 : i32
    %dma_wait3A_659 = arith.constant 0 : i32
    %dma_wait3A_660 = tpu.memref_slice %arg8[%dma_wait3A_658, %dma_wait3A_659] : memref<768x16xf32, #tpu.memory_space<vmem>> -> memref<128x16xf32, #tpu.memory_space<vmem>>
    %dma_wait3A_661 = arith.constant 0 : i32
    %dma_wait3A_662 = tpu.memref_slice %arg10[%dma_wait3A_657, %dma_wait3A_661] : memref<6x128xi32, #tpu.memory_space<vmem>> -> memref<1x128xi32, #tpu.memory_space<vmem>>
    %dma_wait3A_663 = tpu.memref_squeeze %dma_wait3A_662 : memref<1x128xi32, #tpu.memory_space<vmem>> -> memref<128xi32, #tpu.memory_space<vmem>>
    %dma_wait3A_664 = arith.constant 0 : i32
    %dma_wait3A_665 = arith.constant 0 : i32
    %dma_wait3A_666 = tpu.memref_slice %arg2[%select_n3A, %dma_wait3A_664, %dma_wait3A_665] : memref<8x3008x16xf32, #tpu.memory_space<hbm>> -> memref<1x3008x16xf32, #tpu.memory_space<hbm>>
    %dma_wait3A_667 = tpu.memref_squeeze %dma_wait3A_666 : memref<1x3008x16xf32, #tpu.memory_space<hbm>> -> memref<3008x16xf32, #tpu.memory_space<hbm>>
    %dma_wait3A_668 = arith.constant 0 : i32
    %dma_wait3A_669 = arith.constant 0 : i32
    %dma_wait3A_670 = tpu.memref_slice %dma_wait3A_667[%dma_wait3A_668, %dma_wait3A_669] : memref<3008x16xf32, #tpu.memory_space<hbm>> -> memref<3008x16xf32, #tpu.memory_space<hbm>>
    tpu.wait_indirect_dma semaphore(%arg12 : memref<!tpu.dma_semaphore, #tpu.memory_space<semaphore_mem>>) src(%dma_wait3A_670 : memref<3008x16xf32, #tpu.memory_space<hbm>>) dst(%dma_wait3A_660 : memref<128x16xf32, #tpu.memory_space<vmem>>)
    %add3A_671 = arith.constant 1000 : i32
    %add3A_672 = arith.addi %add3A_671, %add3A : i32
    %scan3A = arith.constant -1.000000e+00 : f32
    %scan3A_673 = arith.constant 1.000000e+00 : f32
    %scan3A_674 = arith.constant 0 : i32
    %scan3A_675 = arith.constant 18 : i32
    %scan3A_676 = arith.addi %scan3A_674, %scan3A_675 : i32
    %scan3A_677 = arith.constant 1 : i32
    %scan3A_678:2 = scf.for %scan3A_814 = %scan3A_674 to %scan3A_676 step %scan3A_677 iter_args(%scan3A_815 = %scan3A, %scan3A_816 = %scan3A_673) -> (f32, f32)  : i32 {
      %add3A_817 = arith.addf %scan3A_815, %scan3A_816 : f32
      %mul3A_818 = arith.constant 5.000000e-01 : f32
      %mul3A_819 = arith.mulf %mul3A_818, %add3A_817 : f32
      %broadcast_in_dim3A_820 = vector.broadcast %mul3A_819 : f32 to vector<16xf32>
      %broadcast_in_dim3A_821 = arith.constant 0 : i32
      %broadcast_in_dim3A_822 = vector.broadcast %broadcast_in_dim3A_821 : i32 to vector<16xi32>
      %scan3A_823 = arith.constant 0 : i32
      %scan3A_824 = arith.constant 8 : i32
      %scan3A_825 = arith.addi %scan3A_823, %scan3A_824 : i32
      %scan3A_826 = arith.constant 1 : i32
      %scan3A_827 = scf.for %scan3A_839 = %scan3A_823 to %scan3A_825 step %scan3A_826 iter_args(%scan3A_840 = %broadcast_in_dim3A_822) -> (vector<16xi32>)  : i32 {
        %mul3A_841 = arith.constant 16 : i32
        %mul3A_842 = arith.muli %scan3A_839, %mul3A_841 : i32
        %get3A = arith.index_cast %mul3A_842 : i32 to index
        %get3A_843 = tpu.vector_load %arg7[%get3A] {strides = array<i32>} : memref<128xi32, #tpu.memory_space<vmem>>, vector<16xi32>,
        %slice3A = vector.extract_strided_slice %get3A_843 {offsets = [0], sizes = [1], strides = [1]} : vector<16xi32> to vector<1xi32>
        %squeeze3A = vector.extract %slice3A[0] : i32 from vector<1xi32>
        %add3A_844 = arith.constant 15 : i32
        %add3A_845 = arith.addi %squeeze3A, %add3A_844 : i32
        %jit3A_846 = arith.constant 16 : i32
        %div3A_847 = arith.divsi %add3A_845, %jit3A_846 : i32
        %sign3A_848 = arith.constant 0 : i32
        %sign3A_849 = arith.cmpi sgt, %add3A_845, %sign3A_848 : i32
        %sign3A_850 = arith.extui %sign3A_849 : i1 to i32
        %sign3A_851 = arith.constant 0 : i32
        %sign3A_852 = arith.cmpi slt, %add3A_845, %sign3A_851 : i32
        %sign3A_853 = arith.extui %sign3A_852 : i1 to i32
        %sign3A_854 = arith.subi %sign3A_850, %sign3A_853 : i32
        %sign3A_855 = arith.constant 0 : i32
        %sign3A_856 = arith.cmpi sgt, %jit3A_846, %sign3A_855 : i32
        %sign3A_857 = arith.extui %sign3A_856 : i1 to i32
        %sign3A_858 = arith.constant 0 : i32
        %sign3A_859 = arith.cmpi slt, %jit3A_846, %sign3A_858 : i32
        %sign3A_860 = arith.extui %sign3A_859 : i1 to i32
        %sign3A_861 = arith.subi %sign3A_857, %sign3A_860 : i32
        %ne3A_862 = arith.cmpi ne, %sign3A_854, %sign3A_861 : i32
        %rem3A_863 = arith.remsi %add3A_845, %jit3A_846 : i32
        %ne3A_864 = arith.constant 0 : i32
        %ne3A_865 = arith.cmpi ne, %rem3A_863, %ne3A_864 : i32
        %and3A_866 = arith.andi %ne3A_862, %ne3A_865 : i1
        %sub3A_867 = arith.constant 1 : i32
        %sub3A_868 = arith.subi %div3A_847, %sub3A_867 : i32
        %select_n3A_869 = arith.select %and3A_866, %sub3A_868, %div3A_847 : i32
        %mul3A_870 = arith.constant 3008 : i32
        %mul3A_871 = arith.muli %scan3A_839, %mul3A_870 : i32
        %while3A = arith.constant 0 : i32
        %while3A_872 = arith.subi %select_n3A_869, %while3A : i32
        %while3A_873 = arith.addi %while3A, %while3A_872 : i32
        %while3A_874 = arith.constant 1 : i32
        %while3A_875 = arith.divsi %while3A_872, %while3A_874 : i32
        %while3A_876 = arith.muli %while3A_875, %while3A_874 : i32
        %while3A_877 = arith.addi %while3A, %while3A_876 : i32
        %while3A_878 = arith.constant 1 : i32
        %while3A_879 = scf.for %while3A_882 = %while3A to %while3A_877 step %while3A_878 iter_args(%while3A_883 = %scan3A_840) -> (vector<16xi32>)  : i32 {
          %mul3A_884 = arith.constant 16 : i32
          %mul3A_885 = arith.muli %while3A_882, %mul3A_884 : i32
          %add3A_886 = arith.addi %mul3A_871, %mul3A_885 : i32
          %get3A_887 = arith.index_cast %add3A_886 : i32 to index
          %get3A_888 = tpu.vector_load %arg6[%get3A_887] {strides = array<i32>} : memref<24064xf32, #tpu.memory_space<vmem>>, vector<16xf32>,
          %gt3A = arith.cmpf ogt, %get3A_888, %broadcast_in_dim3A_820 : vector<16xf32>
          %mul3A_889 = arith.constant 16 : i32
          %mul3A_890 = arith.muli %while3A_882, %mul3A_889 : i32
          %add3A_891 = vector.broadcast %mul3A_890 : i32 to vector<16xi32>
          %add3A_892 = arith.addi %add3A_891, %iota3A : vector<16xi32>
          %lt3A_893 = vector.broadcast %squeeze3A : i32 to vector<16xi32>
          %lt3A_894 = arith.cmpi slt, %add3A_892, %lt3A_893 : vector<16xi32>
          %and3A_895 = arith.andi %gt3A, %lt3A_894 : vector<16xi1>
          %all_reduce_population_count3A = tpu.all_reduce %and3A_895 {dim = 0 : i64, kind = #tpu.reduction_kind<sum>} : vector<16xi1> -> vector<16xi32>
          %add3A_896 = arith.addi %while3A_883, %all_reduce_population_count3A : vector<16xi32>
          scf.yield %add3A_896 : vector<16xi32>
        }
        %while3A_880 = arith.constant 1 : i32
        %while3A_881 = scf.for %while3A_882 = %while3A_877 to %while3A_873 step %while3A_880 iter_args(%while3A_883 = %while3A_879) -> (vector<16xi32>)  : i32 {
          %mul3A_884 = arith.constant 16 : i32
          %mul3A_885 = arith.muli %while3A_882, %mul3A_884 : i32
          %add3A_886 = arith.addi %mul3A_871, %mul3A_885 : i32
          %get3A_887 = arith.index_cast %add3A_886 : i32 to index
          %get3A_888 = tpu.vector_load %arg6[%get3A_887] {strides = array<i32>} : memref<24064xf32, #tpu.memory_space<vmem>>, vector<16xf32>,
          %gt3A = arith.cmpf ogt, %get3A_888, %broadcast_in_dim3A_820 : vector<16xf32>
          %mul3A_889 = arith.constant 16 : i32
          %mul3A_890 = arith.muli %while3A_882, %mul3A_889 : i32
          %add3A_891 = vector.broadcast %mul3A_890 : i32 to vector<16xi32>
          %add3A_892 = arith.addi %add3A_891, %iota3A : vector<16xi32>
          %lt3A_893 = vector.broadcast %squeeze3A : i32 to vector<16xi32>
          %lt3A_894 = arith.cmpi slt, %add3A_892, %lt3A_893 : vector<16xi32>
          %and3A_895 = arith.andi %gt3A, %lt3A_894 : vector<16xi1>
          %all_reduce_population_count3A = tpu.all_reduce %and3A_895 {dim = 0 : i64, kind = #tpu.reduction_kind<sum>} : vector<16xi1> -> vector<16xi32>
          %add3A_896 = arith.addi %while3A_883, %all_reduce_population_count3A : vector<16xi32>
          scf.yield %add3A_896 : vector<16xi32>
        }
        scf.yield %while3A_881 : vector<16xi32>
      }
      %scan3A_828 = arith.constant 8 : i32
      %reduce_max3A = arith.constant true
      %reduce_max3A_829 = vector.broadcast %reduce_max3A : i1 to vector<16xi1>
      %reduce_max3A_830 = arith.constant -2147483648 : i32
      %reduce_max3A_831 = vector.broadcast %reduce_max3A_830 : i32 to vector<16xi32>
      %reduce_max3A_832 = arith.xori %scan3A_827, %reduce_max3A_831 : vector<16xi32>
      %reduce_max3A_833 = tpu.scan <max>, %reduce_max3A_832 masked %reduce_max3A_829 : vector<16xi32>, vector<16xi1> -> vector<16xi32>
      %reduce_max3A_834 = arith.xori %reduce_max3A_833, %reduce_max3A_831 : vector<16xi32>
      %reduce_max3A_835 = vector.extract %reduce_max3A_834[15] : i32 from vector<16xi32>
      %ge3A = arith.constant 1000 : i32
      %ge3A_836 = arith.cmpi sge, %reduce_max3A_835, %ge3A : i32
      %select_n3A_837 = arith.select %ge3A_836, %mul3A_819, %scan3A_815 : f32
      %select_n3A_838 = arith.select %ge3A_836, %scan3A_816, %mul3A_819 : f32
      scf.yield %select_n3A_837, %select_n3A_838 : f32, f32
    }
    %scan3A_679 = arith.constant 18 : i32
    %scan3A_680 = arith.constant 0 : i32
    %scan3A_681 = arith.constant 0 : i32
    %scan3A_682 = arith.constant 47 : i32
    %scan3A_683 = arith.addi %scan3A_681, %scan3A_682 : i32
    %scan3A_684 = arith.constant 1 : i32
    scf.for %scan3A_814 = %scan3A_681 to %scan3A_683 step %scan3A_684  : i32 {
      %mul3A_815 = arith.constant 3008 : i32
      %mul3A_816 = arith.muli %select_n3A, %mul3A_815 : i32
      %mul3A_817 = arith.constant 4 : i32
      %mul3A_818 = arith.muli %mul3A_817, %scan3A_814 : i32
      %add3A_819 = arith.addi %select_n3A_30, %mul3A_818 : i32
      %mul3A_820 = arith.constant 16 : i32
      %mul3A_821 = arith.muli %add3A_819, %mul3A_820 : i32
      %add3A_822 = arith.addi %mul3A_816, %mul3A_821 : i32
      %get3A = arith.index_cast %add3A_822 : i32 to index
      %get3A_823 = tpu.vector_load %arg6[%get3A] {strides = array<i32>} : memref<24064xf32, #tpu.memory_space<vmem>>, vector<16xf32>,
      %gt3A = vector.broadcast %scan3A_678#0 : f32 to vector<16xf32>
      %gt3A_824 = arith.cmpf ogt, %get3A_823, %gt3A : vector<16xf32>
      %reduce_or3A = arith.constant 1.000000e+00 : f32
      %reduce_or3A_825 = arith.constant 0.000000e+00 : f32
      %reduce_or3A_826 = vector.broadcast %reduce_or3A : f32 to vector<16xf32>
      %reduce_or3A_827 = vector.broadcast %reduce_or3A_825 : f32 to vector<16xf32>
      %reduce_or3A_828 = arith.select %gt3A_824, %reduce_or3A_826, %reduce_or3A_827 : vector<16xi1>, vector<16xf32>
      %reduce_or3A_829 = arith.constant true
      %reduce_or3A_830 = vector.broadcast %reduce_or3A_829 : i1 to vector<16xi1>
      %reduce_or3A_831 = tpu.scan <max>, %reduce_or3A_828 masked %reduce_or3A_830 : vector<16xf32>, vector<16xi1> -> vector<16xf32>
      %reduce_or3A_832 = vector.extract %reduce_or3A_831[15] : f32 from vector<16xf32>
      %reduce_or3A_833 = arith.constant 0.000000e+00 : f32
      %reduce_or3A_834 = arith.cmpf ogt, %reduce_or3A_832, %reduce_or3A_833 : f32
      %convert_element_type3A_835 = arith.extui %reduce_or3A_834 : i1 to i32
      %cond3A_836 = arith.constant 0 : i32
      %cond3A_837 = arith.cmpi ne, %convert_element_type3A_835, %cond3A_836 : i32
      scf.if %cond3A_837 {
        %broadcast_in_dim3A_842 = vector.broadcast %add3A_672 : i32 to vector<16xi32>
        %scan3A_843 = arith.constant 0 : i32
        %scan3A_844 = arith.constant 16 : i32
        %scan3A_845 = arith.addi %scan3A_843, %scan3A_844 : i32
        %scan3A_846 = arith.constant 1 : i32
        %scan3A_847 = scf.for %scan3A_894 = %scan3A_843 to %scan3A_845 step %scan3A_846 iter_args(%scan3A_895 = %broadcast_in_dim3A_842) -> (vector<16xi32>)  : i32 {
          %add3A_896 = arith.addi %add3A_822, %scan3A_894 : i32
          %broadcast_in_dim3A_897 = vector.broadcast %add3A_896 : i32 to vector<16xi32>
          %gather3A = tpu.vector_load_idx %arg6[%broadcast_in_dim3A_897] : memref<24064xf32, #tpu.memory_space<vmem>>[vector<16xi32>], vector<16xf32>,
          %slice3A = vector.extract_strided_slice %gather3A {offsets = [0], sizes = [1], strides = [1]} : vector<16xf32> to vector<1xf32>
          %squeeze3A = vector.extract %slice3A[0] : f32 from vector<1xf32>
          %gt3A_898 = arith.cmpf ogt, %squeeze3A, %scan3A_678#0 : f32
          %convert_element_type3A_899 = arith.extui %gt3A_898 : i1 to i32
          %cond3A_900 = arith.constant 0 : i32
          %cond3A_901 = arith.cmpi ne, %convert_element_type3A_899, %cond3A_900 : i32
          %cond3A_902 = scf.if %cond3A_901 -> (i32) {
            %broadcast_in_dim3A_907 = vector.broadcast %squeeze3A : f32 to vector<16xf32>
            %broadcast_in_dim3A_908 = vector.broadcast %add3A_896 : i32 to vector<16xi32>
            %broadcast_in_dim3A_909 = arith.constant 0 : i32
            %broadcast_in_dim3A_910 = vector.broadcast %broadcast_in_dim3A_909 : i32 to vector<16xi32>
            %scan3A_911 = arith.constant 0 : i32
            %scan3A_912 = arith.constant 8 : i32
            %scan3A_913 = arith.addi %scan3A_911, %scan3A_912 : i32
            %scan3A_914 = arith.constant 1 : i32
            %scan3A_915 = scf.for %scan3A_927 = %scan3A_911 to %scan3A_913 step %scan3A_914 iter_args(%scan3A_928 = %broadcast_in_dim3A_910) -> (vector<16xi32>)  : i32 {
              %mul3A_929 = arith.constant 16 : i32
              %mul3A_930 = arith.muli %scan3A_927, %mul3A_929 : i32
              %get3A_931 = arith.index_cast %mul3A_930 : i32 to index
              %get3A_932 = tpu.vector_load %arg7[%get3A_931] {strides = array<i32>} : memref<128xi32, #tpu.memory_space<vmem>>, vector<16xi32>,
              %slice3A_933 = vector.extract_strided_slice %get3A_932 {offsets = [0], sizes = [1], strides = [1]} : vector<16xi32> to vector<1xi32>
              %squeeze3A_934 = vector.extract %slice3A_933[0] : i32 from vector<1xi32>
              %add3A_935 = arith.constant 15 : i32
              %add3A_936 = arith.addi %squeeze3A_934, %add3A_935 : i32
              %jit3A_937 = arith.constant 16 : i32
              %div3A_938 = arith.divsi %add3A_936, %jit3A_937 : i32
              %sign3A_939 = arith.constant 0 : i32
              %sign3A_940 = arith.cmpi sgt, %add3A_936, %sign3A_939 : i32
              %sign3A_941 = arith.extui %sign3A_940 : i1 to i32
              %sign3A_942 = arith.constant 0 : i32
              %sign3A_943 = arith.cmpi slt, %add3A_936, %sign3A_942 : i32
              %sign3A_944 = arith.extui %sign3A_943 : i1 to i32
              %sign3A_945 = arith.subi %sign3A_941, %sign3A_944 : i32
              %sign3A_946 = arith.constant 0 : i32
              %sign3A_947 = arith.cmpi sgt, %jit3A_937, %sign3A_946 : i32
              %sign3A_948 = arith.extui %sign3A_947 : i1 to i32
              %sign3A_949 = arith.constant 0 : i32
              %sign3A_950 = arith.cmpi slt, %jit3A_937, %sign3A_949 : i32
              %sign3A_951 = arith.extui %sign3A_950 : i1 to i32
              %sign3A_952 = arith.subi %sign3A_948, %sign3A_951 : i32
              %ne3A_953 = arith.cmpi ne, %sign3A_945, %sign3A_952 : i32
              %rem3A_954 = arith.remsi %add3A_936, %jit3A_937 : i32
              %ne3A_955 = arith.constant 0 : i32
              %ne3A_956 = arith.cmpi ne, %rem3A_954, %ne3A_955 : i32
              %and3A_957 = arith.andi %ne3A_953, %ne3A_956 : i1
              %sub3A_958 = arith.constant 1 : i32
              %sub3A_959 = arith.subi %div3A_938, %sub3A_958 : i32
              %select_n3A_960 = arith.select %and3A_957, %sub3A_959, %div3A_938 : i32
              %mul3A_961 = arith.constant 3008 : i32
              %mul3A_962 = arith.muli %scan3A_927, %mul3A_961 : i32
              %while3A = arith.constant 0 : i32
              %while3A_963 = arith.subi %select_n3A_960, %while3A : i32
              %while3A_964 = arith.addi %while3A, %while3A_963 : i32
              %while3A_965 = arith.constant 1 : i32
              %while3A_966 = arith.divsi %while3A_963, %while3A_965 : i32
              %while3A_967 = arith.muli %while3A_966, %while3A_965 : i32
              %while3A_968 = arith.addi %while3A, %while3A_967 : i32
              %while3A_969 = arith.constant 1 : i32
              %while3A_970 = scf.for %while3A_973 = %while3A to %while3A_968 step %while3A_969 iter_args(%while3A_974 = %scan3A_928) -> (vector<16xi32>)  : i32 {
                %mul3A_975 = arith.constant 16 : i32
                %mul3A_976 = arith.muli %while3A_973, %mul3A_975 : i32
                %add3A_977 = arith.addi %mul3A_962, %mul3A_976 : i32
                %get3A_978 = arith.index_cast %add3A_977 : i32 to index
                %get3A_979 = tpu.vector_load %arg6[%get3A_978] {strides = array<i32>} : memref<24064xf32, #tpu.memory_space<vmem>>, vector<16xf32>,
                %mul3A_980 = arith.constant 16 : i32
                %mul3A_981 = arith.muli %while3A_973, %mul3A_980 : i32
                %add3A_982 = arith.addi %mul3A_962, %mul3A_981 : i32
                %add3A_983 = vector.broadcast %add3A_982 : i32 to vector<16xi32>
                %add3A_984 = arith.addi %add3A_983, %iota3A : vector<16xi32>
                %mul3A_985 = arith.constant 16 : i32
                %mul3A_986 = arith.muli %while3A_973, %mul3A_985 : i32
                %add3A_987 = vector.broadcast %mul3A_986 : i32 to vector<16xi32>
                %add3A_988 = arith.addi %add3A_987, %iota3A : vector<16xi32>
                %lt3A_989 = vector.broadcast %squeeze3A_934 : i32 to vector<16xi32>
                %lt3A_990 = arith.cmpi slt, %add3A_988, %lt3A_989 : vector<16xi32>
                %gt3A_991 = arith.cmpf ogt, %get3A_979, %broadcast_in_dim3A_907 : vector<16xf32>
                %eq3A_992 = arith.cmpf oeq, %get3A_979, %broadcast_in_dim3A_907 : vector<16xf32>
                %lt3A_993 = arith.cmpi slt, %add3A_984, %broadcast_in_dim3A_908 : vector<16xi32>
                %and3A_994 = arith.andi %eq3A_992, %lt3A_993 : vector<16xi1>
                %or3A = arith.ori %gt3A_991, %and3A_994 : vector<16xi1>
                %and3A_995 = arith.andi %or3A, %lt3A_990 : vector<16xi1>
                %all_reduce_population_count3A = tpu.all_reduce %and3A_995 {dim = 0 : i64, kind = #tpu.reduction_kind<sum>} : vector<16xi1> -> vector<16xi32>
                %add3A_996 = arith.addi %while3A_974, %all_reduce_population_count3A : vector<16xi32>
                scf.yield %add3A_996 : vector<16xi32>
              }
              %while3A_971 = arith.constant 1 : i32
              %while3A_972 = scf.for %while3A_973 = %while3A_968 to %while3A_964 step %while3A_971 iter_args(%while3A_974 = %while3A_970) -> (vector<16xi32>)  : i32 {
                %mul3A_975 = arith.constant 16 : i32
                %mul3A_976 = arith.muli %while3A_973, %mul3A_975 : i32
                %add3A_977 = arith.addi %mul3A_962, %mul3A_976 : i32
                %get3A_978 = arith.index_cast %add3A_977 : i32 to index
                %get3A_979 = tpu.vector_load %arg6[%get3A_978] {strides = array<i32>} : memref<24064xf32, #tpu.memory_space<vmem>>, vector<16xf32>,
                %mul3A_980 = arith.constant 16 : i32
                %mul3A_981 = arith.muli %while3A_973, %mul3A_980 : i32
                %add3A_982 = arith.addi %mul3A_962, %mul3A_981 : i32
                %add3A_983 = vector.broadcast %add3A_982 : i32 to vector<16xi32>
                %add3A_984 = arith.addi %add3A_983, %iota3A : vector<16xi32>
                %mul3A_985 = arith.constant 16 : i32
                %mul3A_986 = arith.muli %while3A_973, %mul3A_985 : i32
                %add3A_987 = vector.broadcast %mul3A_986 : i32 to vector<16xi32>
                %add3A_988 = arith.addi %add3A_987, %iota3A : vector<16xi32>
                %lt3A_989 = vector.broadcast %squeeze3A_934 : i32 to vector<16xi32>
                %lt3A_990 = arith.cmpi slt, %add3A_988, %lt3A_989 : vector<16xi32>
                %gt3A_991 = arith.cmpf ogt, %get3A_979, %broadcast_in_dim3A_907 : vector<16xf32>
                %eq3A_992 = arith.cmpf oeq, %get3A_979, %broadcast_in_dim3A_907 : vector<16xf32>
                %lt3A_993 = arith.cmpi slt, %add3A_984, %broadcast_in_dim3A_908 : vector<16xi32>
                %and3A_994 = arith.andi %eq3A_992, %lt3A_993 : vector<16xi1>
                %or3A = arith.ori %gt3A_991, %and3A_994 : vector<16xi1>
                %and3A_995 = arith.andi %or3A, %lt3A_990 : vector<16xi1>
                %all_reduce_population_count3A = tpu.all_reduce %and3A_995 {dim = 0 : i64, kind = #tpu.reduction_kind<sum>} : vector<16xi1> -> vector<16xi32>
                %add3A_996 = arith.addi %while3A_974, %all_reduce_population_count3A : vector<16xi32>
                scf.yield %add3A_996 : vector<16xi32>
              }
              scf.yield %while3A_972 : vector<16xi32>
            }
            %scan3A_916 = arith.constant 8 : i32
            %reduce_max3A = arith.constant true
            %reduce_max3A_917 = vector.broadcast %reduce_max3A : i1 to vector<16xi1>
            %reduce_max3A_918 = arith.constant -2147483648 : i32
            %reduce_max3A_919 = vector.broadcast %reduce_max3A_918 : i32 to vector<16xi32>
            %reduce_max3A_920 = arith.xori %scan3A_915, %reduce_max3A_919 : vector<16xi32>
            %reduce_max3A_921 = tpu.scan <max>, %reduce_max3A_920 masked %reduce_max3A_917 : vector<16xi32>, vector<16xi1> -> vector<16xi32>
            %reduce_max3A_922 = arith.xori %reduce_max3A_921, %reduce_max3A_919 : vector<16xi32>
            %reduce_max3A_923 = vector.extract %reduce_max3A_922[15] : i32 from vector<16xi32>
            %lt3A_924 = arith.constant 1000 : i32
            %lt3A_925 = arith.cmpi slt, %reduce_max3A_923, %lt3A_924 : i32
            %select_n3A_926 = arith.select %lt3A_925, %reduce_max3A_923, %add3A_672 : i32
            scf.yield %select_n3A_926 : i32
          } else {
            scf.yield %add3A_672 : i32
          }
          %eq3A_903 = vector.broadcast %scan3A_894 : i32 to vector<16xi32>
          %eq3A_904 = arith.cmpi eq, %iota3A, %eq3A_903 : vector<16xi32>
          %broadcast_in_dim3A_905 = vector.broadcast %cond3A_902 : i32 to vector<16xi32>
          %select_n3A_906 = arith.select %eq3A_904, %broadcast_in_dim3A_905, %scan3A_895 : vector<16xi1>, vector<16xi32>
          scf.yield %select_n3A_906 : vector<16xi32>
        }
        %scan3A_848 = arith.constant 16 : i32
        %jit3A_849 = arith.constant 8 : i32
        %div3A_850 = arith.divsi %scan3A_814, %jit3A_849 : i32
        %sign3A_851 = arith.constant 0 : i32
        %sign3A_852 = arith.cmpi sgt, %scan3A_814, %sign3A_851 : i32
        %sign3A_853 = arith.extui %sign3A_852 : i1 to i32
        %sign3A_854 = arith.constant 0 : i32
        %sign3A_855 = arith.cmpi slt, %scan3A_814, %sign3A_854 : i32
        %sign3A_856 = arith.extui %sign3A_855 : i1 to i32
        %sign3A_857 = arith.subi %sign3A_853, %sign3A_856 : i32
        %sign3A_858 = arith.constant 0 : i32
        %sign3A_859 = arith.cmpi sgt, %jit3A_849, %sign3A_858 : i32
        %sign3A_860 = arith.extui %sign3A_859 : i1 to i32
        %sign3A_861 = arith.constant 0 : i32
        %sign3A_862 = arith.cmpi slt, %jit3A_849, %sign3A_861 : i32
        %sign3A_863 = arith.extui %sign3A_862 : i1 to i32
        %sign3A_864 = arith.subi %sign3A_860, %sign3A_863 : i32
        %ne3A_865 = arith.cmpi ne, %sign3A_857, %sign3A_864 : i32
        %rem3A_866 = arith.remsi %scan3A_814, %jit3A_849 : i32
        %ne3A_867 = arith.constant 0 : i32
        %ne3A_868 = arith.cmpi ne, %rem3A_866, %ne3A_867 : i32
        %and3A_869 = arith.andi %ne3A_865, %ne3A_868 : i1
        %sub3A_870 = arith.constant 1 : i32
        %sub3A_871 = arith.subi %div3A_850, %sub3A_870 : i32
        %select_n3A_872 = arith.select %and3A_869, %sub3A_871, %div3A_850 : i32
        %jit3A_873 = arith.constant 8 : i32
        %eq3A_874 = arith.constant 0 : i32
        %eq3A_875 = arith.cmpi eq, %jit3A_873, %eq3A_874 : i32
        %jit3A_876 = arith.constant 1 : i32
        %select_n3A_877 = arith.select %eq3A_875, %jit3A_876, %jit3A_873 : i32
        %rem3A_878 = arith.remsi %scan3A_814, %select_n3A_877 : i32
        %ne3A_879 = arith.constant 0 : i32
        %ne3A_880 = arith.cmpi ne, %rem3A_878, %ne3A_879 : i32
        %lt3A_881 = arith.constant 0 : i32
        %lt3A_882 = arith.cmpi slt, %rem3A_878, %lt3A_881 : i32
        %lt3A_883 = arith.constant 0 : i32
        %lt3A_884 = arith.cmpi slt, %select_n3A_877, %lt3A_883 : i32
        %ne3A_885 = arith.xori %lt3A_882, %lt3A_884 : i1
        %and3A_886 = arith.andi %ne3A_885, %ne3A_880 : i1
        %add3A_887 = arith.addi %rem3A_878, %select_n3A_877 : i32
        %select_n3A_888 = arith.select %and3A_886, %add3A_887, %rem3A_878 : i32
        %mul3A_889 = arith.constant 16 : i32
        %mul3A_890 = arith.muli %select_n3A_888, %mul3A_889 : i32
        %swap3A_891 = arith.index_cast %select_n3A_872 : i32 to index
        %swap3A_892 = arith.index_cast %mul3A_890 : i32 to index
        %swap3A_893 = tpu.vector_load %arg9[%swap3A_891, %swap3A_892] {strides = array<i32>} : memref<6x128xi32, #tpu.memory_space<vmem>>, vector<16xi32>,
        tpu.vector_store %arg9[%swap3A_891, %swap3A_892], %scan3A_847 {strides = array<i32>} : memref<6x128xi32, #tpu.memory_space<vmem>>, vector<16xi32>,
      } else {
      }
      %not3A = arith.constant true
      %not3A_838 = arith.xori %reduce_or3A_834, %not3A : i1
      %convert_element_type3A_839 = arith.extui %not3A_838 : i1 to i32
      %cond3A_840 = arith.constant 0 : i32
      %cond3A_841 = arith.cmpi ne, %convert_element_type3A_839, %cond3A_840 : i32
      scf.if %cond3A_841 {
        %broadcast_in_dim3A_842 = vector.broadcast %add3A_672 : i32 to vector<16xi32>
        %jit3A_843 = arith.constant 8 : i32
        %div3A_844 = arith.divsi %scan3A_814, %jit3A_843 : i32
        %sign3A_845 = arith.constant 0 : i32
        %sign3A_846 = arith.cmpi sgt, %scan3A_814, %sign3A_845 : i32
        %sign3A_847 = arith.extui %sign3A_846 : i1 to i32
        %sign3A_848 = arith.constant 0 : i32
        %sign3A_849 = arith.cmpi slt, %scan3A_814, %sign3A_848 : i32
        %sign3A_850 = arith.extui %sign3A_849 : i1 to i32
        %sign3A_851 = arith.subi %sign3A_847, %sign3A_850 : i32
        %sign3A_852 = arith.constant 0 : i32
        %sign3A_853 = arith.cmpi sgt, %jit3A_843, %sign3A_852 : i32
        %sign3A_854 = arith.extui %sign3A_853 : i1 to i32
        %sign3A_855 = arith.constant 0 : i32
        %sign3A_856 = arith.cmpi slt, %jit3A_843, %sign3A_855 : i32
        %sign3A_857 = arith.extui %sign3A_856 : i1 to i32
        %sign3A_858 = arith.subi %sign3A_854, %sign3A_857 : i32
        %ne3A_859 = arith.cmpi ne, %sign3A_851, %sign3A_858 : i32
        %rem3A_860 = arith.remsi %scan3A_814, %jit3A_843 : i32
        %ne3A_861 = arith.constant 0 : i32
        %ne3A_862 = arith.cmpi ne, %rem3A_860, %ne3A_861 : i32
        %and3A_863 = arith.andi %ne3A_859, %ne3A_862 : i1
        %sub3A_864 = arith.constant 1 : i32
        %sub3A_865 = arith.subi %div3A_844, %sub3A_864 : i32
        %select_n3A_866 = arith.select %and3A_863, %sub3A_865, %div3A_844 : i32
        %jit3A_867 = arith.constant 8 : i32
        %eq3A_868 = arith.constant 0 : i32
        %eq3A_869 = arith.cmpi eq, %jit3A_867, %eq3A_868 : i32
        %jit3A_870 = arith.constant 1 : i32
        %select_n3A_871 = arith.select %eq3A_869, %jit3A_870, %jit3A_867 : i32
        %rem3A_872 = arith.remsi %scan3A_814, %select_n3A_871 : i32
        %ne3A_873 = arith.constant 0 : i32
        %ne3A_874 = arith.cmpi ne, %rem3A_872, %ne3A_873 : i32
        %lt3A_875 = arith.constant 0 : i32
        %lt3A_876 = arith.cmpi slt, %rem3A_872, %lt3A_875 : i32
        %lt3A_877 = arith.constant 0 : i32
        %lt3A_878 = arith.cmpi slt, %select_n3A_871, %lt3A_877 : i32
        %ne3A_879 = arith.xori %lt3A_876, %lt3A_878 : i1
        %and3A_880 = arith.andi %ne3A_879, %ne3A_874 : i1
        %add3A_881 = arith.addi %rem3A_872, %select_n3A_871 : i32
        %select_n3A_882 = arith.select %and3A_880, %add3A_881, %rem3A_872 : i32
        %mul3A_883 = arith.constant 16 : i32
        %mul3A_884 = arith.muli %select_n3A_882, %mul3A_883 : i32
        %swap3A_885 = arith.index_cast %select_n3A_866 : i32 to index
        %swap3A_886 = arith.index_cast %mul3A_884 : i32 to index
        %swap3A_887 = tpu.vector_load %arg9[%swap3A_885, %swap3A_886] {strides = array<i32>} : memref<6x128xi32, #tpu.memory_space<vmem>>, vector<16xi32>,
        tpu.vector_store %arg9[%swap3A_885, %swap3A_886], %broadcast_in_dim3A_842 {strides = array<i32>} : memref<6x128xi32, #tpu.memory_space<vmem>>, vector<16xi32>,
      } else {
      }
    }
    %scan3A_685 = arith.constant 47 : i32
    %broadcast_in_dim3A_686 = vector.broadcast %add3A_672 : i32 to vector<16xi32>
    %swap3A_687 = arith.constant 5 : i32
    %swap3A_688 = arith.index_cast %swap3A_687 : i32 to index
    %swap3A_689 = arith.constant 112 : index
    %swap3A_690 = tpu.vector_load %arg9[%swap3A_688, %swap3A_689] {strides = array<i32>} : memref<6x128xi32, #tpu.memory_space<vmem>>, vector<16xi32>,
    tpu.vector_store %arg9[%swap3A_688, %swap3A_689], %broadcast_in_dim3A_686 {strides = array<i32>} : memref<6x128xi32, #tpu.memory_space<vmem>>, vector<16xi32>,
    %dma_start3A_691 = arith.constant 0 : i32
    %dma_start3A_692 = arith.constant 0 : i32
    %dma_start3A_693 = arith.constant 0 : i32
    %dma_start3A_694 = tpu.memref_slice %arg8[%dma_start3A_692, %dma_start3A_693] : memref<768x16xf32, #tpu.memory_space<vmem>> -> memref<128x16xf32, #tpu.memory_space<vmem>>
    %dma_start3A_695 = arith.constant 0 : i32
    %dma_start3A_696 = tpu.memref_slice %arg9[%dma_start3A_691, %dma_start3A_695] : memref<6x128xi32, #tpu.memory_space<vmem>> -> memref<1x128xi32, #tpu.memory_space<vmem>>
    %dma_start3A_697 = tpu.memref_squeeze %dma_start3A_696 : memref<1x128xi32, #tpu.memory_space<vmem>> -> memref<128xi32, #tpu.memory_space<vmem>>
    %dma_start3A_698 = arith.constant 0 : i32
    %dma_start3A_699 = arith.constant 0 : i32
    %dma_start3A_700 = tpu.memref_slice %arg5[%dma_start3A_698, %dma_start3A_699] : memref<2080x16xf32, #tpu.memory_space<hbm>> -> memref<2080x16xf32, #tpu.memory_space<hbm>>
    tpu.enqueue_indirect_dma source(%dma_start3A_694 : memref<128x16xf32, #tpu.memory_space<vmem>>) target(%dma_start3A_700 : memref<2080x16xf32, #tpu.memory_space<hbm>>) offsets(%dma_start3A_697 : memref<128xi32, #tpu.memory_space<vmem>>) semaphore(%arg12 : memref<!tpu.dma_semaphore, #tpu.memory_space<semaphore_mem>>)
    %dma_start3A_701 = arith.constant 1 : i32
    %dma_start3A_702 = arith.constant 128 : i32
    %dma_start3A_703 = arith.constant 0 : i32
    %dma_start3A_704 = tpu.memref_slice %arg8[%dma_start3A_702, %dma_start3A_703] : memref<768x16xf32, #tpu.memory_space<vmem>> -> memref<128x16xf32, #tpu.memory_space<vmem>>
    %dma_start3A_705 = arith.constant 0 : i32
    %dma_start3A_706 = tpu.memref_slice %arg9[%dma_start3A_701, %dma_start3A_705] : memref<6x128xi32, #tpu.memory_space<vmem>> -> memref<1x128xi32, #tpu.memory_space<vmem>>
    %dma_start3A_707 = tpu.memref_squeeze %dma_start3A_706 : memref<1x128xi32, #tpu.memory_space<vmem>> -> memref<128xi32, #tpu.memory_space<vmem>>
    %dma_start3A_708 = arith.constant 0 : i32
    %dma_start3A_709 = arith.constant 0 : i32
    %dma_start3A_710 = tpu.memref_slice %arg5[%dma_start3A_708, %dma_start3A_709] : memref<2080x16xf32, #tpu.memory_space<hbm>> -> memref<2080x16xf32, #tpu.memory_space<hbm>>
    tpu.enqueue_indirect_dma source(%dma_start3A_704 : memref<128x16xf32, #tpu.memory_space<vmem>>) target(%dma_start3A_710 : memref<2080x16xf32, #tpu.memory_space<hbm>>) offsets(%dma_start3A_707 : memref<128xi32, #tpu.memory_space<vmem>>) semaphore(%arg12 : memref<!tpu.dma_semaphore, #tpu.memory_space<semaphore_mem>>)
    %dma_start3A_711 = arith.constant 2 : i32
    %dma_start3A_712 = arith.constant 256 : i32
    %dma_start3A_713 = arith.constant 0 : i32
    %dma_start3A_714 = tpu.memref_slice %arg8[%dma_start3A_712, %dma_start3A_713] : memref<768x16xf32, #tpu.memory_space<vmem>> -> memref<128x16xf32, #tpu.memory_space<vmem>>
    %dma_start3A_715 = arith.constant 0 : i32
    %dma_start3A_716 = tpu.memref_slice %arg9[%dma_start3A_711, %dma_start3A_715] : memref<6x128xi32, #tpu.memory_space<vmem>> -> memref<1x128xi32, #tpu.memory_space<vmem>>
    %dma_start3A_717 = tpu.memref_squeeze %dma_start3A_716 : memref<1x128xi32, #tpu.memory_space<vmem>> -> memref<128xi32, #tpu.memory_space<vmem>>
    %dma_start3A_718 = arith.constant 0 : i32
    %dma_start3A_719 = arith.constant 0 : i32
    %dma_start3A_720 = tpu.memref_slice %arg5[%dma_start3A_718, %dma_start3A_719] : memref<2080x16xf32, #tpu.memory_space<hbm>> -> memref<2080x16xf32, #tpu.memory_space<hbm>>
    tpu.enqueue_indirect_dma source(%dma_start3A_714 : memref<128x16xf32, #tpu.memory_space<vmem>>) target(%dma_start3A_720 : memref<2080x16xf32, #tpu.memory_space<hbm>>) offsets(%dma_start3A_717 : memref<128xi32, #tpu.memory_space<vmem>>) semaphore(%arg12 : memref<!tpu.dma_semaphore, #tpu.memory_space<semaphore_mem>>)
    %dma_start3A_721 = arith.constant 3 : i32
    %dma_start3A_722 = arith.constant 384 : i32
    %dma_start3A_723 = arith.constant 0 : i32
    %dma_start3A_724 = tpu.memref_slice %arg8[%dma_start3A_722, %dma_start3A_723] : memref<768x16xf32, #tpu.memory_space<vmem>> -> memref<128x16xf32, #tpu.memory_space<vmem>>
    %dma_start3A_725 = arith.constant 0 : i32
    %dma_start3A_726 = tpu.memref_slice %arg9[%dma_start3A_721, %dma_start3A_725] : memref<6x128xi32, #tpu.memory_space<vmem>> -> memref<1x128xi32, #tpu.memory_space<vmem>>
    %dma_start3A_727 = tpu.memref_squeeze %dma_start3A_726 : memref<1x128xi32, #tpu.memory_space<vmem>> -> memref<128xi32, #tpu.memory_space<vmem>>
    %dma_start3A_728 = arith.constant 0 : i32
    %dma_start3A_729 = arith.constant 0 : i32
    %dma_start3A_730 = tpu.memref_slice %arg5[%dma_start3A_728, %dma_start3A_729] : memref<2080x16xf32, #tpu.memory_space<hbm>> -> memref<2080x16xf32, #tpu.memory_space<hbm>>
    tpu.enqueue_indirect_dma source(%dma_start3A_724 : memref<128x16xf32, #tpu.memory_space<vmem>>) target(%dma_start3A_730 : memref<2080x16xf32, #tpu.memory_space<hbm>>) offsets(%dma_start3A_727 : memref<128xi32, #tpu.memory_space<vmem>>) semaphore(%arg12 : memref<!tpu.dma_semaphore, #tpu.memory_space<semaphore_mem>>)
    %dma_start3A_731 = arith.constant 4 : i32
    %dma_start3A_732 = arith.constant 512 : i32
    %dma_start3A_733 = arith.constant 0 : i32
    %dma_start3A_734 = tpu.memref_slice %arg8[%dma_start3A_732, %dma_start3A_733] : memref<768x16xf32, #tpu.memory_space<vmem>> -> memref<128x16xf32, #tpu.memory_space<vmem>>
    %dma_start3A_735 = arith.constant 0 : i32
    %dma_start3A_736 = tpu.memref_slice %arg9[%dma_start3A_731, %dma_start3A_735] : memref<6x128xi32, #tpu.memory_space<vmem>> -> memref<1x128xi32, #tpu.memory_space<vmem>>
    %dma_start3A_737 = tpu.memref_squeeze %dma_start3A_736 : memref<1x128xi32, #tpu.memory_space<vmem>> -> memref<128xi32, #tpu.memory_space<vmem>>
    %dma_start3A_738 = arith.constant 0 : i32
    %dma_start3A_739 = arith.constant 0 : i32
    %dma_start3A_740 = tpu.memref_slice %arg5[%dma_start3A_738, %dma_start3A_739] : memref<2080x16xf32, #tpu.memory_space<hbm>> -> memref<2080x16xf32, #tpu.memory_space<hbm>>
    tpu.enqueue_indirect_dma source(%dma_start3A_734 : memref<128x16xf32, #tpu.memory_space<vmem>>) target(%dma_start3A_740 : memref<2080x16xf32, #tpu.memory_space<hbm>>) offsets(%dma_start3A_737 : memref<128xi32, #tpu.memory_space<vmem>>) semaphore(%arg12 : memref<!tpu.dma_semaphore, #tpu.memory_space<semaphore_mem>>)
    %dma_start3A_741 = arith.constant 5 : i32
    %dma_start3A_742 = arith.constant 640 : i32
    %dma_start3A_743 = arith.constant 0 : i32
    %dma_start3A_744 = tpu.memref_slice %arg8[%dma_start3A_742, %dma_start3A_743] : memref<768x16xf32, #tpu.memory_space<vmem>> -> memref<128x16xf32, #tpu.memory_space<vmem>>
    %dma_start3A_745 = arith.constant 0 : i32
    %dma_start3A_746 = tpu.memref_slice %arg9[%dma_start3A_741, %dma_start3A_745] : memref<6x128xi32, #tpu.memory_space<vmem>> -> memref<1x128xi32, #tpu.memory_space<vmem>>
    %dma_start3A_747 = tpu.memref_squeeze %dma_start3A_746 : memref<1x128xi32, #tpu.memory_space<vmem>> -> memref<128xi32, #tpu.memory_space<vmem>>
    %dma_start3A_748 = arith.constant 0 : i32
    %dma_start3A_749 = arith.constant 0 : i32
    %dma_start3A_750 = tpu.memref_slice %arg5[%dma_start3A_748, %dma_start3A_749] : memref<2080x16xf32, #tpu.memory_space<hbm>> -> memref<2080x16xf32, #tpu.memory_space<hbm>>
    tpu.enqueue_indirect_dma source(%dma_start3A_744 : memref<128x16xf32, #tpu.memory_space<vmem>>) target(%dma_start3A_750 : memref<2080x16xf32, #tpu.memory_space<hbm>>) offsets(%dma_start3A_747 : memref<128xi32, #tpu.memory_space<vmem>>) semaphore(%arg12 : memref<!tpu.dma_semaphore, #tpu.memory_space<semaphore_mem>>)
    %dma_wait3A_751 = arith.constant 0 : i32
    %dma_wait3A_752 = arith.constant 0 : i32
    %dma_wait3A_753 = arith.constant 0 : i32
    %dma_wait3A_754 = tpu.memref_slice %arg8[%dma_wait3A_752, %dma_wait3A_753] : memref<768x16xf32, #tpu.memory_space<vmem>> -> memref<128x16xf32, #tpu.memory_space<vmem>>
    %dma_wait3A_755 = arith.constant 0 : i32
    %dma_wait3A_756 = tpu.memref_slice %arg9[%dma_wait3A_751, %dma_wait3A_755] : memref<6x128xi32, #tpu.memory_space<vmem>> -> memref<1x128xi32, #tpu.memory_space<vmem>>
    %dma_wait3A_757 = tpu.memref_squeeze %dma_wait3A_756 : memref<1x128xi32, #tpu.memory_space<vmem>> -> memref<128xi32, #tpu.memory_space<vmem>>
    %dma_wait3A_758 = arith.constant 0 : i32
    %dma_wait3A_759 = arith.constant 0 : i32
    %dma_wait3A_760 = tpu.memref_slice %arg5[%dma_wait3A_758, %dma_wait3A_759] : memref<2080x16xf32, #tpu.memory_space<hbm>> -> memref<2080x16xf32, #tpu.memory_space<hbm>>
    tpu.wait_indirect_dma semaphore(%arg12 : memref<!tpu.dma_semaphore, #tpu.memory_space<semaphore_mem>>) src(%dma_wait3A_754 : memref<128x16xf32, #tpu.memory_space<vmem>>) dst(%dma_wait3A_760 : memref<2080x16xf32, #tpu.memory_space<hbm>>)
    %dma_wait3A_761 = arith.constant 1 : i32
    %dma_wait3A_762 = arith.constant 128 : i32
    %dma_wait3A_763 = arith.constant 0 : i32
    %dma_wait3A_764 = tpu.memref_slice %arg8[%dma_wait3A_762, %dma_wait3A_763] : memref<768x16xf32, #tpu.memory_space<vmem>> -> memref<128x16xf32, #tpu.memory_space<vmem>>
    %dma_wait3A_765 = arith.constant 0 : i32
    %dma_wait3A_766 = tpu.memref_slice %arg9[%dma_wait3A_761, %dma_wait3A_765] : memref<6x128xi32, #tpu.memory_space<vmem>> -> memref<1x128xi32, #tpu.memory_space<vmem>>
    %dma_wait3A_767 = tpu.memref_squeeze %dma_wait3A_766 : memref<1x128xi32, #tpu.memory_space<vmem>> -> memref<128xi32, #tpu.memory_space<vmem>>
    %dma_wait3A_768 = arith.constant 0 : i32
    %dma_wait3A_769 = arith.constant 0 : i32
    %dma_wait3A_770 = tpu.memref_slice %arg5[%dma_wait3A_768, %dma_wait3A_769] : memref<2080x16xf32, #tpu.memory_space<hbm>> -> memref<2080x16xf32, #tpu.memory_space<hbm>>
    tpu.wait_indirect_dma semaphore(%arg12 : memref<!tpu.dma_semaphore, #tpu.memory_space<semaphore_mem>>) src(%dma_wait3A_764 : memref<128x16xf32, #tpu.memory_space<vmem>>) dst(%dma_wait3A_770 : memref<2080x16xf32, #tpu.memory_space<hbm>>)
    %dma_wait3A_771 = arith.constant 2 : i32
    %dma_wait3A_772 = arith.constant 256 : i32
    %dma_wait3A_773 = arith.constant 0 : i32
    %dma_wait3A_774 = tpu.memref_slice %arg8[%dma_wait3A_772, %dma_wait3A_773] : memref<768x16xf32, #tpu.memory_space<vmem>> -> memref<128x16xf32, #tpu.memory_space<vmem>>
    %dma_wait3A_775 = arith.constant 0 : i32
    %dma_wait3A_776 = tpu.memref_slice %arg9[%dma_wait3A_771, %dma_wait3A_775] : memref<6x128xi32, #tpu.memory_space<vmem>> -> memref<1x128xi32, #tpu.memory_space<vmem>>
    %dma_wait3A_777 = tpu.memref_squeeze %dma_wait3A_776 : memref<1x128xi32, #tpu.memory_space<vmem>> -> memref<128xi32, #tpu.memory_space<vmem>>
    %dma_wait3A_778 = arith.constant 0 : i32
    %dma_wait3A_779 = arith.constant 0 : i32
    %dma_wait3A_780 = tpu.memref_slice %arg5[%dma_wait3A_778, %dma_wait3A_779] : memref<2080x16xf32, #tpu.memory_space<hbm>> -> memref<2080x16xf32, #tpu.memory_space<hbm>>
    tpu.wait_indirect_dma semaphore(%arg12 : memref<!tpu.dma_semaphore, #tpu.memory_space<semaphore_mem>>) src(%dma_wait3A_774 : memref<128x16xf32, #tpu.memory_space<vmem>>) dst(%dma_wait3A_780 : memref<2080x16xf32, #tpu.memory_space<hbm>>)
    %dma_wait3A_781 = arith.constant 3 : i32
    %dma_wait3A_782 = arith.constant 384 : i32
    %dma_wait3A_783 = arith.constant 0 : i32
    %dma_wait3A_784 = tpu.memref_slice %arg8[%dma_wait3A_782, %dma_wait3A_783] : memref<768x16xf32, #tpu.memory_space<vmem>> -> memref<128x16xf32, #tpu.memory_space<vmem>>
    %dma_wait3A_785 = arith.constant 0 : i32
    %dma_wait3A_786 = tpu.memref_slice %arg9[%dma_wait3A_781, %dma_wait3A_785] : memref<6x128xi32, #tpu.memory_space<vmem>> -> memref<1x128xi32, #tpu.memory_space<vmem>>
    %dma_wait3A_787 = tpu.memref_squeeze %dma_wait3A_786 : memref<1x128xi32, #tpu.memory_space<vmem>> -> memref<128xi32, #tpu.memory_space<vmem>>
    %dma_wait3A_788 = arith.constant 0 : i32
    %dma_wait3A_789 = arith.constant 0 : i32
    %dma_wait3A_790 = tpu.memref_slice %arg5[%dma_wait3A_788, %dma_wait3A_789] : memref<2080x16xf32, #tpu.memory_space<hbm>> -> memref<2080x16xf32, #tpu.memory_space<hbm>>
    tpu.wait_indirect_dma semaphore(%arg12 : memref<!tpu.dma_semaphore, #tpu.memory_space<semaphore_mem>>) src(%dma_wait3A_784 : memref<128x16xf32, #tpu.memory_space<vmem>>) dst(%dma_wait3A_790 : memref<2080x16xf32, #tpu.memory_space<hbm>>)
    %dma_wait3A_791 = arith.constant 4 : i32
    %dma_wait3A_792 = arith.constant 512 : i32
    %dma_wait3A_793 = arith.constant 0 : i32
    %dma_wait3A_794 = tpu.memref_slice %arg8[%dma_wait3A_792, %dma_wait3A_793] : memref<768x16xf32, #tpu.memory_space<vmem>> -> memref<128x16xf32, #tpu.memory_space<vmem>>
    %dma_wait3A_795 = arith.constant 0 : i32
    %dma_wait3A_796 = tpu.memref_slice %arg9[%dma_wait3A_791, %dma_wait3A_795] : memref<6x128xi32, #tpu.memory_space<vmem>> -> memref<1x128xi32, #tpu.memory_space<vmem>>
    %dma_wait3A_797 = tpu.memref_squeeze %dma_wait3A_796 : memref<1x128xi32, #tpu.memory_space<vmem>> -> memref<128xi32, #tpu.memory_space<vmem>>
    %dma_wait3A_798 = arith.constant 0 : i32
    %dma_wait3A_799 = arith.constant 0 : i32
    %dma_wait3A_800 = tpu.memref_slice %arg5[%dma_wait3A_798, %dma_wait3A_799] : memref<2080x16xf32, #tpu.memory_space<hbm>> -> memref<2080x16xf32, #tpu.memory_space<hbm>>
    tpu.wait_indirect_dma semaphore(%arg12 : memref<!tpu.dma_semaphore, #tpu.memory_space<semaphore_mem>>) src(%dma_wait3A_794 : memref<128x16xf32, #tpu.memory_space<vmem>>) dst(%dma_wait3A_800 : memref<2080x16xf32, #tpu.memory_space<hbm>>)
    %dma_wait3A_801 = arith.constant 5 : i32
    %dma_wait3A_802 = arith.constant 640 : i32
    %dma_wait3A_803 = arith.constant 0 : i32
    %dma_wait3A_804 = tpu.memref_slice %arg8[%dma_wait3A_802, %dma_wait3A_803] : memref<768x16xf32, #tpu.memory_space<vmem>> -> memref<128x16xf32, #tpu.memory_space<vmem>>
    %dma_wait3A_805 = arith.constant 0 : i32
    %dma_wait3A_806 = tpu.memref_slice %arg9[%dma_wait3A_801, %dma_wait3A_805] : memref<6x128xi32, #tpu.memory_space<vmem>> -> memref<1x128xi32, #tpu.memory_space<vmem>>
    %dma_wait3A_807 = tpu.memref_squeeze %dma_wait3A_806 : memref<1x128xi32, #tpu.memory_space<vmem>> -> memref<128xi32, #tpu.memory_space<vmem>>
    %dma_wait3A_808 = arith.constant 0 : i32
    %dma_wait3A_809 = arith.constant 0 : i32
    %dma_wait3A_810 = tpu.memref_slice %arg5[%dma_wait3A_808, %dma_wait3A_809] : memref<2080x16xf32, #tpu.memory_space<hbm>> -> memref<2080x16xf32, #tpu.memory_space<hbm>>
    tpu.wait_indirect_dma semaphore(%arg12 : memref<!tpu.dma_semaphore, #tpu.memory_space<semaphore_mem>>) src(%dma_wait3A_804 : memref<128x16xf32, #tpu.memory_space<vmem>>) dst(%dma_wait3A_810 : memref<2080x16xf32, #tpu.memory_space<hbm>>)
    %eq3A_811 = arith.constant 0 : i32
    %eq3A_812 = arith.cmpi eq, %add3A, %eq3A_811 : i32
    %convert_element_type3A = arith.extui %eq3A_812 : i1 to i32
    %cond3A = arith.constant 0 : i32
    %cond3A_813 = arith.cmpi ne, %convert_element_type3A, %cond3A : i32
    scf.if %cond3A_813 {
      %get3A = arith.constant 0 : index
      %get3A_814 = tpu.vector_load %arg7[%get3A] {strides = array<i32>} : memref<128xi32, #tpu.memory_space<vmem>>, vector<16xi32>,
      %slice3A = vector.extract_strided_slice %get3A_814 {offsets = [0], sizes = [1], strides = [1]} : vector<16xi32> to vector<1xi32>
      %squeeze3A = vector.extract %slice3A[0] : i32 from vector<1xi32>
      %add3A_815 = arith.constant 0 : i32
      %add3A_816 = arith.addi %add3A_815, %squeeze3A : i32
      %get3A_817 = arith.constant 16 : index
      %get3A_818 = tpu.vector_load %arg7[%get3A_817] {strides = array<i32>} : memref<128xi32, #tpu.memory_space<vmem>>, vector<16xi32>,
      %slice3A_819 = vector.extract_strided_slice %get3A_818 {offsets = [0], sizes = [1], strides = [1]} : vector<16xi32> to vector<1xi32>
      %squeeze3A_820 = vector.extract %slice3A_819[0] : i32 from vector<1xi32>
      %add3A_821 = arith.addi %add3A_816, %squeeze3A_820 : i32
      %get3A_822 = arith.constant 32 : index
      %get3A_823 = tpu.vector_load %arg7[%get3A_822] {strides = array<i32>} : memref<128xi32, #tpu.memory_space<vmem>>, vector<16xi32>,
      %slice3A_824 = vector.extract_strided_slice %get3A_823 {offsets = [0], sizes = [1], strides = [1]} : vector<16xi32> to vector<1xi32>
      %squeeze3A_825 = vector.extract %slice3A_824[0] : i32 from vector<1xi32>
      %add3A_826 = arith.addi %add3A_821, %squeeze3A_825 : i32
      %get3A_827 = arith.constant 48 : index
      %get3A_828 = tpu.vector_load %arg7[%get3A_827] {strides = array<i32>} : memref<128xi32, #tpu.memory_space<vmem>>, vector<16xi32>,
      %slice3A_829 = vector.extract_strided_slice %get3A_828 {offsets = [0], sizes = [1], strides = [1]} : vector<16xi32> to vector<1xi32>
      %squeeze3A_830 = vector.extract %slice3A_829[0] : i32 from vector<1xi32>
      %add3A_831 = arith.addi %add3A_826, %squeeze3A_830 : i32
      %get3A_832 = arith.constant 64 : index
      %get3A_833 = tpu.vector_load %arg7[%get3A_832] {strides = array<i32>} : memref<128xi32, #tpu.memory_space<vmem>>, vector<16xi32>,
      %slice3A_834 = vector.extract_strided_slice %get3A_833 {offsets = [0], sizes = [1], strides = [1]} : vector<16xi32> to vector<1xi32>
      %squeeze3A_835 = vector.extract %slice3A_834[0] : i32 from vector<1xi32>
      %add3A_836 = arith.addi %add3A_831, %squeeze3A_835 : i32
      %get3A_837 = arith.constant 80 : index
      %get3A_838 = tpu.vector_load %arg7[%get3A_837] {strides = array<i32>} : memref<128xi32, #tpu.memory_space<vmem>>, vector<16xi32>,
      %slice3A_839 = vector.extract_strided_slice %get3A_838 {offsets = [0], sizes = [1], strides = [1]} : vector<16xi32> to vector<1xi32>
      %squeeze3A_840 = vector.extract %slice3A_839[0] : i32 from vector<1xi32>
      %add3A_841 = arith.addi %add3A_836, %squeeze3A_840 : i32
      %get3A_842 = arith.constant 96 : index
      %get3A_843 = tpu.vector_load %arg7[%get3A_842] {strides = array<i32>} : memref<128xi32, #tpu.memory_space<vmem>>, vector<16xi32>,
      %slice3A_844 = vector.extract_strided_slice %get3A_843 {offsets = [0], sizes = [1], strides = [1]} : vector<16xi32> to vector<1xi32>
      %squeeze3A_845 = vector.extract %slice3A_844[0] : i32 from vector<1xi32>
      %add3A_846 = arith.addi %add3A_841, %squeeze3A_845 : i32
      %get3A_847 = arith.constant 112 : index
      %get3A_848 = tpu.vector_load %arg7[%get3A_847] {strides = array<i32>} : memref<128xi32, #tpu.memory_space<vmem>>, vector<16xi32>,
      %slice3A_849 = vector.extract_strided_slice %get3A_848 {offsets = [0], sizes = [1], strides = [1]} : vector<16xi32> to vector<1xi32>
      %squeeze3A_850 = vector.extract %slice3A_849[0] : i32 from vector<1xi32>
      %add3A_851 = arith.addi %add3A_846, %squeeze3A_850 : i32
      %lt3A_852 = arith.constant 1000 : i32
      %lt3A_853 = arith.cmpi slt, %add3A_851, %lt3A_852 : i32
      %convert_element_type3A_854 = arith.extui %lt3A_853 : i1 to i32
      %cond3A_855 = arith.constant 0 : i32
      %cond3A_856 = arith.cmpi ne, %convert_element_type3A_854, %cond3A_855 : i32
      scf.if %cond3A_856 {
        %scan3A_857 = arith.constant 0 : i32
        %scan3A_858 = arith.constant 0 : i32
        %scan3A_859 = arith.constant 1024 : i32
        %scan3A_860 = arith.addi %scan3A_858, %scan3A_859 : i32
        %scan3A_861 = arith.constant 1 : i32
        scf.for %scan3A_863 = %scan3A_858 to %scan3A_860 step %scan3A_861  : i32 {
          %broadcast_in_dim3A_864 = arith.constant 0.000000e+00 : f32
          %broadcast_in_dim3A_865 = vector.broadcast %broadcast_in_dim3A_864 : f32 to vector<16xf32>
          %swap3A_866 = arith.index_cast %scan3A_863 : i32 to index
          %swap3A_867 = arith.constant 0 : index
          %swap3A_868 = tpu.vector_load %arg11[%swap3A_866, %swap3A_867] {strides = array<i32>} : memref<1024x16xf32, #tpu.memory_space<vmem>>, vector<16xf32>,
          tpu.vector_store %arg11[%swap3A_866, %swap3A_867], %broadcast_in_dim3A_865 {strides = array<i32>} : memref<1024x16xf32, #tpu.memory_space<vmem>>, vector<16xf32>,
        }
        %scan3A_862 = arith.constant 1024 : i32
        "tpu.region"() ({
          %run_scoped3A = tpu.sem_alloc : memref<!tpu.dma_semaphore, #tpu.memory_space<semaphore_mem>>
          %dma_start3A_863 = arith.constant 0 : i32
          %dma_start3A_864 = tpu.memref_slice %arg5[%add3A_851, %dma_start3A_863] : memref<2080x16xf32, #tpu.memory_space<hbm>> -> memref<1024x16xf32, #tpu.memory_space<hbm>>
          %dma_start3A_865 = arith.constant 0 : i32
          %dma_start3A_866 = tpu.memref_slice %arg5[%add3A_851, %dma_start3A_865] : memref<2080x16xf32, #tpu.memory_space<hbm>> -> memref<1024x16xf32, #tpu.memory_space<hbm>>
          tpu.enqueue_dma source(%arg11 : memref<1024x16xf32, #tpu.memory_space<vmem>>) target(%dma_start3A_866 : memref<1024x16xf32, #tpu.memory_space<hbm>>) target_semaphore(%run_scoped3A : memref<!tpu.dma_semaphore, #tpu.memory_space<semaphore_mem>>)
          %dma_wait3A_867 = arith.constant 0 : i32
          %dma_wait3A_868 = tpu.memref_slice %arg5[%add3A_851, %dma_wait3A_867] : memref<2080x16xf32, #tpu.memory_space<hbm>> -> memref<1024x16xf32, #tpu.memory_space<hbm>>
          %dma_wait3A_869 = arith.constant 0 : i32
          %dma_wait3A_870 = tpu.memref_slice %arg5[%add3A_851, %dma_wait3A_869] : memref<2080x16xf32, #tpu.memory_space<hbm>> -> memref<1024x16xf32, #tpu.memory_space<hbm>>
          tpu.wait_dma2 semaphore(%run_scoped3A : memref<!tpu.dma_semaphore, #tpu.memory_space<semaphore_mem>>) src(%arg11 : memref<1024x16xf32, #tpu.memory_space<vmem>>) dst(%dma_wait3A_870 : memref<1024x16xf32, #tpu.memory_space<hbm>>)
          tpu.yield
        }) : () -> ()
      } else {
      }
    } else {
    }
    return
  }
}

</mosaic_0001>

<sc_bundles>
// kernel: kernel.4.cloned.1.call-start
scs
__scs_entry_jumppad:
0x0: {  	(pc) =	sbr.rel $0x88, $3  }
0x1: {  	(tag) =	ssettag $0x0;
	lr =	simm.s32 $0x1  }
0x2: {  	[smem:$0x3FA0] =	sst lr;
	_ =	strace $0xD0000000  }
0x3: {  	_ = 	snop  }
0x4: {  	_ = 	snop  }
0x5: {  	_ = 	snop  }
0x6: {  	_ = 	snop  }
0x7: {  	_ = 	snop  }
__scs_overlays_trampoline_lowered:
0x8: {  	[smem:$0x3FAF] =	sst s0  }
0x9: {  	[smem:$0x3FB0] =	sst s1  }
0xa: {  	[smem:$0x3FB1] =	sst s2  }
0xb: {  	[smem:$0x3FB2] =	sst s3  }
0xc: {  	[smem:$0x3FB3] =	sst s4  }
0xd: {  	[smem:$0x3FB4] =	sst s5  }
0xe: {  	[smem:$0x3FB5] =	sst s6  }
0xf: {  	[smem:$0x3FB6] =	sst s7  }
0x10: {  	[smem:$0x3FB7] =	sst s8  }
0x11: {  	[smem:$0x3FB8] =	sst s9;
	s0 =	simm.s32 @!p0 $0x0  }
0x12: {  	s1 =	sld [smem:$0x3F9E];
	s0 =	simm.s32 @p0 $0x1  }
0x13: {  	[smem:$0x3FB9] =	sst s0;
	s0 =	simm.s32 @!p1 $0x0  }
0x14: {  	s2 =	sld [smem:$0x3F9D];
	s0 =	simm.s32 @p1 $0x1  }
0x15: {  	[smem:$0x3FBA] =	sst s0;
	s0 =	simm.s32 @!p2 $0x0  }
0x16: {  	s3 =	sld [smem:$0x3FDB];
	s0 =	simm.s32 @p2 $0x1  }
0x17: {  	s4 =	simm.s32 $0x1BF5;
	[smem:$0x3FBC] =	sst s0  }
0x18: {  	s0 =	sld [smem:$0x3F9F];
	_ =	swait.ge [sflag:s4], $0x0  }
0x19: {  	s7 =	sld [smem:$0x3FA0]  }
0x1a: {  	s8 =	sadd.s32 $0xFFFFE003, lr  }
0x1b: {  	s9 =	sadd.s32 $0xFFFFFEF7, lr;
	s5 =	simm.s32 $0xFFFFFFFF;
	p2 =	slt.u32 s8, $0xFFFFF086  }
0x1c: {  	p1 =	slt.u32 s9, $0xF7A;
	s5 =	simm.s32 @!p2 $0x0  }
0x1d: {  	s5 =	simm.s32 @p1 $0x1;
	p0 =	seq.s32 s7, s2  }
0x1e: {  	s7 =	smul.u32 @!p0 $0xF7A, s2;
	p2 =	seq.s32 @!p0 s5, $0x0  }
0x1f: {  	s9 =	smul.u32 $0xF7A, s1;
	s8 =	simm.s32 @!p0 $0x1BF5;
	p2 =	por !p2, p0  }
0x20: {  	[sflag:s8] =	ssyncset.s32 @!p0 $0xFFFFF086;
	s6 =	sadd.s32 @!p0 s3, s7;
	s7 =	simm.s32 @!p0 $0x108  }
0x21: {  	s3 =	sadd.s32 s3, s9;
	s6 =	sadd.s32 @!p0 $0x88, s6;
	s7 =	simm.s32 @p2 $0x1082  }
0x22: {  	[simem:s7], [sflag:s8] =	dma.local @!p0 [hbm:s6], $0xF7A  }
0x23: {  	s9 =	sor.u32 $0xD0000000, s2;
	s6 =	simm.s32 $0x108;
	_ =	swait.ge @!p0 [sflag:s8], $0x0  }
0x24: {  	s3 =	sadd.s32 $0x88, s3;
	s6 =	simm.s32 @!p1 $0x1082;
	[sflag:s4] =	ssyncset.s32 $0xFFFFF086  }
0x25: {  	[simem:s6], [sflag:s4] =	dma.local [hbm:s3], $0xF7A  }
0x26: {  	[smem:$0x3FA0] =	sst s1;
	(tag) =	ssettag s2;
	_ =	strace s9  }
0x27: {  	s1 =	sld [smem:$0x3FB0]  }
0x28: {  	s2 =	sld [smem:$0x3FB1]  }
0x29: {  	s4 =	sld [smem:$0x3FB3]  }
0x2a: {  	p0 =	seq.s32 s5, $0x0;
	s5 =	sld [smem:$0x3FB4]  }
0x2b: {  	s6 =	sld [smem:$0x3FB5]  }
0x2c: {  	s7 =	sld [smem:$0x3FB6]  }
0x2d: {  	s3 =	simm.s32 $0x108;
	s8 =	sld [smem:$0x3FB7]  }
0x2e: {  	s3 =	simm.s32 @!p0 $0x1082;
	s9 =	sld [smem:$0x3FB8]  }
0x2f: {  	lr =	sadd.s32 s0, s3;
	s0 =	sld [smem:$0x3FAF]  }
0x30: {  	s3 =	sld [smem:$0x3FB2]  }
0x31: {  	[smem:$0x3FBB] =	sst s10  }
0x32: {  	s10 =	sld [smem:$0x3FB9];
	_ =	sdelay $0x3  }
0x33: {  	p0 =	seq.s32 s10, $0x1;
	s10 =	sld [smem:$0x3FBB];
	_ =	sdelay $0x3  }
0x34: {  	[smem:$0x3FBB] =	sst s10  }
0x35: {  	s10 =	sld [smem:$0x3FBA];
	_ =	sdelay $0x3  }
0x36: {  	p1 =	seq.s32 s10, $0x1;
	s10 =	sld [smem:$0x3FBB];
	_ =	sdelay $0x3  }
0x37: {  	[smem:$0x3FBB] =	sst s10  }
0x38: {  	s10 =	sld [smem:$0x3FBC]  }
0x39: {  	_ = 	snop;
	(pc) =	sbr.ind lr, $3  }
0x3a: {  	_ = 	snop  }
0x3b: {  	_ = 	snop  }
0x3c: {  	p2 =	seq.s32 s10, $0x1;
	s10 =	sld [smem:$0x3FBB]  }
0x3d: {  	_ =	shalt  }
0x3e: {  	_ =	shalt  }
0x3f: {  	_ =	shalt  }
0x40: {  	_ =	shalt  }
0x41: {  	_ =	shalt  }
0x42: {  	_ =	shalt  }
0x43: {  	_ =	shalt  }
0x44: {  	_ =	shalt  }
0x45: {  	_ =	shalt  }
0x46: {  	_ =	shalt  }
0x47: {  	_ =	shalt  }
0x48: {  	_ =	shalt  }
0x49: {  	_ =	shalt  }
0x4a: {  	_ =	shalt  }
0x4b: {  	_ =	shalt  }
0x4c: {  	_ =	shalt  }
0x4d: {  	_ =	shalt  }
0x4e: {  	_ =	shalt  }
0x4f: {  	_ =	shalt  }
0x50: {  	_ =	shalt  }
0x51: {  	_ =	shalt  }
0x52: {  	_ =	shalt  }
0x53: {  	_ =	shalt  }
0x54: {  	_ =	shalt  }
0x55: {  	_ =	shalt  }
0x56: {  	_ =	shalt  }
0x57: {  	_ =	shalt  }
0x58: {  	_ =	shalt  }
0x59: {  	_ =	shalt  }
0x5a: {  	_ =	shalt  }
0x5b: {  	_ =	shalt  }
0x5c: {  	_ =	shalt  }
0x5d: {  	_ =	shalt  }
0x5e: {  	_ =	shalt  }
0x5f: {  	_ =	shalt  }
0x60: {  	_ =	shalt  }
0x61: {  	_ =	shalt  }
0x62: {  	_ =	shalt  }
0x63: {  	_ =	shalt  }
0x64: {  	_ =	shalt  }
0x65: {  	_ =	shalt  }
0x66: {  	_ =	shalt  }
0x67: {  	_ =	shalt  }
0x68: {  	_ =	shalt  }
0x69: {  	_ =	shalt  }
0x6a: {  	_ =	shalt  }
0x6b: {  	_ =	shalt  }
0x6c: {  	_ =	shalt  }
0x6d: {  	_ =	shalt  }
0x6e: {  	_ =	shalt  }
0x6f: {  	_ =	shalt  }
0x70: {  	_ =	shalt  }
0x71: {  	_ =	shalt  }
0x72: {  	_ =	shalt  }
0x73: {  	_ =	shalt  }
0x74: {  	_ =	shalt  }
0x75: {  	_ =	shalt  }
0x76: {  	_ =	shalt  }
0x77: {  	_ =	shalt  }
0x78: {  	_ =	shalt  }
0x79: {  	_ =	shalt  }
0x7a: {  	_ =	shalt  }
0x7b: {  	_ =	shalt  }
0x7c: {  	_ =	shalt  }
0x7d: {  	_ =	shalt  }
0x7e: {  	_ =	shalt  }
0x7f: {  	_ =	shalt  }
0x80: {  	_ =	shalt  }
0x81: {  	_ =	shalt  }
0x82: {  	_ =	shalt  }
0x83: {  	_ =	shalt  }
0x84: {  	_ =	shalt  }
0x85: {  	_ =	shalt  }
0x86: {  	_ =	shalt  }
0x87: {  	_ =	shalt  }
.Lfunc_end0:
.L_simem_size_0:
called_computation_lowered:
.L_overlay_start_0:
0x88: {  	s2 =	sld [smem:$0x3FD9]  }
0x89: {  	s3 =	sld [smem:$0x3FFE];
	_ =	sdelay $0x1  }
0x8a: {  	s1 =	srdreg.scid  }
0x8b: {  	s0 =	sand.u32 $0x1, s1  }
0x8c: {  	s17 =	sshll.u32 s0, $0xA;
	s2 =	sadd.s32 s3, s2  }
0x8d: {  	s2 =	sadd.s32 s2, s17  }
0x8e: {  	[smem:$0x3FC7] =	sst s2  }
0x8f: {  	_ = 	snop  }
0x90: {  	s2 =	sld [smem:$0x3FD0];
	(tm) =	ssettm $0x1  }
0x91: {  	s18 =	sld [smem:$0x3FFB];
	_ =	sdelay $0x3  }
0x92: {  	_ =	strace s18  }
0x93: {  	s3 =	sld [smem:$0x3FFC];
	_ =	sdelay $0x3  }
0x94: {  	_ =	strace s3  }
0x95: {  	s3 =	sld [smem:$0x3FFD];
	_ =	sdelay $0x3  }
0x96: {  	_ =	strace s3  }
0x97: {  	_ =	strace $0x8FFFFFFF  }
0x98: {  	s19 =	sld [smem:$0x3FDB];
	_ =	sdelay $0x1  }
0x99: {  	s4 =	simm.s32 $_scs_section_size  }
0x9a: {  	s5 =	simm.s32 $_size__tile_overlayer_lowered;
	s6 =	simm.s32 $_tile_overlayer_lowered  }
0x9b: {  	s22 =	simm.s32 $0x1BFF;
	s21 =	sshll.u32 s6, $0x1;
	s3 =	sadd.s32 s4, s19  }
0x9c: {  	s7 =	simm.s32 $0x0;
	s20 =	sshll.u32 s5, $0x1;
	s5 =	sadd.s32 s21, s3  }
0x9d: {  	[timem:s7], [sflag:s22] =	dma.local [hbm:s5], s20  }
0x9e: {  	_ =	swait.ge [sflag:s22], s20  }
0x9f: {  	s4 =	ssub.s32 $0x0, s20;
	[sflag:s22] =	ssyncset.done $0x0  }
0xa0: {  	[sflag:s22] =	ssyncadd.s32 s4;
	_ =	sdelay $0x1  }
0xa1: {  	s23 =	simm.s32 $0x1B8B  }
0xa2: {  	_ =	swait.ge [sflag:s23], $0x1  }
0xa3: {  	[sflag:s23] =	ssyncset.done $0x0  }
0xa4: {  	s25 =	simm.s32 $0x1B8E;
	s24 =	sld [smem:$0x3FFE];
	[sflag:s23] =	ssyncadd.s32 $0xFFFFFFFF  }
0xa5: {  	s26 =	simm.s32 $execute0_lowered;
	[smem:$0x3FD2] =	sst s25  }
0xa6: {  	s5 =	sshll.u32 s26, $0x1;
	_ =	strace $0x80000046;
	[dreg:$0x1] =	wrdreg $0xFFFFFFFF  }
0xa7: {  	s28 =	simm.s32 $_size_execute0_lowered;
	s3 =	sadd.s32 s3, s5;
	[dreg:$0x0] =	wrdreg $0x0  }
0xa8: {  	s5 =	sshll.u32 s28, $0x1;
	[dreg:$0x2] =	wrdreg s3  }
0xa9: {  	[dreg:$0x3] =	wrdreg s5  }
0xaa: {  	[dreg:$0x4] =	wrdreg $0xC0  }
0xab: {  	_ =	task [dreg:s7], $0x5FFFF  }
0xac: {  	[dreg:$0x1] =	wrdreg $0xFFFFFFFF  }
0xad: {  	[dreg:$0x0] =	wrdreg $0x60  }
0xae: {  	[dreg:$0x2] =	wrdreg s24  }
0xaf: {  	[dreg:$0x3] =	wrdreg s2  }
0xb0: {  	[dreg:$0x4] =	wrdreg $0x9  }
0xb1: {  	_ =	task.clear_ibuf [dreg:s7], $0x5FFFF;
	_ =	strace $0x90000046  }
0xb2: {  	s29 =	simm.s32 $0x9;
	_ =	strace $0x80000048  }
0xb3: {  	_ =	swait.ge [sflag:s29], $0x1  }
0xb4: {  	[sflag:s29] =	ssyncadd.s32 $0xFFFFFFFF  }
0xb5: {  	_ =	strace $0x90000048  }
0xb6: {  	_ =	sfence  }
0xb7: {  	s30 =	sld [smem:$0x0];
	_ =	sdelay $0x2  }
0xb8: {  	s31 =	sshll.u32 s1, $0xD;
	s1 =	sshrl.u32 s1, $0x2  }
0xb9: {  	s3 =	sand.u32 $0x4000, s31;
	s1 =	sadd.s32 s1, s30  }
0xba: {  	s0 =	sor.u32 s3, s0;
	s1 =	sshll.u32 s1, $0x11  }
0xbb: {  	s0 =	sor.u32 s1, s0  }
0xbc: {  	s0 =	sadd.s32 $0x8F2B, s0  }
0xbd: {  	[sflag:s0] =	ssyncadd.remote.s32 $0x1  }
0xbe: {  	_ =	sfence.sel $0xFFFF  }
0xbf: {  	[dreg:$0x0] =	wrdreg $0xFFFFFFFF;
	(pc) =	sbr.abs _section_cstart, $3  }
0xc0: {  	[dreg:$0x1] =	wrdreg $0xFFFFFFFF  }
0xc1: {  	_ =	task.clear_ibuf [dreg:s7], $0x2FFFF;
	_ =	strace $0x9FFFFFFF  }
0xc2: {  	(tm) =	ssettm $0x7FFFFFFF  }
0xc3: {  	_ =	shalt  }
tec
execute0_lowered:
.L_overlay_start_1:
0x0: {  	(tag) =	ssettag $0x1  }
0x1: {  	s1 =	stileid.u32  }
0x2: {  	p0 =	sgt.u32 s1, $0x3  }
.Ltmp0:
0x3: {  	_ = 	snop;
	(pc) =	sbr.rel @p0 .LBB2_20-.Ltmp0, $4  }
0x4: {  	s4 =	rddreg [dreg:$0x0]  }
0x5: {  	s6 =	rddreg [dreg:$0x1];
	s2 =	simm.s32 $0x0  }
0x6: {  	[smem:$0x7FF] =	sst s2  }
0x7: {  	s0 =	rddreg [dreg:$0x2];
	_ =	strace $0x80000047  }
0x8: {  	s3 =	srdreg.scid  }
0x9: {  	s28 =	sshll.u32 s1, $0x1;
	s5 =	sand.u32 $0x1, s3  }
0xa: {  	v0 =	vimm.s32 $0x55543210;
	s11 =	simm.s32 $0x10250;
	s12 =	simm.s32 $0x10E10;
	s7 =	sor.u32 s5, s28  }
0xb: {  	v2 =	vimm.s32 $0x0;
	vm0 =	vcmask $0x1F00;
	vm1 =	vcmask $0x130C;
	s13 =	simm.s32 $0x0;
	s5 =	ssub.s32 $0x2, s5;
	s8 =	smul.u32 $0x1780, s7  }
0xc: {  	vm2 =	vcmask $0x1308;
	vm3 =	vcmask $0x3F10;
	v1 =	vunpack.c.l.s4.s8 v0;
	s3 =	sadd.s32 $0xC00, s4;
	s10 =	smul.u32 $0x178, s7;
	s30 =	sshrl.u32 s5, $0x1  }
0xd: {  	vm4 =	vcmask $0x3F2C;
	vm5 =	vcmask $0x3F28;
	vm6 =	vcmask $0x3F24;
	s9 =	scvt.s32.f32 s7;
	s7 =	sshll.u32 s7, $0x1;
	s31 =	ssub.s32 s5, s30  }
0xe: {  	vm7 =	vcmask $0x3F20;
	vm8 =	vcmask $0x3F18;
	v3 =	vunpack.c.0.s8.s32 v1;
	s6 =	sadd.s32 s6, s7;
	s8 =	sadd.s32 s8, s4;
	s29 =	sadd.s32 s10, s4  }
0xf: {  	vm9 =	vmmov $0x1f;
	vm10 =	vcmask $0x2B28;
	v0 =	vmov s9;
	s7 =	smax.u32 s31, $0x1;
	s9 =	simm.s32 $0x10E20;
	s10 =	simm.s32 $0x4650  }
0x10: {  	v1 =	vlaneseq.u32;
	v3 =	vnsel vm0, $0x5, v3;
	vm0 =	vcmask $0x1310;
	s4 =	sadd.s32 $0x1600, s8;
	s5 =	sadd.s32 $0xD200, s29;
	s8 =	simm.s32 $0x1  }
.LBB2_2:
0x11: {  	s14 =	simm.s32 $0x0  }
0x12: {  	v4 =	vor.u32 s14, v1  }
0x13: {  	v5 =	vmul.u32 $0x6, v4;
	_ =	sdelay $0x1  }
0x14: {  	v5 =	vmin.u32 v5, $0x464A  }
0x15: {  	v5 =	vadd.s32 $0x5, v5  }
0x16: {  	[tilespmem:s14], [sflag:$0x1] =	stream.linear.gather [hbm4b:s3+s14], $0x4650, $0x38;
	[tilespmem:$0x119E0] =	vst v63  }
0x17: {  	_ =	swait.ge [sflag:s8], $0x4650  }
0x18: {  	[sflag:s8] =	ssyncset.done $0x0  }
0x19: {  	[sflag:s8] =	ssyncadd.s32 $0xFFFFB9B0  }
0x1a: {  	v5 =	vld.idx.msk [tilespmem:v5+s2+$0x0], $0xffff;
	_ =	sdelay $0x4  }
0x1b: {  	vm12 =	vlt.u32 v4, $0xBB8;
	vm11 =	veq.f32 v5, v0  }
0x1c: {  	vm11 =	vmand vm12, vm11  }
0x1d: {  	v5 =	vmpcnt.ones.xlane vm11  }
0x1e: {  	v6 =	vsel vm11, $0x1, v2  }
0x1f: {  	(xrf0) =	vadd.scan.msk.s32 $0xffff, v6;
	v5 =	vxor.u32 $0x80000000, v5  }
0x20: {  	(xrf0) =	vmax.scan.msk.u32 $0xffff, v5;
	_ =	sdelay $0x1  }
0x21: {  	s15 =	simm.s32 $0x10;
	[smem:$0x0] =	sst s14;
	v5 =	vmov s14  }
.LBB2_3:
0x22: {  	v6 =	vor.u32 s15, v1;
	p0 =	sne.s32 s15, $0xBB0;
	v5 =	vadd.s32 $0xFFFFFFFF, v5  }
0x23: {  	v7 =	vmul.u32 $0x6, v6;
	v5 =	vbroadcast v5, $0x0  }
0x24: {  	v8, _, _ =	vpop (xrf0)  }
0x25: {  	v7 =	vmin.u32 v7, $0x464A;
	v5 =	vadd.s32 v8, v5;
	v8, _, _ =	vpop (xrf0)  }
0x26: {  	v7 =	vadd.s32 $0x5, v7;
	(v2sf) =	vpush v8, $0xF;
	_ =	sdelay $0x3  }
0x27: {  	[tilespmem:v5+s9+$0x0] =	vst.idx.msk vm11, v4;
	v4 =	vmov v6  }
0x28: {  	v5 =	vld.idx.msk [tilespmem:v7+s2+$0x0], $0xffff;
	_ =	sdelay $0x5  }
0x29: {  	vm12 =	vlt.u32 v4, $0xBB8;
	vm11 =	veq.f32 v5, v0  }
0x2a: {  	vm11 =	vmand vm12, vm11  }
0x2b: {  	v5 =	vsel vm11, $0x1, v2;
	v6 =	vmpcnt.ones.xlane vm11  }
.Ltmp1:
0x2c: {  	(pc) =	sbr.rel @p0 .LBB2_3-.Ltmp1, $4  }
0x2d: {  	v6 =	vxor.u32 $0x80000000, v6;
	(xrf0) =	vadd.scan.msk.s32 $0xffff, v5;
	s16 =	spop (v2sf)  }
0x2e: {  	(xrf0) =	vmax.scan.msk.u32 $0xffff, v6;
	s14 =	sadd.s32 s16, s14  }
0x2f: {  	s14 =	sadd.s32 $0x80000000, s14  }
0x30: {  	s15 =	sadd.s32 $0x10, s15;
	v5 =	vmov s14;
	[smem:$0x1] =	sst s14  }
0x31: {  	_ =	sdelay $0x1  }
0x32: {  	v6, _, _ =	vpop (xrf0)  }
0x33: {  	v7, _, _ =	vpop (xrf0)  }
0x34: {  	(v2sf) =	vpush v7, $0xF;
	_ =	sdelay $0xe  }
0x35: {  	v5 =	vadd.s32 $0xFFFFFFFF, v5;
	s15 =	spop (v2sf)  }
0x36: {  	v5 =	vbroadcast v5, $0x0;
	s14 =	sadd.s32 s15, s14  }
0x37: {  	s15 =	sadd.s32 $0x80000000, s14  }
0x38: {  	v5 =	vadd.s32 v6, v5;
	p0 =	slt.s32 s15, $0x1  }
.Ltmp2:
0x39: {  	_ = 	snop;
	(pc) =	sbr.rel @!p0 .LBB2_5-.Ltmp2, $3  }
0x3a: {  	_ =	sdelay $0x1  }
0x3b: {  	s16 =	simm.s32 $0x0  }
0x3c: {  	s17 =	simm.s32 $0x0;
	[tilespmem:v5+s9+$0x0] =	vst.idx.msk vm11, v4;
	s14 =	simm.s32 $0x0;
	[smem:$0x1] =	sst s15  }
.LBB2_17:
0x3d: {  	v6 =	vor.u32 s16, v1  }
0x3e: {  	v4 =	vshll.u32 v6, $0x4  }
0x3f: {  	v4 =	vor.u32 $0x4, v4;
	_ =	sdelay $0x3  }
0x40: {  	s15 =	simm.s32 $0x10  }
0x41: {  	v5 =	vor.u32 s15, v1;
	v7 =	vld.idx.msk [tilespmem:v4+s10+$0x0], $0xffff  }
0x42: {  	v4 =	vshll.u32 v5, $0x4  }
0x43: {  	v8 =	vor.u32 $0x4, v4  }
0x44: {  	v4 =	vmov s14  }
0x45: {  	vm11 =	vlt.s32 v6, v4  }
0x46: {  	s14 =	simm.s32 $0x10250;
	v6 =	vnsel vm11, $0xBF800000, v7  }
0x47: {  	s31 =	simm.s32 $0x20;
	[tilespmem:s14+$0x0] =	vst v6  }
0x48: {  	s15 =	simm.s32 $0x30;
	v7 =	vor.u32 s31, v1;
	v6 =	vld.idx.msk [tilespmem:v8+s10+$0x0], $0xffff  }
.LBB2_18:
0x49: {  	p0 =	sne.s32 s15, $0xBB0;
	v8 =	vshll.u32 v7, $0x4  }
0x4a: {  	v8 =	vor.u32 $0x4, v8;
	_ =	sdelay $0x1  }
.Ltmp3:
0x4b: {  	vm11 =	vlt.s32 v5, v4;
	v5 =	vmov v7;
	(pc) =	sbr.rel @p0 .LBB2_18-.Ltmp3, $4  }
0x4c: {  	s14 =	sadd.s32 $0x10, s14;
	v6 =	vnsel vm11, $0xBF800000, v6  }
0x4d: {  	[tilespmem:s14+$0x0] =	vst v6  }
0x4e: {  	v6 =	vld.idx.msk [tilespmem:v8+s10+$0x0], $0xffff  }
0x4f: {  	v7 =	vor.u32 s15, v1;
	s15 =	sadd.s32 $0x10, s15  }
0x50: {  	v8 =	vshll.u32 v7, $0x4  }
0x51: {  	v8 =	vor.u32 $0x4, v8;
	_ =	sdelay $0x1  }
0x52: {  	vm11 =	vlt.s32 v5, v4  }
0x53: {  	s14 =	sadd.s32 $0x10, s14;
	v5 =	vnsel vm11, $0xBF800000, v6  }
0x54: {  	[tilespmem:s14+$0x0] =	vst v5  }
0x55: {  	v5 =	vld.idx.msk [tilespmem:v8+s10+$0x0], $0xffff;
	_ =	sdelay $0x3  }
0x56: {  	vm11 =	vlt.s32 v7, v4  }
0x57: {  	s14 =	sadd.s32 $0x10, s14;
	v5 =	vnsel vm11, $0xBF800000, v5  }
0x58: {  	[tilespmem:s14+$0x0] =	vst v5  }
0x59: {  	[tilespmem:$0x10E10] =	vst v4  }
0x5a: {  	[hbm4b:s4+s2] =	stream.linear.scatter [tilespmem:s10], [sflag:$0x1], $0xBC00, $0x38;
	[tilespmem:$0x119E0] =	vst v63  }
0x5b: {  	_ =	swait.ge [sflag:s8], $0xBC00  }
0x5c: {  	[sflag:s8] =	ssyncset.done $0x0  }
0x5d: {  	[sflag:s8] =	ssyncadd.s32 $0xFFFF4400  }
0x5e: {  	[hbm4b:s5+s2] =	stream.linear.scatter [tilespmem:s11], [sflag:$0x1], $0xBC0, $0x38;
	[tilespmem:$0x119E0] =	vst v63  }
0x5f: {  	_ =	swait.ge [sflag:s8], $0xBC0  }
0x60: {  	s13 =	sadd.s32 $0x1, s13;
	[sflag:s8] =	ssyncset.done $0x0  }
0x61: {  	p0 =	sne.s32 s13, s7;
	[sflag:s8] =	ssyncadd.s32 $0xFFFFF440  }
0x62: {  	[hbm4b:s6+s2] =	stream.linear.scatter [tilespmem:s12], [sflag:$0x1], $0x10, $0x38;
	[tilespmem:$0x119E0] =	vst v63  }
.Ltmp4:
0x63: {  	_ = 	snop;
	(pc) =	sbr.rel @p0 .LBB2_2-.Ltmp4, $4  }
.Ltmp5:
0x64: {  	_ = 	snop;
	(pc) =	sbr.rel @!p0 .LBB2_20-.Ltmp5, $4  }
0x65: {  	_ =	swait.ge [sflag:s8], $0x10  }
0x66: {  	[sflag:s8] =	ssyncset.done $0x0  }
0x67: {  	[sflag:s8] =	ssyncadd.s32 $0xFFFFFFF0  }
0x68: {  	_ = 	snop  }
.LBB2_6:
0x69: {  	v5 =	vimm.s32 $0x80000BC0  }
.LBB2_16:
0x6a: {  	(xrf0) =	vmin.scan.msk.u32 $0xffff, v5;
	_ =	sdelay $0x5  }
0x6b: {  	v5, _, _ =	vpop (xrf0)  }
0x6c: {  	(v2sf) =	vpush v5, $0xF;
	_ =	sdelay $0xe  }
0x6d: {  	s23 =	spop (v2sf)  }
0x6e: {  	s24 =	sxor.u32 $0x80000000, s23  }
0x6f: {  	s23 =	smov.u32 s14;
	p0 =	slt.s32 s24, s14  }
0x70: {  	s23 =	smov.u32 @p0 s24  }
0x71: {  	s23 =	sshll.u32 s23, $0x6  }
0x72: {  	s23 =	sshra.s32 s23, $0x2  }
0x73: {  	v5 =	vld [tilespmem:s23+$0x4650];
	_ =	sdelay $0x4  }
0x74: {  	(v2sf) =	vpush v5, $0x6  }
0x75: {  	(v2sf) =	vpush v5, $0x7  }
0x76: {  	(v2sf) =	vpush v5, $0x8  }
0x77: {  	(v2sf) =	vpush v5, $0x9  }
0x78: {  	(v2sf) =	vpush v5, $0xA  }
0x79: {  	(v2sf) =	vpush v5, $0xB;
	_ =	sdelay $0x9  }
0x7a: {  	s25 =	spop (v2sf)  }
0x7b: {  	s26 =	spop (v2sf)  }
0x7c: {  	s28 =	spop (v2sf)  }
0x7d: {  	s29 =	spop (v2sf)  }
0x7e: {  	s30 =	spop (v2sf)  }
0x7f: {  	s31 =	spop (v2sf)  }
0x80: {  	s31 =	sadd.f32 $1.000000000e+00, s31;
	_ =	sdelay $0x1  }
0x81: {  	s30 =	sadd.f32 s30, s21;
	v5 =	vmov s31  }
0x82: {  	v5 =	vnsel vm0, $0x3F800000, v5  }
0x83: {  	v5 =	vnsel vm3, s30, v5  }
0x84: {  	s22 =	smul.f32 s22, s21;
	(erf) = vrcp.f32 v5;
	_ =	sdelay $0x1  }
0x85: {  	s20 =	smul.f32 s20, s21;
	s29 =	sadd.f32 s29, s22  }
0x86: {  	s19 =	smul.f32 s19, s21;
	vm11 =	veq.s32 v1, $0x6;
	vm12 =	veq.s32 v1, $0x7  }
0x87: {  	s18 =	smul.f32 s18, s21;
	s28 =	sadd.f32 s28, s20;
	v6 =	vmov s29;
	v7 =	vmov s30;
	v5 =	vbroadcast v4, $0x4  }
0x88: {  	vm13 =	veq.s32 v1, $0x0;
	s26 =	sadd.f32 s26, s19;
	v6 =	vsel vm0, s30, v6;
	v7 =	vsel vm4, s31, v7  }
0x89: {  	s25 =	sadd.f32 s25, s18;
	v6 =	vnsel vm1, s28, v6;
	v7 =	vnsel vm5, s29, v7;
	v5 =	vnsel vm10, $0x3F800000, v5  }
0x8a: {  	v6 =	vnsel vm2, s26, v6;
	v7 =	vnsel vm6, s28, v7;
	v5 =	vsel vm11, s18, v5  }
0x8b: {  	v6 =	vsel vm13, s25, v6;
	v5 =	vsel vm12, s19, v5;
	vm12 =	veq.s32 v1, $0x8  }
0x8c: {  	v7 =	vnsel vm7, s26, v7;
	v5 =	vsel vm12, s20, v5;
	vm12 =	veq.s32 v1, $0x9;
	v8 =	vpop (erf)  }
0x8d: {  	v7 =	vsel vm11, s25, v7;
	v5 =	vsel vm12, s22, v5;
	v6 =	vmul.f32 v6, v8  }
0x8e: {  	v7 =	vsel vm8, v7, v0;
	v5 =	vsel vm8, v5, v0  }
0x8f: {  	s17 =	sadd.s32 $0x1, s17;
	p0 =	sge.s32 s24, s14;
	s18 =	simm.s32 $0x1;
	v4 =	vsel vm9, v4, v5;
	v6 =	vsel vm9, v6, v7  }
0x90: {  	s18 =	simm.s32 @!p0 $0x0;
	v4 =	vpsel p0, v4, v6;
	p0 =	sne.s32 s17, s15  }
.Ltmp6:
0x91: {  	_ = 	snop;
	(pc) =	sbr.rel @!p0 .LBB2_17-.Ltmp6, $3  }
0x92: {  	_ =	sdelay $0x1  }
0x93: {  	s14 =	sadd.s32 s18, s14  }
0x94: {  	[smem:$0x0] =	sst s14;
	[tilespmem:s23+$0x4650] =	vst v4  }
.LBB2_5:
0x95: {  	v4 =	vmov s17;
	_ =	sdelay $0x4  }
0x96: {  	v4 =	vld.idx.msk [tilespmem:v4+s9+$0x0], $0xffff;
	_ =	sdelay $0x4  }
0x97: {  	(v2sf) =	vpush v4, $0x0;
	_ =	sdelay $0xe  }
0x98: {  	s18 =	spop (v2sf)  }
0x99: {  	s18 =	smul.u32 $0x6, s18;
	_ =	sdelay $0x1  }
0x9a: {  	v4 =	vadd.s32 s18, v3;
	_ =	sdelay $0x4  }
0x9b: {  	v4 =	vld.idx.msk [tilespmem:v4+s2+$0x0], $0xffff;
	_ =	sdelay $0x4  }
0x9c: {  	(v2sf) =	vpush v4, $0x0  }
0x9d: {  	(v2sf) =	vpush v4, $0x1  }
0x9e: {  	(v2sf) =	vpush v4, $0x2  }
0x9f: {  	(v2sf) =	vpush v4, $0x3  }
0xa0: {  	(v2sf) =	vpush v4, $0x4;
	_ =	sdelay $0x2  }
0xa1: {  	s19 =	sadd.s32 $0xF, s14  }
0xa2: {  	s31 =	sand.u32 $0xF, s19  }
0xa3: {  	s20 =	sshra.s32 s19, $0x1F;
	p0 =	slt.s32 s19, $0x1;
	p1 =	sne.s32 s31, $0x0  }
0xa4: {  	s20 =	sshrl.u32 s20, $0x1C;
	p0 =	por !p0, !p1  }
0xa5: {  	s21 =	simm.s32 $0x1;
	s20 =	sadd.s32 s20, s19;
	p0 =	por !p0, !p0  }
0xa6: {  	s22 =	sshra.s32 s20, $0x4;
	s21 =	simm.s32 @!p0 $0x0  }
0xa7: {  	s23 =	ssub.s32 s22, s21  }
0xa8: {  	p0 =	slt.s32 s23, $0x1  }
.Ltmp7:
0xa9: {  	s18 =	spop (v2sf);
	(pc) =	sbr.rel @p0 .LBB2_6-.Ltmp7, $4  }
0xaa: {  	s19 =	spop (v2sf)  }
0xab: {  	s20 =	spop (v2sf)  }
0xac: {  	s22 =	spop (v2sf)  }
0xad: {  	s21 =	spop (v2sf)  }
0xae: {  	s24 =	ssub.f32 s20, s18;
	p2 =	sne.s32 s23, $0x1  }
.Ltmp8:
0xaf: {  	s25 =	ssub.f32 s22, s19;
	(pc) =	sbr.rel @!p2 .LBB2_8-.Ltmp8, $4  }
0xb0: {  	v9 =	vbroadcast v4, $0x0;
	s31 =	simm.s32 $0x0  }
0xb1: {  	v10 =	vbroadcast v4, $0x1;
	v11 =	vbroadcast v4, $0x2;
	v6 =	vor.u32 s31, v1;
	s24 =	smul.f32 s25, s24  }
0xb2: {  	v12 =	vbroadcast v4, $0x3;
	v7 =	vmov s14;
	s23 =	sadd.s32 $0xFFFFFFFF, s23;
	v13 =	vshll.u32 v6, $0x4  }
0xb3: {  	v5 =	vimm.s32 $0xBC0;
	p0 =	por $0x0, $0x0;
	p1 =	por $0x0, $0x0;
	v18 =	vor.u32 $0x1, v13;
	v8 =	vmov s24;
	s24 =	simm.s32 $0x10  }
0xb4: {  	_ = 	snop  }
0xb5: {  	v15 =	vor.u32 $0x2, v13  }
0xb6: {  	v16 =	vor.u32 $0x3, v13;
	p2 =	sne.s32 s23, $0x1  }
.Ltmp9:
0xb7: {  	_ = 	snop;
	(pc) =	sbr.rel @!p2 .LBB2_10-.Ltmp9, $4  }
0xb8: {  	v25 =	vld.idx.msk [tilespmem:v13+s10+$0x0], $0xffff  }
0xb9: {  	v17 =	vor.u32 s24, v1;
	v14 =	vld.idx.msk [tilespmem:v18+s10+$0x0], $0xffff  }
0xba: {  	v13 =	vshll.u32 v17, $0x4;
	v19 =	vld.idx.msk [tilespmem:v15+s10+$0x0], $0xffff  }
0xbb: {  	s25 =	simm.s32 $0x20;
	s24 =	sadd.s32 $0xFFFFFFFF, s23;
	p0 =	por $0x1, $0x1;
	v18 =	vor.u32 $0x1, v13;
	v20 =	vld.idx.msk [tilespmem:v16+s10+$0x0], $0xffff  }
0xbc: {  	_ =	sdelay $0x1  }
0xbd: {  	v15 =	vor.u32 $0x2, v13;
	v23 =	vor.u32 $0x3, v13  }
0xbe: {  	v16 =	vmax.f32 v25, v9;
	v21 =	vmax.f32 v14, v10;
	v22 =	vmin.f32 v19, v11  }
0xbf: {  	p2 =	sne.s32 s24, $0x1;
	v19 =	vsub.f32 v19, v25;
	v24 =	vmin.f32 v20, v12;
	v20 =	vsub.f32 v20, v14  }
.Ltmp10:
0xc0: {  	v16 =	vsub.f32 v22, v16;
	v22 =	vld.idx.msk [tilespmem:v13+s10+$0x0], $0xffff;
	v24 =	vsub.f32 v24, v21;
	(pc) =	sbr.rel @!p2 .LBB2_12-.Ltmp10, $4  }
0xc1: {  	v14 =	vld.idx.msk [tilespmem:v18+s10+$0x0], $0xffff;
	v18 =	vmul.f32 v20, v19  }
0xc2: {  	v21 =	vor.u32 s25, v1;
	v16 =	vmax.f32 v16, $0.0e+00;
	v19 =	vld.idx.msk [tilespmem:v15+s10+$0x0], $0xffff;
	v20 =	vmax.f32 v24, $0.0e+00  }
0xc3: {  	v13 =	vshll.u32 v21, $0x4;
	v16 =	vmul.f32 v20, v16;
	v20 =	vld.idx.msk [tilespmem:v23+s10+$0x0], $0xffff;
	v23 =	vadd.f32 v18, v8  }
0xc4: {  	s23 =	simm.s32 $0x30;
	s24 =	sadd.s32 $0xFFFFFFFF, s24;
	p1 =	por $0x1, $0x1;
	v15 =	vimm.s32 $0xBC0;
	v18 =	vor.u32 $0x1, v13  }
.LBB2_13:
0xc5: {  	v24 =	vor.u32 s23, v1;
	p2 =	sne.s32 s24, $0x1;
	v25 =	vor.u32 $0x2, v13;
	v23 =	vsub.f32 v23, v16  }
0xc6: {  	v26 =	vor.u32 $0x3, v13;
	v27 =	vmax.f32 v22, v9;
	vm11 =	vlt.s32 v6, v7  }
0xc7: {  	v28 =	vmax.f32 v14, v10;
	v29 =	vmin.f32 v19, v11;
	v23 =	vmul.f32 $5.000000000e-01, v23  }
0xc8: {  	v31 =	vsub.f32 v19, v22;
	v30 =	vmin.f32 v20, v12;
	v20 =	vsub.f32 v20, v14;
	v22 =	vld.idx.msk [tilespmem:v13+s10+$0x0], $0xffff  }
.Ltmp11:
0xc9: {  	v14 =	vld.idx.msk [tilespmem:v18+s10+$0x0], $0xffff;
	v18 =	vsub.f32 v29, v27;
	v27 =	vsub.f32 v30, v28;
	vm12 =	vgt.f32 v16, v23;
	(pc) =	sbr.rel @p2 .LBB2_13-.Ltmp11, $4  }
0xca: {  	v13 =	vshll.u32 v24, $0x4;
	v23 =	vmul.f32 v20, v31;
	v19 =	vld.idx.msk [tilespmem:v25+s10+$0x0], $0xffff;
	vm11 =	vmand vm11, vm12  }
0xcb: {  	v20 =	vld.idx.msk [tilespmem:v26+s10+$0x0], $0xffff;
	v16 =	vmax.f32 v18, $0.0e+00;
	v18 =	vmax.f32 v27, $0.0e+00;
	v25 =	vnsel vm11, $0xBC0, v6;
	v6 =	vmovc v17;
	v17 =	vmovc v21  }
0xcc: {  	v23 =	vadd.f32 v23, v8;
	v21 =	vmovc v24;
	v16 =	vmul.f32 v18, v16;
	vm11 =	vlt.s32 v15, v25  }
0xcd: {  	s23 =	sadd.s32 $0x10, s23;
	s24 =	sadd.s32 $0xFFFFFFFF, s24;
	v18 =	vor.u32 $0x1, v13;
	v15 =	vsel vm11, v15, v25  }
0xce: {  	v24 =	vmovc v6;
	v25 =	vmov v22;
	v22 =	vmov v17;
	v6 =	vmov v21  }
.LBB2_15:
0xcf: {  	_ = 	snop  }
0xd0: {  	v17 =	vor.u32 $0x2, v13  }
0xd1: {  	v21 =	vor.u32 $0x3, v13;
	_ =	sdelay $0x1  }
0xd2: {  	v57 =	vld.idx.msk [tilespmem:v13+s10+$0x0], $0xffff  }
0xd3: {  	v18 =	vld.idx.msk [tilespmem:v18+s10+$0x0], $0xffff  }
0xd4: {  	v26 =	vmax.f32 @p0 v25, v9;
	v27 =	vmax.f32 @p0 v14, v10;
	v28 =	vmin.f32 @p0 v19, v11;
	v17 =	vld.idx.msk [tilespmem:v17+s10+$0x0], $0xffff  }
0xd5: {  	v19 =	vsub.f32 @p0 v19, v25;
	v29 =	vmin.f32 @p0 v20, v12;
	v14 =	vsub.f32 @p0 v20, v14;
	v21 =	vld.idx.msk [tilespmem:v21+s10+$0x0], $0xffff  }
0xd6: {  	v20 =	vsub.f32 @p0 v28, v26;
	v25 =	vsub.f32 @p0 v29, v27  }
0xd7: {  	v14 =	vmul.f32 @p0 v14, v19  }
0xd8: {  	v19 =	vsub.f32 @p1 v23, v16;
	v20 =	vmax.f32 @p0 v20, $0.0e+00;
	v23 =	vmax.f32 @p0 v25, $0.0e+00  }
0xd9: {  	v20 =	vmul.f32 @p0 v23, v20;
	v14 =	vadd.f32 @p0 v14, v8;
	v58 =	vmax.f32 v57, v9  }
0xda: {  	v59 =	vmax.f32 v18, v10;
	v61 =	vmin.f32 v21, v12;
	v13 =	vsub.f32 v17, v57  }
0xdb: {  	v60 =	vmin.f32 v17, v11;
	v62 =	vsub.f32 v21, v18;
	v10 =	vsub.f32 v61, v59  }
0xdc: {  	v18 =	vmul.f32 @p1 $5.000000000e-01, v19;
	v11 =	vpsel p0, v14, v0;
	v9 =	vsub.f32 v60, v58  }
0xdd: {  	v12 =	vpsel p0, v20, v0;
	v13 =	vmul.f32 v62, v13;
	v10 =	vmax.f32 v10, $0.0e+00  }
0xde: {  	vm11 =	vlt.s32 @p1 v24, v7;
	v11 =	vsub.f32 @p0 v11, v12;
	v9 =	vmax.f32 v9, $0.0e+00  }
0xdf: {  	vm12 =	vgt.f32 @p1 v16, v18;
	v9 =	vmul.f32 v10, v9;
	v63 =	vadd.f32 v13, v8  }
0xe0: {  	vm11 =	vmand @p1 vm11, vm12;
	v11 =	vmul.f32 @p0 $5.000000000e-01, v11;
	v10 =	vmov @p0 v22  }
0xe1: {  	v13 =	vnsel @p1 vm11, $0xBC0, v24;
	v8 =	vsub.f32 v63, v9;
	v10 =	vpsel p0, v10, v0  }
0xe2: {  	vm11 =	vlt.s32 @p1 v15, v13;
	vm13 =	vgt.f32 @p0 v12, v11;
	vm12 =	vlt.s32 @p0 v10, v7  }
0xe3: {  	v11 =	vsel @p1 vm11, v15, v13;
	v8 =	vmul.f32 $5.000000000e-01, v8;
	vm11 =	vmand @p0 vm12, vm13  }
0xe4: {  	v11 =	vpsel p1, v11, v5;
	v10 =	vnsel @p0 vm11, $0xBC0, v10  }
0xe5: {  	vm12 =	vlt.s32 v6, v7;
	vm13 =	vgt.f32 v9, v8;
	vm11 =	vlt.s32 @p0 v11, v10  }
.Ltmp12:
0xe6: {  	v7 =	vsel @p0 vm11, v11, v10;
	vm11 =	vmand vm12, vm13;
	(pc) =	sbr.rel .LBB2_16-.Ltmp12, $4  }
0xe7: {  	v5 =	vpsel p0, v7, v5;
	v6 =	vnsel vm11, $0xBC0, v6  }
0xe8: {  	vm11 =	vlt.s32 v5, v6  }
0xe9: {  	v5 =	vsel vm11, v5, v6  }
0xea: {  	v5 =	vxor.u32 $0x80000000, v5  }
.LBB2_8:
.Ltmp13:
0xeb: {  	(pc) =	sbr.rel .LBB2_15-.Ltmp13, $2  }
0xec: {  	_ =	sdelay $0x2  }
0xed: {  	v15 =	vimm.s32 $0xBC0  }
.LBB2_10:
.Ltmp14:
0xee: {  	(pc) =	sbr.rel .LBB2_15-.Ltmp14, $2  }
0xef: {  	_ =	sdelay $0x2  }
0xf0: {  	v22 =	vmov v6;
	v6 =	vmov v17;
	v15 =	vimm.s32 $0xBC0  }
.LBB2_12:
.Ltmp15:
0xf1: {  	(pc) =	sbr.rel .LBB2_15-.Ltmp15, $2  }
0xf2: {  	_ =	sdelay $0x2  }
0xf3: {  	v24 =	vmovc v6;
	v25 =	vmovc v22;
	v22 =	vmov v17;
	v6 =	vmov v21;
	v15 =	vimm.s32 $0xBC0  }
.LBB2_20:
0xf4: {  	_ =	sfence.sel $0x180000  }
0xf5: {  	[bflag:$0x0] =	sbarrier.arrive $0xFFFF  }
0xf6: {  	p0 =	sne.s32 s1, $0x0;
	_ =	strace $0x90000047  }
0xf7: {  	s0 =	sadd.s32 @!p0 $0x100000, s0;
	[bflag:$0x2] =	sbarrier.arrive $0xFFFF  }
0xf8: {  	[sflag:s0] =	ssyncadd.tile.s32 @!p0 $0x1;
	_ =	shalt  }
.Lfunc_end2:
_tile_overlayer_lowered:
.L_overlay_start_2:
0xf9: {  	(tag) =	ssettag $0x2  }
0xfa: {  	s0 =	rddreg [dreg:$0x0];
	s2 =	stileid.u32  }
0xfb: {  	s1 =	rddreg [dreg:$0x1];
	p0 =	sne.s32 s2, $0x0  }
0xfc: {  	s3 =	rddreg [dreg:$0x2];
	[bflag:$0x3] =	sbarrier.arrive $0xFFFF;
	s2 =	simm.s32 @!p0 $0x1C01  }
0xfd: {  	[timem:s3], [sflag:s2] =	dma.local @!p0 [hbm:s0], s1  }
0xfe: {  	s0 =	simm.s32 @!p0 $0x1  }
0xff: {  	_ =	swait.ge @!p0 [sflag:s0], s1  }
0x100: {  	s1 =	ssub.s32 @!p0 $0x0, s1;
	[sflag:s0] =	ssyncset.done @!p0 $0x0  }
0x101: {  	[sflag:s0] =	ssyncadd.s32 @!p0 s1  }
0x102: {  	[bflag:$0x3] =	sbarrier.arrive $0xFFFF  }
0x103: {  	_ =	shalt  }

// kernel: kernel.7.cloned.1.call-start
scs
__scs_entry_jumppad:
0x0: {  	(pc) =	sbr.rel $0x88, $3  }
0x1: {  	(tag) =	ssettag $0x0;
	lr =	simm.s32 $0x1  }
0x2: {  	[smem:$0x3FA0] =	sst lr;
	_ =	strace $0xD0000000  }
0x3: {  	_ = 	snop  }
0x4: {  	_ = 	snop  }
0x5: {  	_ = 	snop  }
0x6: {  	_ = 	snop  }
0x7: {  	_ = 	snop  }
__scs_overlays_trampoline_lowered:
0x8: {  	[smem:$0x3FAF] =	sst s0  }
0x9: {  	[smem:$0x3FB0] =	sst s1  }
0xa: {  	[smem:$0x3FB1] =	sst s2  }
0xb: {  	[smem:$0x3FB2] =	sst s3  }
0xc: {  	[smem:$0x3FB3] =	sst s4  }
0xd: {  	[smem:$0x3FB4] =	sst s5  }
0xe: {  	[smem:$0x3FB5] =	sst s6  }
0xf: {  	[smem:$0x3FB6] =	sst s7  }
0x10: {  	[smem:$0x3FB7] =	sst s8  }
0x11: {  	[smem:$0x3FB8] =	sst s9;
	s0 =	simm.s32 @!p0 $0x0  }
0x12: {  	s1 =	sld [smem:$0x3F9E];
	s0 =	simm.s32 @p0 $0x1  }
0x13: {  	[smem:$0x3FB9] =	sst s0;
	s0 =	simm.s32 @!p1 $0x0  }
0x14: {  	s2 =	sld [smem:$0x3F9D];
	s0 =	simm.s32 @p1 $0x1  }
0x15: {  	[smem:$0x3FBA] =	sst s0;
	s0 =	simm.s32 @!p2 $0x0  }
0x16: {  	s3 =	sld [smem:$0x3FDB];
	s0 =	simm.s32 @p2 $0x1  }
0x17: {  	s4 =	simm.s32 $0x1BF5;
	[smem:$0x3FBC] =	sst s0  }
0x18: {  	s0 =	sld [smem:$0x3F9F];
	_ =	swait.ge [sflag:s4], $0x0  }
0x19: {  	s7 =	sld [smem:$0x3FA0]  }
0x1a: {  	s8 =	sadd.s32 $0xFFFFE003, lr  }
0x1b: {  	s9 =	sadd.s32 $0xFFFFFEF7, lr;
	s5 =	simm.s32 $0xFFFFFFFF;
	p2 =	slt.u32 s8, $0xFFFFF086  }
0x1c: {  	p1 =	slt.u32 s9, $0xF7A;
	s5 =	simm.s32 @!p2 $0x0  }
0x1d: {  	s5 =	simm.s32 @p1 $0x1;
	p0 =	seq.s32 s7, s2  }
0x1e: {  	s7 =	smul.u32 @!p0 $0xF7A, s2;
	p2 =	seq.s32 @!p0 s5, $0x0  }
0x1f: {  	s9 =	smul.u32 $0xF7A, s1;
	s8 =	simm.s32 @!p0 $0x1BF5;
	p2 =	por !p2, p0  }
0x20: {  	[sflag:s8] =	ssyncset.s32 @!p0 $0xFFFFF086;
	s6 =	sadd.s32 @!p0 s3, s7;
	s7 =	simm.s32 @!p0 $0x108  }
0x21: {  	s3 =	sadd.s32 s3, s9;
	s6 =	sadd.s32 @!p0 $0x88, s6;
	s7 =	simm.s32 @p2 $0x1082  }
0x22: {  	[simem:s7], [sflag:s8] =	dma.local @!p0 [hbm:s6], $0xF7A  }
0x23: {  	s9 =	sor.u32 $0xD0000000, s2;
	s6 =	simm.s32 $0x108;
	_ =	swait.ge @!p0 [sflag:s8], $0x0  }
0x24: {  	s3 =	sadd.s32 $0x88, s3;
	s6 =	simm.s32 @!p1 $0x1082;
	[sflag:s4] =	ssyncset.s32 $0xFFFFF086  }
0x25: {  	[simem:s6], [sflag:s4] =	dma.local [hbm:s3], $0xF7A  }
0x26: {  	[smem:$0x3FA0] =	sst s1;
	(tag) =	ssettag s2;
	_ =	strace s9  }
0x27: {  	s1 =	sld [smem:$0x3FB0]  }
0x28: {  	s2 =	sld [smem:$0x3FB1]  }
0x29: {  	s4 =	sld [smem:$0x3FB3]  }
0x2a: {  	p0 =	seq.s32 s5, $0x0;
	s5 =	sld [smem:$0x3FB4]  }
0x2b: {  	s6 =	sld [smem:$0x3FB5]  }
0x2c: {  	s7 =	sld [smem:$0x3FB6]  }
0x2d: {  	s3 =	simm.s32 $0x108;
	s8 =	sld [smem:$0x3FB7]  }
0x2e: {  	s3 =	simm.s32 @!p0 $0x1082;
	s9 =	sld [smem:$0x3FB8]  }
0x2f: {  	lr =	sadd.s32 s0, s3;
	s0 =	sld [smem:$0x3FAF]  }
0x30: {  	s3 =	sld [smem:$0x3FB2]  }
0x31: {  	[smem:$0x3FBB] =	sst s10  }
0x32: {  	s10 =	sld [smem:$0x3FB9];
	_ =	sdelay $0x3  }
0x33: {  	p0 =	seq.s32 s10, $0x1;
	s10 =	sld [smem:$0x3FBB];
	_ =	sdelay $0x3  }
0x34: {  	[smem:$0x3FBB] =	sst s10  }
0x35: {  	s10 =	sld [smem:$0x3FBA];
	_ =	sdelay $0x3  }
0x36: {  	p1 =	seq.s32 s10, $0x1;
	s10 =	sld [smem:$0x3FBB];
	_ =	sdelay $0x3  }
0x37: {  	[smem:$0x3FBB] =	sst s10  }
0x38: {  	s10 =	sld [smem:$0x3FBC]  }
0x39: {  	_ = 	snop;
	(pc) =	sbr.ind lr, $3  }
0x3a: {  	_ = 	snop  }
0x3b: {  	_ = 	snop  }
0x3c: {  	p2 =	seq.s32 s10, $0x1;
	s10 =	sld [smem:$0x3FBB]  }
0x3d: {  	_ =	shalt  }
0x3e: {  	_ =	shalt  }
0x3f: {  	_ =	shalt  }
0x40: {  	_ =	shalt  }
0x41: {  	_ =	shalt  }
0x42: {  	_ =	shalt  }
0x43: {  	_ =	shalt  }
0x44: {  	_ =	shalt  }
0x45: {  	_ =	shalt  }
0x46: {  	_ =	shalt  }
0x47: {  	_ =	shalt  }
0x48: {  	_ =	shalt  }
0x49: {  	_ =	shalt  }
0x4a: {  	_ =	shalt  }
0x4b: {  	_ =	shalt  }
0x4c: {  	_ =	shalt  }
0x4d: {  	_ =	shalt  }
0x4e: {  	_ =	shalt  }
0x4f: {  	_ =	shalt  }
0x50: {  	_ =	shalt  }
0x51: {  	_ =	shalt  }
0x52: {  	_ =	shalt  }
0x53: {  	_ =	shalt  }
0x54: {  	_ =	shalt  }
0x55: {  	_ =	shalt  }
0x56: {  	_ =	shalt  }
0x57: {  	_ =	shalt  }
0x58: {  	_ =	shalt  }
0x59: {  	_ =	shalt  }
0x5a: {  	_ =	shalt  }
0x5b: {  	_ =	shalt  }
0x5c: {  	_ =	shalt  }
0x5d: {  	_ =	shalt  }
0x5e: {  	_ =	shalt  }
0x5f: {  	_ =	shalt  }
0x60: {  	_ =	shalt  }
0x61: {  	_ =	shalt  }
0x62: {  	_ =	shalt  }
0x63: {  	_ =	shalt  }
0x64: {  	_ =	shalt  }
0x65: {  	_ =	shalt  }
0x66: {  	_ =	shalt  }
0x67: {  	_ =	shalt  }
0x68: {  	_ =	shalt  }
0x69: {  	_ =	shalt  }
0x6a: {  	_ =	shalt  }
0x6b: {  	_ =	shalt  }
0x6c: {  	_ =	shalt  }
0x6d: {  	_ =	shalt  }
0x6e: {  	_ =	shalt  }
0x6f: {  	_ =	shalt  }
0x70: {  	_ =	shalt  }
0x71: {  	_ =	shalt  }
0x72: {  	_ =	shalt  }
0x73: {  	_ =	shalt  }
0x74: {  	_ =	shalt  }
0x75: {  	_ =	shalt  }
0x76: {  	_ =	shalt  }
0x77: {  	_ =	shalt  }
0x78: {  	_ =	shalt  }
0x79: {  	_ =	shalt  }
0x7a: {  	_ =	shalt  }
0x7b: {  	_ =	shalt  }
0x7c: {  	_ =	shalt  }
0x7d: {  	_ =	shalt  }
0x7e: {  	_ =	shalt  }
0x7f: {  	_ =	shalt  }
0x80: {  	_ =	shalt  }
0x81: {  	_ =	shalt  }
0x82: {  	_ =	shalt  }
0x83: {  	_ =	shalt  }
0x84: {  	_ =	shalt  }
0x85: {  	_ =	shalt  }
0x86: {  	_ =	shalt  }
0x87: {  	_ =	shalt  }
.Lfunc_end0:
.L_simem_size_0:
called_computation.1_lowered:
.L_overlay_start_0:
0x88: {  	s2 =	sld [smem:$0x3FD9]  }
0x89: {  	s3 =	sld [smem:$0x3FFE];
	_ =	sdelay $0x1  }
0x8a: {  	s1 =	srdreg.scid  }
0x8b: {  	s0 =	sand.u32 $0x1, s1  }
0x8c: {  	s17 =	sshll.u32 s0, $0xA;
	s2 =	sadd.s32 s3, s2  }
0x8d: {  	s2 =	sadd.s32 s2, s17  }
0x8e: {  	[smem:$0x3FC7] =	sst s2  }
0x8f: {  	_ = 	snop  }
0x90: {  	s2 =	sld [smem:$0x3FD0];
	(tm) =	ssettm $0x1  }
0x91: {  	s18 =	sld [smem:$0x3FFB];
	_ =	sdelay $0x3  }
0x92: {  	_ =	strace s18  }
0x93: {  	s3 =	sld [smem:$0x3FFC];
	_ =	sdelay $0x3  }
0x94: {  	_ =	strace s3  }
0x95: {  	s3 =	sld [smem:$0x3FFD];
	_ =	sdelay $0x3  }
0x96: {  	_ =	strace s3  }
0x97: {  	_ =	strace $0x8FFFFFFF  }
0x98: {  	s19 =	sld [smem:$0x3FDB];
	_ =	sdelay $0x1  }
0x99: {  	s4 =	simm.s32 $_scs_section_size  }
0x9a: {  	s5 =	simm.s32 $_size__tile_overlayer_lowered;
	s6 =	simm.s32 $_tile_overlayer_lowered  }
0x9b: {  	s22 =	simm.s32 $0x1BFF;
	s21 =	sshll.u32 s6, $0x1;
	s3 =	sadd.s32 s4, s19  }
0x9c: {  	s7 =	simm.s32 $0x0;
	s20 =	sshll.u32 s5, $0x1;
	s5 =	sadd.s32 s21, s3  }
0x9d: {  	[timem:s7], [sflag:s22] =	dma.local [hbm:s5], s20  }
0x9e: {  	_ =	swait.ge [sflag:s22], s20  }
0x9f: {  	s4 =	ssub.s32 $0x0, s20;
	[sflag:s22] =	ssyncset.done $0x0  }
0xa0: {  	[sflag:s22] =	ssyncadd.s32 s4;
	_ =	sdelay $0x1  }
0xa1: {  	s23 =	simm.s32 $0x1B8B  }
0xa2: {  	_ =	swait.ge [sflag:s23], $0x1  }
0xa3: {  	[sflag:s23] =	ssyncset.done $0x0  }
0xa4: {  	s25 =	simm.s32 $0x1B8E;
	s24 =	sld [smem:$0x3FFE];
	[sflag:s23] =	ssyncadd.s32 $0xFFFFFFFF  }
0xa5: {  	s26 =	simm.s32 $execute0_lowered;
	[smem:$0x3FD2] =	sst s25  }
0xa6: {  	s5 =	sshll.u32 s26, $0x1;
	_ =	strace $0x80000049;
	[dreg:$0x1] =	wrdreg $0xFFFFFFFF  }
0xa7: {  	s28 =	simm.s32 $_size_execute0_lowered;
	s3 =	sadd.s32 s3, s5;
	[dreg:$0x0] =	wrdreg $0x0  }
0xa8: {  	s5 =	sshll.u32 s28, $0x1;
	[dreg:$0x2] =	wrdreg s3  }
0xa9: {  	[dreg:$0x3] =	wrdreg s5  }
0xaa: {  	[dreg:$0x4] =	wrdreg $0xC0  }
0xab: {  	_ =	task [dreg:s7], $0x5FFFF  }
0xac: {  	[dreg:$0x1] =	wrdreg $0xFFFFFFFF  }
0xad: {  	[dreg:$0x0] =	wrdreg $0x60  }
0xae: {  	[dreg:$0x2] =	wrdreg s24  }
0xaf: {  	[dreg:$0x3] =	wrdreg s2  }
0xb0: {  	[dreg:$0x4] =	wrdreg $0x9  }
0xb1: {  	_ =	task.clear_ibuf [dreg:s7], $0x5FFFF;
	_ =	strace $0x90000049  }
0xb2: {  	s29 =	simm.s32 $0x9;
	_ =	strace $0x8000004B  }
0xb3: {  	_ =	swait.ge [sflag:s29], $0x1  }
0xb4: {  	[sflag:s29] =	ssyncadd.s32 $0xFFFFFFFF  }
0xb5: {  	_ =	strace $0x9000004B  }
0xb6: {  	_ =	sfence  }
0xb7: {  	s30 =	sld [smem:$0x0];
	_ =	sdelay $0x2  }
0xb8: {  	s31 =	sshll.u32 s1, $0xD;
	s1 =	sshrl.u32 s1, $0x2  }
0xb9: {  	s3 =	sand.u32 $0x4000, s31;
	s1 =	sadd.s32 s1, s30  }
0xba: {  	s0 =	sor.u32 s3, s0;
	s1 =	sshll.u32 s1, $0x11  }
0xbb: {  	s0 =	sor.u32 s1, s0  }
0xbc: {  	s0 =	sadd.s32 $0x8F2B, s0  }
0xbd: {  	[sflag:s0] =	ssyncadd.remote.s32 $0x1  }
0xbe: {  	_ =	sfence.sel $0xFFFF  }
0xbf: {  	[dreg:$0x0] =	wrdreg $0xFFFFFFFF;
	(pc) =	sbr.abs _section_cstart, $3  }
0xc0: {  	[dreg:$0x1] =	wrdreg $0xFFFFFFFF  }
0xc1: {  	_ =	task.clear_ibuf [dreg:s7], $0x2FFFF;
	_ =	strace $0x9FFFFFFF  }
0xc2: {  	(tm) =	ssettm $0x7FFFFFFF  }
0xc3: {  	_ =	shalt  }
tec
execute0_lowered:
.L_overlay_start_1:
0x0: {  	(tag) =	ssettag $0x1  }
0x1: {  	s0 =	rddreg [dreg:$0x0]  }
0x2: {  	s3 =	simm.s32 $0x0;
	s5 =	stileid.u32;
	s4 =	srdreg.scid  }
0x3: {  	[smem:$0x7FF] =	sst s3;
	s2 =	sshrl.u32 s5, $0x1;
	s4 =	sand.u32 $0x1, s4  }
0x4: {  	s5 =	sshll.u32 s5, $0x1;
	s1 =	smul.u32 $0x1780, s2;
	_ =	strace $0x8000004A  }
0x5: {  	s30 =	ssub.s32 $0x2, s4;
	s8 =	sor.u32 s4, s5;
	s4 =	sadd.s32 $0xD200, s0  }
0x6: {  	s5 =	sadd.s32 $0xDE00, s0;
	s6 =	sshrl.u32 s30, $0x1;
	s9 =	sshll.u32 s8, $0x4  }
0x7: {  	p0 =	sne.s32 s8, $0x0;
	s8 =	sadd.s32 $0x3E8, s8;
	s7 =	sadd.s32 s1, s0  }
0x8: {  	s10 =	ssub.s32 s30, s6;
	s6 =	sand.u32 $0x30, s9;
	s17 =	sor.u32 $0x1C0, s9  }
0x9: {  	s22 =	sor.u32 $0x3C0, s9;
	s23 =	sor.u32 $0x5C0, s9;
	s1 =	sor.u32 $0x7C0, s9  }
0xa: {  	s0 =	sor.u32 $0x9C0, s9;
	s9 =	smul.u32 $0xBC0, s2;
	s11 =	sor.u32 $0x40, s6  }
0xb: {  	v0 =	vlaneseq.u32;
	v49 =	vimm.s32 $0x0;
	s12 =	sor.u32 $0x80, s6;
	s13 =	sor.u32 $0xC0, s6;
	s14 =	sor.u32 $0x100, s6  }
0xc: {  	v50 =	vimm.f32 $0.0e+00;
	v51 =	vmul.u32 $0xFFFFFFFF, v0;
	v48 =	vmov s8;
	s15 =	sor.u32 $0x140, s6;
	s16 =	sor.u32 $0x180, s6;
	s18 =	sor.u32 $0x200, s6  }
0xd: {  	s19 =	sor.u32 $0x240, s6;
	s20 =	sor.u32 $0x280, s6;
	s21 =	sor.u32 $0x2C0, s6;
	v7 =	vor.u32 s17, v0;
	v15 =	vor.u32 s22, v0;
	v23 =	vor.u32 s23, v0  }
0xe: {  	s7 =	sadd.s32 $0x1600, s7;
	s10 =	smax.u32 s10, $0x1;
	s2 =	sor.u32 $0x300, s6;
	v31 =	vor.u32 s1, v0;
	v39 =	vor.u32 s0, v0;
	v47 =	vor.u32 s6, v0  }
0xf: {  	s31 =	sor.u32 $0x340, s6;
	s24 =	sor.u32 $0x380, s6;
	s25 =	sor.u32 $0x400, s6;
	v1 =	vor.u32 s11, v0;
	v2 =	vor.u32 s12, v0;
	v3 =	vor.u32 s13, v0  }
0x10: {  	s26 =	sor.u32 $0x4C0, s6;
	s17 =	sor.u32 $0x500, s6;
	s28 =	sor.u32 $0x540, s6;
	v4 =	vor.u32 s14, v0;
	v5 =	vor.u32 s15, v0;
	v6 =	vor.u32 s16, v0  }
0x11: {  	s29 =	sor.u32 $0x580, s6;
	s30 =	sor.u32 $0x640, s6;
	s22 =	sor.u32 $0x780, s6;
	v8 =	vor.u32 s18, v0;
	v9 =	vor.u32 s19, v0;
	v10 =	vor.u32 s20, v0  }
0x12: {  	s23 =	sor.u32 $0xA80, s6;
	s1 =	simm.s32 $0x9100;
	s13 =	sor.u32 $0x440, s6;
	v11 =	vor.u32 s21, v0;
	v12 =	vor.u32 s2, v0;
	v13 =	vor.u32 s31, v0  }
0x13: {  	s14 =	sor.u32 $0x480, s6;
	s19 =	sor.u32 $0x600, s6;
	s20 =	sor.u32 $0x680, s6;
	v14 =	vor.u32 s24, v0;
	v16 =	vor.u32 s25, v0;
	v19 =	vor.u32 s26, v0  }
0x14: {  	s11 =	sor.u32 $0x6C0, s6;
	s31 =	sor.u32 $0x700, s6;
	s21 =	sor.u32 $0x740, s6;
	v20 =	vor.u32 s17, v0;
	v21 =	vor.u32 s28, v0;
	v22 =	vor.u32 s29, v0  }
0x15: {  	s24 =	sor.u32 $0x800, s6;
	s25 =	sor.u32 $0x840, s6;
	s12 =	sor.u32 $0x880, s6;
	v25 =	vor.u32 s30, v0;
	v30 =	vor.u32 s22, v0;
	v42 =	vor.u32 s23, v0  }
0x16: {  	s26 =	sor.u32 $0x900, s6;
	s17 =	sor.u32 $0x940, s6;
	s28 =	sor.u32 $0x980, s6;
	v52 =	vmov s9;
	v17 =	vor.u32 s13, v0;
	v18 =	vor.u32 s14, v0  }
0x17: {  	s29 =	sor.u32 $0xA00, s6;
	s18 =	sor.u32 $0xA40, s6;
	s30 =	sor.u32 $0xAC0, s6;
	v24 =	vor.u32 s19, v0;
	v26 =	vor.u32 s20, v0;
	v27 =	vor.u32 s11, v0  }
.Ltmp0:
0x18: {  	s2 =	sor.u32 $0xB00, s6;
	s15 =	simm.s32 $0x5E80;
	v28 =	vor.u32 s31, v0;
	v29 =	vor.u32 s21, v0;
	v32 =	vor.u32 s24, v0;
	(pc) =	sbr.rel .LBB2_1-.Ltmp0, $4  }
0x19: {  	s23 =	simm.s32 $0x7E80;
	s14 =	sor.u32 $0x8C0, s6;
	s20 =	sor.u32 $0xB40, s6;
	v33 =	vor.u32 s25, v0;
	v34 =	vor.u32 s12, v0;
	v36 =	vor.u32 s26, v0  }
0x1a: {  	s31 =	sor.u32 $0xB80, s6;
	s11 =	simm.s32 $0x2;
	s13 =	simm.s32 $0x80;
	v37 =	vor.u32 s17, v0;
	v38 =	vor.u32 s28, v0;
	v40 =	vor.u32 s29, v0  }
0x1b: {  	s17 =	simm.s32 $0x6680;
	s19 =	simm.s32 $0x6E80;
	s21 =	simm.s32 $0x7680;
	v41 =	vor.u32 s18, v0;
	v43 =	vor.u32 s30, v0;
	v44 =	vor.u32 s2, v0  }
0x1c: {  	s25 =	simm.s32 $0x8680;
	s26 =	simm.s32 $0x1;
	s2 =	simm.s32 $0x0;
	v35 =	vor.u32 s14, v0;
	v45 =	vor.u32 s20, v0;
	v46 =	vor.u32 s31, v0  }
.LBB2_25:
0x1d: {  	s2 =	sadd.s32 $0x1, s2  }
0x1e: {  	p1 =	sne.s32 s2, s10  }
.Ltmp1:
0x1f: {  	_ = 	snop;
	(pc) =	sbr.rel @!p1 .LBB2_26-.Ltmp1, $1  }
0x20: {  	_ =	sdelay $0x3  }
.LBB2_1:
0x21: {  	[tilespmem:s3], [sflag:$0x2] =	stream.linear.gather [hbm4b:s4+s3], $0x5E00, $0x38;
	[tilespmem:$0xD480] =	vst v63  }
0x22: {  	_ =	swait.ge [sflag:s11], $0x5E00  }
0x23: {  	[sflag:s11] =	ssyncset.done $0x0  }
0x24: {  	[sflag:s11] =	ssyncadd.s32 $0xFFFFA200  }
0x25: {  	s12 =	simm.s32 $0x5E00;
	s0 =	rddreg [dreg:$0x1]  }
0x26: {  	[tilespmem:s12], [sflag:$0x2] =	stream.linear.gather [hbm4b:s0+s3], $0x80, $0x38;
	[tilespmem:$0xD480] =	vst v63  }
0x27: {  	_ =	swait.ge [sflag:s11], $0x80  }
0x28: {  	[sflag:s11] =	ssyncset.done $0x0  }
0x29: {  	[sflag:s11] =	ssyncadd.s32 $0xFFFFFF80  }
0x2a: {  	[tilespmem:$0x9180] =	vst v47  }
0x2b: {  	[tilespmem:$0x9190] =	vst v1  }
0x2c: {  	[tilespmem:$0x91A0] =	vst v2  }
0x2d: {  	[tilespmem:$0x91B0] =	vst v3  }
0x2e: {  	[tilespmem:$0x91C0] =	vst v4  }
0x2f: {  	[tilespmem:$0x91D0] =	vst v5  }
0x30: {  	[tilespmem:$0x91E0] =	vst v6  }
0x31: {  	[tilespmem:$0x91F0] =	vst v7  }
0x32: {  	[tilespmem:$0x9200] =	vst v8  }
0x33: {  	[tilespmem:$0x9210] =	vst v9  }
0x34: {  	[tilespmem:$0x9220] =	vst v10  }
0x35: {  	[tilespmem:$0x9230] =	vst v11  }
0x36: {  	[tilespmem:$0x9240] =	vst v12  }
0x37: {  	[tilespmem:$0x9250] =	vst v13  }
0x38: {  	[tilespmem:$0x9260] =	vst v14  }
0x39: {  	[tilespmem:$0x9270] =	vst v15  }
0x3a: {  	[tilespmem:$0x9280] =	vst v16  }
0x3b: {  	[tilespmem:$0x9290] =	vst v17  }
0x3c: {  	[tilespmem:$0x92A0] =	vst v18  }
0x3d: {  	[tilespmem:$0x92B0] =	vst v19  }
0x3e: {  	[tilespmem:$0x92C0] =	vst v20  }
0x3f: {  	[tilespmem:$0x92D0] =	vst v21  }
0x40: {  	[tilespmem:$0x92E0] =	vst v22  }
0x41: {  	[tilespmem:$0x92F0] =	vst v23  }
0x42: {  	[tilespmem:$0x9300] =	vst v24  }
0x43: {  	[tilespmem:$0x9310] =	vst v25  }
0x44: {  	[tilespmem:$0x9320] =	vst v26  }
0x45: {  	[tilespmem:$0x9330] =	vst v27  }
0x46: {  	[tilespmem:$0x9340] =	vst v28  }
0x47: {  	[tilespmem:$0x9350] =	vst v29  }
0x48: {  	[tilespmem:$0x9360] =	vst v30  }
0x49: {  	[tilespmem:$0x9370] =	vst v31  }
0x4a: {  	[tilespmem:$0x9380] =	vst v32  }
0x4b: {  	[tilespmem:$0x9390] =	vst v33  }
0x4c: {  	[tilespmem:$0x93A0] =	vst v34  }
0x4d: {  	[tilespmem:$0x93B0] =	vst v35  }
0x4e: {  	[tilespmem:$0x93C0] =	vst v36  }
0x4f: {  	[tilespmem:$0x93D0] =	vst v37  }
0x50: {  	[tilespmem:$0x93E0] =	vst v38  }
0x51: {  	[tilespmem:$0x93F0] =	vst v39  }
0x52: {  	[tilespmem:$0x9400] =	vst v40  }
0x53: {  	[tilespmem:$0x9410] =	vst v41  }
0x54: {  	[tilespmem:$0x9420] =	vst v42  }
0x55: {  	[tilespmem:$0x9430] =	vst v43  }
0x56: {  	[tilespmem:$0x9440] =	vst v44  }
0x57: {  	[tilespmem:$0x9450] =	vst v45  }
0x58: {  	[tilespmem:$0x9460] =	vst v46  }
0x59: {  	s22 =	simm.s32 $0x9180;
	[tilespmem:$0x9470] =	vst v49  }
0x5a: {  	[tilespmem:s15], [sflag:$0x1] =	stream.indirect.gather [hbm4b:s7+s13], $0x10, s22, s13, $0xb8;
	[tilespmem:$0xD480] =	vst v63  }
0x5b: {  	s24 =	simm.s32 $0x9200  }
0x5c: {  	[tilespmem:s17], [sflag:$0x1] =	stream.indirect.gather [hbm4b:s7+s13], $0x10, s24, s13, $0xb8;
	[tilespmem:$0xD480] =	vst v63  }
0x5d: {  	s28 =	simm.s32 $0x9280  }
0x5e: {  	[tilespmem:s19], [sflag:$0x1] =	stream.indirect.gather [hbm4b:s7+s13], $0x10, s28, s13, $0xb8;
	[tilespmem:$0xD480] =	vst v63  }
0x5f: {  	s29 =	simm.s32 $0x9300  }
0x60: {  	[tilespmem:s21], [sflag:$0x1] =	stream.indirect.gather [hbm4b:s7+s13], $0x10, s29, s13, $0xb8;
	[tilespmem:$0xD480] =	vst v63  }
0x61: {  	s30 =	simm.s32 $0x9380  }
0x62: {  	[tilespmem:s23], [sflag:$0x1] =	stream.indirect.gather [hbm4b:s7+s13], $0x10, s30, s13, $0xb8;
	[tilespmem:$0xD480] =	vst v63  }
0x63: {  	s31 =	simm.s32 $0x9400  }
0x64: {  	[tilespmem:s25], [sflag:$0x1] =	stream.indirect.gather [hbm4b:s7+s13], $0x10, s31, s13, $0xb8;
	[tilespmem:$0xD480] =	vst v63  }
0x65: {  	_ =	swait.ge [sflag:s26], $0x800  }
0x66: {  	[sflag:s26] =	ssyncset.done $0x0  }
0x67: {  	[sflag:s26] =	ssyncadd.s32 $0xFFFFF800  }
0x68: {  	_ =	swait.ge [sflag:s26], $0x800  }
0x69: {  	[sflag:s26] =	ssyncset.done $0x0  }
0x6a: {  	[sflag:s26] =	ssyncadd.s32 $0xFFFFF800  }
0x6b: {  	_ =	swait.ge [sflag:s26], $0x800  }
0x6c: {  	[sflag:s26] =	ssyncset.done $0x0  }
0x6d: {  	[sflag:s26] =	ssyncadd.s32 $0xFFFFF800  }
0x6e: {  	_ =	swait.ge [sflag:s26], $0x800  }
0x6f: {  	[sflag:s26] =	ssyncset.done $0x0  }
0x70: {  	[sflag:s26] =	ssyncadd.s32 $0xFFFFF800  }
0x71: {  	_ =	swait.ge [sflag:s26], $0x800  }
.Ltmp2:
0x72: {  	[sflag:s26] =	ssyncset.done $0x0;
	(pc) =	sbr.rel .LBB2_2-.Ltmp2, $4  }
0x73: {  	[sflag:s26] =	ssyncadd.s32 $0xFFFFF800  }
0x74: {  	_ =	swait.ge [sflag:s26], $0x800  }
0x75: {  	s16 =	simm.f32 $1.000000000e+00;
	[sflag:s26] =	ssyncset.done $0x0  }
0x76: {  	s14 =	simm.s32 $0x0;
	s12 =	simm.f32 $-1.000000000e+00;
	[sflag:s26] =	ssyncadd.s32 $0xFFFFF800  }
.LBB2_8:
0x77: {  	v53 =	vxor.u32 $0x80000000, v54  }
0x78: {  	(xrf0) =	vmax.scan.msk.u32 $0xffff, v53;
	_ =	sdelay $0x5  }
0x79: {  	v53, _, _ =	vpop (xrf0)  }
0x7a: {  	(v2sf) =	vpush v53, $0xF;
	_ =	sdelay $0xe  }
0x7b: {  	s20 =	spop (v2sf)  }
0x7c: {  	s14 =	sadd.s32 $0x1, s14;
	p1 =	sgt.u32 s20, $0x800003E7  }
0x7d: {  	s12 =	smov.u32 @p1 s18;
	s18 =	smov.u32 @p1 s16;
	p1 =	seq.s32 s14, $0x12  }
.Ltmp3:
0x7e: {  	_ = 	snop;
	(pc) =	sbr.rel @p1 .LBB2_9-.Ltmp3, $2  }
0x7f: {  	_ =	sdelay $0x2  }
0x80: {  	s16 =	smov.u32 s18  }
.LBB2_2:
.Ltmp4:
0x81: {  	s18 =	sadd.f32 s16, s12;
	(pc) =	sbr.rel .LBB2_3-.Ltmp4, $3  }
0x82: {  	_ = 	snop  }
0x83: {  	s18 =	smul.f32 $5.000000000e-01, s18;
	_ =	sdelay $0x1  }
0x84: {  	s20 =	simm.s32 $0x0;
	v54 =	vimm.s32 $0x0;
	s22 =	simm.s32 $0x0;
	v53 =	vmov s18  }
.LBB2_6:
0x85: {  	vm0 =	vmand vm1, vm0  }
0x86: {  	v55 =	vmpcnt.ones.xlane vm0;
	_ =	sdelay $0x1  }
0x87: {  	v54 =	vadd.s32 v54, v55  }
.LBB2_7:
0x88: {  	s22 =	sadd.s32 $0x1, s22  }
0x89: {  	p1 =	sne.s32 s22, $0x8  }
.Ltmp5:
0x8a: {  	_ = 	snop;
	(pc) =	sbr.rel @!p1 .LBB2_8-.Ltmp5, $2  }
0x8b: {  	_ =	sdelay $0x2  }
0x8c: {  	s20 =	sadd.s32 $0xBC0, s20  }
.LBB2_3:
0x8d: {  	s24 =	sshll.u32 s22, $0x4  }
0x8e: {  	s24 =	sand.u32 $0x3FFFFFF0, s24  }
0x8f: {  	v55 =	vld [tilespmem:s24+$0x5E00];
	_ =	sdelay $0x4  }
0x90: {  	(v2sf) =	vpush v55, $0x0;
	_ =	sdelay $0xe  }
0x91: {  	s31 =	spop (v2sf)  }
0x92: {  	s24 =	sadd.s32 $0xF, s31  }
0x93: {  	s28 =	sand.u32 $0xF, s24  }
0x94: {  	p2 =	slt.s32 s24, $0x1;
	p1 =	sne.s32 s28, $0x0;
	s28 =	sshra.s32 s24, $0x1F  }
0x95: {  	s28 =	sshrl.u32 s28, $0x1C;
	p1 =	por !p2, !p1  }
0x96: {  	s24 =	sadd.s32 s28, s24;
	p1 =	por !p1, !p1;
	s28 =	simm.s32 $0x1  }
0x97: {  	s24 =	sshra.s32 s24, $0x4;
	s28 =	simm.s32 @!p1 $0x0  }
0x98: {  	s28 =	ssub.s32 s24, s28  }
0x99: {  	p1 =	slt.s32 s28, $0x1  }
.Ltmp6:
0x9a: {  	_ = 	snop;
	(pc) =	sbr.rel @p1 .LBB2_7-.Ltmp6, $1  }
0x9b: {  	_ =	sdelay $0x3  }
0x9c: {  	v56 =	vld [tilespmem:s20+$0x0];
	p1 =	sne.s32 s28, $0x1  }
.Ltmp7:
0x9d: {  	_ = 	snop;
	(pc) =	sbr.rel @!p1 .LBB2_6-.Ltmp7, $4  }
0x9e: {  	_ = 	snop  }
0x9f: {  	v55 =	vbroadcast v55, $0x0;
	s24 =	simm.s32 $0x0  }
0xa0: {  	v57 =	vor.u32 s24, v0  }
0xa1: {  	s28 =	sadd.s32 $0xFFFFFFFF, s28;
	s29 =	sadd.s32 $0x10, s20;
	vm1 =	vlt.s32 v57, v55;
	vm0 =	vgt.f32 v56, v53  }
.LBB2_5:
0xa2: {  	v56 =	vld [tilespmem:s29+$0x0];
	p1 =	sne.s32 s28, $0x1;
	s28 =	sadd.s32 $0xFFFFFFFF, s28;
	vm0 =	vmand vm1, vm0  }
.Ltmp8:
0xa3: {  	v57 =	vmpcnt.ones.xlane vm0;
	(pc) =	sbr.rel @p1 .LBB2_5-.Ltmp8, $4  }
0xa4: {  	_ = 	snop  }
0xa5: {  	s24 =	sadd.s32 $0x10, s24;
	v54 =	vadd.s32 v54, v57  }
0xa6: {  	v57 =	vor.u32 s24, v0  }
0xa7: {  	s29 =	sadd.s32 $0x10, s29;
	vm1 =	vlt.s32 v57, v55;
	vm0 =	vgt.f32 v56, v53  }
.Ltmp9:
0xa8: {  	_ = 	snop;
	(pc) =	sbr.rel .LBB2_6-.Ltmp9, $1  }
0xa9: {  	_ =	sdelay $0x3  }
.LBB2_9:
.Ltmp10:
0xaa: {  	(pc) =	sbr.rel .LBB2_10-.Ltmp10, $2  }
0xab: {  	_ =	sdelay $0x2  }
0xac: {  	v53 =	vmov s12;
	s14 =	simm.s32 $0x0  }
.LBB2_20:
0xad: {  	s0 =	sshll.u32 s14, $0x4;
	s14 =	sadd.s32 $0x1, s14  }
0xae: {  	p1 =	sne.s32 s14, $0x2F  }
.Ltmp11:
0xaf: {  	_ = 	snop;
	(pc) =	sbr.rel @!p1 .LBB2_21-.Ltmp11, $4  }
0xb0: {  	s16 =	sand.u32 $0xE00, s16  }
0xb1: {  	s0 =	sand.u32 $0x70, s0;
	s16 =	sshrl.u32 s16, $0x2  }
0xb2: {  	s0 =	sor.u32 s0, s16  }
0xb3: {  	[tilespmem:s0+$0x8E80] =	vst v54  }
.LBB2_10:
0xb4: {  	_ =	sdelay $0x1  }
0xb5: {  	s16 =	sshll.u32 s14, $0x6  }
0xb6: {  	s18 =	sor.u32 s6, s16  }
0xb7: {  	v54 =	vld.idx.msk [tilespmem:v52+s18+$0x0 ss:$0x1], $0xffff;
	_ =	sdelay $0x4  }
0xb8: {  	vm0 =	vgt.f32 v54, v53  }
0xb9: {  	v54 =	vsel vm0, $0x3F800000, v50  }
0xba: {  	(xrf0) =	vmax.scan.msk.f32 $0xffff, v54;
	_ =	sdelay $0x5  }
0xbb: {  	v54, _, _ =	vpop (xrf0)  }
0xbc: {  	(v2sf) =	vpush v54, $0xF;
	_ =	sdelay $0xe  }
0xbd: {  	s20 =	spop (v2sf)  }
0xbe: {  	p1 =	sgt.f32 s20, $0.0e+00  }
.Ltmp12:
0xbf: {  	_ = 	snop;
	(pc) =	sbr.rel @!p1 .LBB2_20-.Ltmp12, $4  }
.Ltmp13:
0xc0: {  	_ = 	snop;
	(pc) =	sbr.rel @p1 .LBB2_11-.Ltmp13, $4  }
0xc1: {  	_ = 	snop  }
0xc2: {  	_ = 	snop  }
0xc3: {  	s18 =	sadd.s32 s9, s18;
	v54 =	vmov v48;
	s20 =	simm.s32 $0x0  }
0xc4: {  	_ = 	snop  }
.LBB2_18:
0xc5: {  	v55 =	vxor.u32 $0x80000000, v56  }
0xc6: {  	(xrf0) =	vmax.scan.msk.u32 $0xffff, v55;
	_ =	sdelay $0x5  }
0xc7: {  	v55, _, _ =	vpop (xrf0)  }
0xc8: {  	(v2sf) =	vpush v55, $0xF;
	_ =	sdelay $0xe  }
0xc9: {  	s0 =	spop (v2sf)  }
0xca: {  	s0 =	sxor.u32 $0x80000000, s0  }
0xcb: {  	s22 =	smov.u32 s8;
	p1 =	slt.s32 s0, $0x3E8  }
0xcc: {  	s22 =	smov.u32 @p1 s0  }
0xcd: {  	v55 =	vmov s22  }
.LBB2_19:
0xce: {  	v56 =	vmov s20;
	s20 =	sadd.s32 $0x1, s20  }
0xcf: {  	p1 =	sne.s32 s20, $0x10  }
.Ltmp14:
0xd0: {  	_ = 	snop;
	(pc) =	sbr.rel @!p1 .LBB2_20-.Ltmp14, $3  }
0xd1: {  	_ =	sdelay $0x1  }
0xd2: {  	vm0 =	veq.s32 v56, v0  }
0xd3: {  	v54 =	vsel vm0, v55, v54  }
.LBB2_11:
0xd4: {  	s22 =	sor.u32 s18, s20  }
0xd5: {  	v56 =	vmov s22;
	_ =	sdelay $0x4  }
0xd6: {  	v57 =	vld.idx.msk [tilespmem:v56+s3+$0x0], $0xffff;
	_ =	sdelay $0x4  }
0xd7: {  	(v2sf) =	vpush v57, $0x0;
	_ =	sdelay $0xe  }
0xd8: {  	s31 =	spop (v2sf)  }
0xd9: {  	p1 =	sgt.f32 s31, s12  }
.Ltmp15:
0xda: {  	_ = 	snop;
	(pc) =	sbr.rel @!p1 .LBB2_19-.Ltmp15, $2  }
0xdb: {  	_ =	sdelay $0x2  }
0xdc: {  	v55 =	vmov v48  }
.Ltmp16:
0xdd: {  	(pc) =	sbr.rel .LBB2_13-.Ltmp16, $3  }
0xde: {  	_ =	sdelay $0x1  }
0xdf: {  	v55 =	vbroadcast v57, $0x0  }
0xe0: {  	v57 =	vadd.s32 v51, v56;
	v56 =	vimm.s32 $0x0;
	s22 =	simm.s32 $0x0;
	s24 =	simm.s32 $0x0;
	s28 =	simm.s32 $0x0  }
.LBB2_16:
0xe1: {  	v60 =	vor.u32 s29, v0;
	vm2 =	vgt.f32 v58, v55;
	vm0 =	vmand vm1, vm0  }
0xe2: {  	vm15 =	vlt.s32 v60, v59;
	vm0 =	vmor vm2, vm0  }
0xe3: {  	vm0 =	vmand vm15, vm0  }
0xe4: {  	v63 =	vmpcnt.ones.xlane vm0;
	_ =	sdelay $0x1  }
0xe5: {  	v56 =	vadd.s32 v56, v63  }
.LBB2_17:
0xe6: {  	s28 =	sadd.s32 $0x1, s28  }
0xe7: {  	p1 =	sne.s32 s28, $0x8  }
.Ltmp17:
0xe8: {  	_ = 	snop;
	(pc) =	sbr.rel @!p1 .LBB2_18-.Ltmp17, $2  }
0xe9: {  	_ =	sdelay $0x2  }
0xea: {  	s24 =	sadd.s32 $0xBC0, s24;
	s22 =	sadd.s32 $0xBC0, s22  }
.LBB2_13:
0xeb: {  	s29 =	sshll.u32 s28, $0x4  }
0xec: {  	s29 =	sand.u32 $0x3FFFFFF0, s29  }
0xed: {  	v59 =	vld [tilespmem:s29+$0x5E00];
	_ =	sdelay $0x4  }
0xee: {  	(v2sf) =	vpush v59, $0x0;
	_ =	sdelay $0xe  }
0xef: {  	s31 =	spop (v2sf)  }
0xf0: {  	s29 =	sadd.s32 $0xF, s31  }
0xf1: {  	s30 =	sand.u32 $0xF, s29  }
0xf2: {  	p2 =	slt.s32 s29, $0x1;
	p1 =	sne.s32 s30, $0x0;
	s30 =	sshra.s32 s29, $0x1F  }
0xf3: {  	s30 =	sshrl.u32 s30, $0x1C;
	p1 =	por !p2, !p1  }
0xf4: {  	s29 =	sadd.s32 s30, s29;
	p1 =	por !p1, !p1;
	s30 =	simm.s32 $0x1  }
0xf5: {  	s29 =	sshra.s32 s29, $0x4;
	s30 =	simm.s32 @!p1 $0x0  }
0xf6: {  	s30 =	ssub.s32 s29, s30  }
0xf7: {  	p1 =	slt.s32 s30, $0x1  }
.Ltmp18:
0xf8: {  	_ = 	snop;
	(pc) =	sbr.rel @p1 .LBB2_17-.Ltmp18, $1  }
0xf9: {  	_ =	sdelay $0x3  }
0xfa: {  	v58 =	vld [tilespmem:s24+$0x0];
	p1 =	sne.s32 s30, $0x1  }
.Ltmp19:
0xfb: {  	_ = 	snop;
	(pc) =	sbr.rel @!p1 .LBB2_16-.Ltmp19, $4  }
0xfc: {  	_ = 	snop  }
0xfd: {  	s29 =	sadd.s32 $0x0, s22  }
0xfe: {  	v60 =	vmov s29  }
0xff: {  	v59 =	vbroadcast v59, $0x0;
	s30 =	sadd.s32 $0xFFFFFFFF, s30;
	s31 =	sadd.s32 $0x10, s24;
	s29 =	simm.s32 $0x0;
	vm1 =	vlt.s32 v60, v57;
	vm0 =	veq.f32 v58, v55  }
.LBB2_15:
0x100: {  	p1 =	sne.s32 s30, $0x1;
	s30 =	sadd.s32 $0xFFFFFFFF, s30;
	v60 =	vor.u32 s29, v0;
	vm2 =	vgt.f32 v58, v55;
	v58 =	vld [tilespmem:s31+$0x0];
	vm0 =	vmand vm1, vm0  }
.Ltmp20:
0x101: {  	vm1 =	vlt.s32 v60, v59;
	vm0 =	vmor vm2, vm0;
	(pc) =	sbr.rel @p1 .LBB2_15-.Ltmp20, $4  }
0x102: {  	s29 =	sadd.s32 $0x10, s29;
	vm0 =	vmand vm1, vm0  }
0x103: {  	s0 =	sadd.s32 s29, s22;
	v60 =	vmpcnt.ones.xlane vm0  }
0x104: {  	v61 =	vmov s0  }
0x105: {  	s31 =	sadd.s32 $0x10, s31;
	vm1 =	vlt.s32 v61, v57;
	vm0 =	veq.f32 v58, v55;
	v56 =	vadd.s32 v56, v60  }
.Ltmp21:
0x106: {  	_ = 	snop;
	(pc) =	sbr.rel .LBB2_16-.Ltmp21, $1  }
0x107: {  	_ =	sdelay $0x3  }
.LBB2_21:
0x108: {  	[tilespmem:$0x9170] =	vst v48;
	s0 =	simm.s32 $0x8E80  }
0x109: {  	[hbm4b:s5+s13] =	stream.indirect.scatter [tilespmem:s15], [sflag:$0x1], $0x10, s0, s13, $0xb8;
	[tilespmem:$0xD480] =	vst v63  }
0x10a: {  	s28 =	simm.s32 $0x8F00  }
0x10b: {  	[hbm4b:s5+s13] =	stream.indirect.scatter [tilespmem:s17], [sflag:$0x1], $0x10, s28, s13, $0xb8;
	[tilespmem:$0xD480] =	vst v63  }
0x10c: {  	s29 =	simm.s32 $0x8F80  }
0x10d: {  	[hbm4b:s5+s13] =	stream.indirect.scatter [tilespmem:s19], [sflag:$0x1], $0x10, s29, s13, $0xb8;
	[tilespmem:$0xD480] =	vst v63  }
0x10e: {  	s30 =	simm.s32 $0x9000  }
0x10f: {  	[hbm4b:s5+s13] =	stream.indirect.scatter [tilespmem:s21], [sflag:$0x1], $0x10, s30, s13, $0xb8;
	[tilespmem:$0xD480] =	vst v63  }
0x110: {  	s31 =	simm.s32 $0x9080  }
0x111: {  	[hbm4b:s5+s13] =	stream.indirect.scatter [tilespmem:s23], [sflag:$0x1], $0x10, s31, s13, $0xb8;
	[tilespmem:$0xD480] =	vst v63  }
0x112: {  	_ = 	snop  }
0x113: {  	[hbm4b:s5+s13] =	stream.indirect.scatter [tilespmem:s25], [sflag:$0x1], $0x10, s1, s13, $0xb8;
	[tilespmem:$0xD480] =	vst v63  }
0x114: {  	_ =	swait.ge [sflag:s26], $0x800  }
0x115: {  	[sflag:s26] =	ssyncset.done $0x0  }
0x116: {  	[sflag:s26] =	ssyncadd.s32 $0xFFFFF800  }
0x117: {  	_ =	swait.ge [sflag:s26], $0x800  }
0x118: {  	[sflag:s26] =	ssyncset.done $0x0  }
0x119: {  	[sflag:s26] =	ssyncadd.s32 $0xFFFFF800  }
0x11a: {  	_ =	swait.ge [sflag:s26], $0x800  }
0x11b: {  	[sflag:s26] =	ssyncset.done $0x0  }
0x11c: {  	[sflag:s26] =	ssyncadd.s32 $0xFFFFF800  }
0x11d: {  	_ =	swait.ge [sflag:s26], $0x800  }
0x11e: {  	[sflag:s26] =	ssyncset.done $0x0  }
0x11f: {  	[sflag:s26] =	ssyncadd.s32 $0xFFFFF800  }
0x120: {  	_ =	swait.ge [sflag:s26], $0x800  }
0x121: {  	[sflag:s26] =	ssyncset.done $0x0  }
0x122: {  	[sflag:s26] =	ssyncadd.s32 $0xFFFFF800  }
0x123: {  	_ =	swait.ge [sflag:s26], $0x800  }
0x124: {  	[sflag:s26] =	ssyncset.done $0x0  }
0x125: {  	[sflag:s26] =	ssyncadd.s32 $0xFFFFF800  }
0x126: {  	v53 =	vld @!p0 [tilespmem:$0x5E00]  }
0x127: {  	v54 =	vld @!p0 [tilespmem:$0x5E10]  }
0x128: {  	v55 =	vld @!p0 [tilespmem:$0x5E20]  }
0x129: {  	v56 =	vld @!p0 [tilespmem:$0x5E30]  }
0x12a: {  	v57 =	vld @!p0 [tilespmem:$0x5E40]  }
0x12b: {  	(v2sf) =	vpush @!p0 v53, $0x0;
	v53 =	vld @!p0 [tilespmem:$0x5E50]  }
0x12c: {  	(v2sf) =	vpush @!p0 v54, $0x0;
	v54 =	vld @!p0 [tilespmem:$0x5E60]  }
0x12d: {  	(v2sf) =	vpush @!p0 v55, $0x0;
	v55 =	vld @!p0 [tilespmem:$0x5E70]  }
0x12e: {  	(v2sf) =	vpush @!p0 v56, $0x0  }
0x12f: {  	(v2sf) =	vpush @!p0 v57, $0x0  }
0x130: {  	(v2sf) =	vpush @!p0 v53, $0x0  }
0x131: {  	(v2sf) =	vpush @!p0 v54, $0x0  }
0x132: {  	(v2sf) =	vpush @!p0 v55, $0x0;
	_ =	sdelay $0x7  }
0x133: {  	s0 =	spop @!p0 (v2sf)  }
0x134: {  	s12 =	spop @!p0 (v2sf)  }
0x135: {  	s0 =	sadd.s32 @!p0 s0, s12;
	s12 =	spop @!p0 (v2sf)  }
0x136: {  	s0 =	sadd.s32 @!p0 s12, s0;
	s12 =	spop @!p0 (v2sf)  }
0x137: {  	s0 =	sadd.s32 @!p0 s12, s0;
	s12 =	spop @!p0 (v2sf)  }
0x138: {  	s0 =	sadd.s32 @!p0 s12, s0;
	s12 =	spop @!p0 (v2sf)  }
0x139: {  	s0 =	sadd.s32 @!p0 s12, s0;
	s12 =	spop @!p0 (v2sf)  }
0x13a: {  	s0 =	sadd.s32 @!p0 s12, s0;
	s12 =	spop @!p0 (v2sf)  }
0x13b: {  	s12 =	sadd.s32 @!p0 s12, s0  }
0x13c: {  	p1 =	sgt.s32 @!p0 s12, $0x3E7  }
0x13d: {  	p1 =	por p0, p1  }
.Ltmp22:
0x13e: {  	_ = 	snop;
	(pc) =	sbr.rel @p1 .LBB2_25-.Ltmp22, $1  }
0x13f: {  	_ =	sdelay $0x3  }
0x140: {  	s14 =	simm.s32 $0x40;
	s16 =	simm.s32 $0x0  }
.LBB2_23:
0x141: {  	p1 =	sne.s32 s14, $0xFFC0;
	[tilespmem:s16+$0x9480] =	vst v50;
	s0 =	smov.u32 s14;
	s14 =	sadd.s32 $0x40, s14  }
.Ltmp23:
0x142: {  	(pc) =	sbr.rel @p1 .LBB2_23-.Ltmp23, $2  }
0x143: {  	_ =	sdelay $0x2  }
0x144: {  	s16 =	sshra.s32 s0, $0x2  }
0x145: {  	s0 =	sshll.u32 s12, $0x1  }
0x146: {  	s0 =	sand.u32 $0x1FFFFFFE, s0  }
.Ltmp24:
0x147: {  	[tilespmem:s16+$0x9480] =	vst v50;
	s31 =	simm.s32 $0x9480;
	s0 =	sadd.s32 s5, s0;
	(pc) =	sbr.rel .LBB2_25-.Ltmp24, $4  }
0x148: {  	[hbm4b:s0+s3] =	stream.linear.scatter [tilespmem:s31], [sflag:$0x2], $0x4000, $0x38;
	[tilespmem:$0xD480] =	vst v63  }
0x149: {  	_ =	swait.ge [sflag:s11], $0x4000  }
0x14a: {  	[sflag:s11] =	ssyncset.done $0x0  }
0x14b: {  	[sflag:s11] =	ssyncadd.s32 $0xFFFFC000  }
.LBB2_26:
0x14c: {  	_ =	sfence.sel $0x180000  }
0x14d: {  	[bflag:$0x0] =	sbarrier.arrive $0xFFFF  }
0x14e: {  	_ =	strace $0x9000004A  }
0x14f: {  	s0 =	stileid.u32;
	[bflag:$0x2] =	sbarrier.arrive $0xFFFF  }
0x150: {  	p0 =	sne.s32 s0, $0x0;
	s0 =	rddreg [dreg:$0x2]  }
0x151: {  	s0 =	sadd.s32 @!p0 $0x100000, s0  }
0x152: {  	[sflag:s0] =	ssyncadd.tile.s32 @!p0 $0x1;
	_ =	shalt  }
.Lfunc_end2:
_tile_overlayer_lowered:
.L_overlay_start_2:
0x153: {  	(tag) =	ssettag $0x2  }
0x154: {  	s0 =	rddreg [dreg:$0x0];
	s2 =	stileid.u32  }
0x155: {  	s1 =	rddreg [dreg:$0x1];
	p0 =	sne.s32 s2, $0x0  }
0x156: {  	s3 =	rddreg [dreg:$0x2];
	[bflag:$0x3] =	sbarrier.arrive $0xFFFF;
	s2 =	simm.s32 @!p0 $0x1C02  }
0x157: {  	[timem:s3], [sflag:s2] =	dma.local @!p0 [hbm:s0], s1  }
0x158: {  	s0 =	simm.s32 @!p0 $0x2  }
0x159: {  	_ =	swait.ge @!p0 [sflag:s0], s1  }
0x15a: {  	s1 =	ssub.s32 @!p0 $0x0, s1;
	[sflag:s0] =	ssyncset.done @!p0 $0x0  }
0x15b: {  	[sflag:s0] =	ssyncadd.s32 @!p0 s1  }
0x15c: {  	[bflag:$0x3] =	sbarrier.arrive $0xFFFF  }
0x15d: {  	_ =	shalt  }

</sc_bundles>
